<compile_context>
chip_gen: v7x
topology: tpu7x:2x2x1
jax: 0.10.2.dev20260603
libtpu: 0.0.44.dev20260713+nightly
codegen_flags: <defaults>
</compile_context>

<pallas_src>
import jax
import jax.numpy as jnp
from jax import lax
from jax.experimental import pallas as pl
from jax.experimental.pallas import tpu as pltpu
from jax.experimental.pallas import tpu_sc as plsc

N = 100000
B = 4096
K = 16
D = 128
DE = 16
DT = 100
H = 2
DH = D // H
E = B + B * K

_NC = 2
_NS = 16
_NW = _NC * _NS
_CH = 128
_PER_W = E // _NW
_NCHUNK = _PER_W // _CH


def _sc_gather_mn_body(nodes, mem, nfeat, o_mem, o_nfeat,
                       idx_all, mem_v, nfeat_v, sem):
    cid = lax.axis_index("c")
    sid = lax.axis_index("s")
    wid = sid * _NC + cid
    base = wid * _PER_W
    pltpu.sync_copy(nodes.at[pl.ds(base, _PER_W)], idx_all)

    def chunk(c, carry):
        off = base + c * _CH
        idx = idx_all.at[pl.ds(c * _CH, _CH)]
        cp1 = pltpu.async_copy(mem.at[idx], mem_v, sem)
        cp2 = pltpu.async_copy(nfeat.at[idx], nfeat_v, sem)
        cp1.wait()
        cp2.wait()
        pltpu.sync_copy(mem_v, o_mem.at[pl.ds(off, _CH)])
        pltpu.sync_copy(nfeat_v, o_nfeat.at[pl.ds(off, _CH)])
        return carry

    lax.fori_loop(0, _NCHUNK, chunk, 0)


def _sc_gather_mb_body(nodes, mbox, o_mbox, idx_all, mbox_v, sem):
    cid = lax.axis_index("c")
    sid = lax.axis_index("s")
    wid = sid * _NC + cid
    base = wid * _PER_W
    pltpu.sync_copy(nodes.at[pl.ds(base, _PER_W)], idx_all)

    def chunk(c, carry):
        off = base + c * _CH
        idx = idx_all.at[pl.ds(c * _CH, _CH)]
        pltpu.async_copy(mbox.at[idx, pl.ds(0, 2 * D)], mbox_v, sem).wait()
        pltpu.sync_copy(mbox_v, o_mbox.at[pl.ds(off, _CH)])
        return carry

    lax.fori_loop(0, _NCHUNK, chunk, 0)


def _sc_gather_ax_body(nodes, aux, o_aux, idx_all, aux_v, sem):
    cid = lax.axis_index("c")
    sid = lax.axis_index("s")
    wid = sid * _NC + cid
    base = wid * _PER_W
    pltpu.sync_copy(nodes.at[pl.ds(base, _PER_W)], idx_all)

    def chunk(c, carry):
        off = base + c * _CH
        idx = idx_all.at[pl.ds(c * _CH, _CH)]
        pltpu.async_copy(aux.at[idx], aux_v, sem).wait()
        pltpu.sync_copy(aux_v, o_aux.at[pl.ds(off, _CH)])
        return carry

    lax.fori_loop(0, _NCHUNK, chunk, 0)


def _sc_mesh():
    return plsc.VectorSubcoreMesh(core_axis_name="c", subcore_axis_name="s",
                                  num_cores=_NC)


def _gather_mn(nodes, mem, nfeat):
    f32 = jnp.float32
    run = pl.kernel(
        _sc_gather_mn_body,
        mesh=_sc_mesh(),
        out_type=[
            jax.ShapeDtypeStruct((E, D), f32),
            jax.ShapeDtypeStruct((E, D), f32),
        ],
        scratch_types=[
            pltpu.VMEM((_PER_W,), jnp.int32),
            pltpu.VMEM((_CH, D), f32),
            pltpu.VMEM((_CH, D), f32),
            pltpu.SemaphoreType.DMA,
        ],
    )
    return run(nodes, mem, nfeat)


def _gather_mb(nodes, mailbox):
    run = pl.kernel(
        _sc_gather_mb_body,
        mesh=_sc_mesh(),
        out_type=jax.ShapeDtypeStruct((E, 2 * D), jnp.float32),
        scratch_types=[
            pltpu.VMEM((_PER_W,), jnp.int32),
            pltpu.VMEM((_CH, 2 * D), jnp.float32),
            pltpu.SemaphoreType.DMA,
        ],
    )
    return run(nodes, mailbox)


def _gather_ax(nodes, aux):
    run = pl.kernel(
        _sc_gather_ax_body,
        mesh=_sc_mesh(),
        out_type=jax.ShapeDtypeStruct((E, D), jnp.float32),
        scratch_types=[
            pltpu.VMEM((_PER_W,), jnp.int32),
            pltpu.VMEM((_CH, D), jnp.float32),
            pltpu.SemaphoreType.DMA,
        ],
    )
    return run(nodes, aux)


_RAUX = 2000


def _aux_body(tail_ref, mt_ref, met_ref, aux_ref):
    R = _RAUX
    delta_row = (mt_ref[...] - met_ref[...]).reshape(1, R)
    delta_col = delta_row.T
    aux_ref[...] = jnp.concatenate(
        [tail_ref[:, :DE], delta_col, jnp.zeros((R, D - DE - 1), jnp.float32)],
        axis=1)


def _aux_build(mailbox, mail_time, mem_time):
    grid = (N // _RAUX,)
    return pl.pallas_call(
        _aux_body,
        grid=grid,
        in_specs=[
            pl.BlockSpec((_RAUX, D), lambda i: (i, 2)),
            pl.BlockSpec((1, 1, _RAUX), lambda i: (i, 0, 0)),
            pl.BlockSpec((1, 1, _RAUX), lambda i: (i, 0, 0)),
        ],
        out_specs=pl.BlockSpec((_RAUX, D), lambda i: (i, 0)),
        out_shape=jax.ShapeDtypeStruct((N, D), jnp.float32),
    )(mailbox, mail_time.reshape(N // _RAUX, 1, _RAUX),
      mem_time.reshape(N // _RAUX, 1, _RAUX))


def _gru_body(mlo_ref, mhi_ref, aux_ref, mem_ref, nfeat_ref,
              wt_ref, bt_ref, wx_ref, bih_ref, whh_ref, bhh_ref, ht_ref):
    f32 = jnp.float32
    bf = jnp.bfloat16
    delta = aux_ref[:, DE:DE + 1]
    te = jnp.cos(delta * wt_ref[...] + bt_ref[...])
    x = jnp.concatenate(
        [mlo_ref[...].astype(bf), mhi_ref[...].astype(bf),
         aux_ref[...].astype(bf), te.astype(bf)], axis=1)
    gx = jnp.dot(x, wx_ref[...], preferred_element_type=f32) + bih_ref[...]
    h_prev = mem_ref[...]
    gh = (jnp.dot(h_prev.astype(bf), whh_ref[...], preferred_element_type=f32)
          + bhh_ref[...])
    r = jax.nn.sigmoid(gx[:, :D] + gh[:, :D])
    z = jax.nn.sigmoid(gx[:, D:2 * D] + gh[:, D:2 * D])
    n = jnp.tanh(gx[:, 2 * D:] + r * gh[:, 2 * D:])
    new_mem = (1.0 - z) * n + z * h_prev
    ht_ref[...] = (nfeat_ref[...] + new_mem).T.astype(bf)


def _gru(mem_g, mbox_g, nfeat_g, aux_g, w_t, b_t, W_ih, b_ih, W_hh, b_hh):
    R = 1024
    grid = (E // R,)
    bf = jnp.bfloat16
    W_ihT = W_ih.T
    W_aux = jnp.zeros((D, 3 * D), jnp.float32).at[:DE].set(W_ihT[2 * D:2 * D + DE])
    full = lambda i: (0, 0)
    return pl.pallas_call(
        _gru_body,
        grid=grid,
        in_specs=[
            pl.BlockSpec((R, D), lambda i: (i, 0)),
            pl.BlockSpec((R, D), lambda i: (i, 1)),
            pl.BlockSpec((R, D), lambda i: (i, 0)),
            pl.BlockSpec((R, D), lambda i: (i, 0)),
            pl.BlockSpec((R, D), lambda i: (i, 0)),
            pl.BlockSpec((1, DT), full),
            pl.BlockSpec((1, DT), full),
            pl.BlockSpec((2 * D + D + DT, 3 * D), full),
            pl.BlockSpec((1, 3 * D), full),
            pl.BlockSpec((D, 3 * D), full),
            pl.BlockSpec((1, 3 * D), full),
        ],
        out_specs=pl.BlockSpec((D, R), lambda i: (0, i)),
        out_shape=jax.ShapeDtypeStruct((D, E), jnp.bfloat16),
    )(mbox_g, mbox_g, aux_g, mem_g, nfeat_g,
      w_t.reshape(1, DT), b_t.reshape(1, DT),
      jnp.concatenate([W_ihT[:2 * D], W_aux, W_ihT[2 * D + DE:]],
                      axis=0).astype(bf),
      b_ih.reshape(1, 3 * D), W_hh.T.astype(bf), b_hh.reshape(1, 3 * D))


_RA = 256


def _attn_body(dshT_ref, srhT_ref, dstt_ref, nbrT_ref, ef_ref,
               wt_ref, bt_ref, wqh_ref, wqt_ref,
               wkh_ref, wke_ref, wkt_ref, wvh_ref, wve_ref, wvt_ref,
               woh_ref, wo1_ref, wo2_ref, bo_ref, embT_ref):
    R = _RA
    f32 = jnp.float32
    bf = jnp.bfloat16
    wt = wt_ref[...]
    bt = bt_ref[...]
    dshT = dshT_ref[...]
    tzT = jnp.cos(bt)
    qT = (jnp.dot(wqh_ref[...], dshT, preferred_element_type=f32)
          + jnp.dot(wqt_ref[...], tzT.astype(bf), preferred_element_type=f32))
    srhT = srhT_ref[...]
    kkh = jnp.dot(wkh_ref[...], srhT, preferred_element_type=f32)
    vvh = jnp.dot(wvh_ref[...], srhT, preferred_element_type=f32)
    ef2 = ef_ref[...]
    dtT = dstt_ref[...] - nbrT_ref[...]
    a1, a2, vs = [], [], []
    for k in range(K):
        teT = jnp.cos(wt * dtT[k:k + 1, :] + bt)
        ef_k = ef2[:, k * DE:(k + 1) * DE].T.astype(bf)
        kkT = (kkh[:, k * R:(k + 1) * R]
               + jnp.dot(wke_ref[...], ef_k, preferred_element_type=f32)
               + jnp.dot(wkt_ref[...], teT.astype(bf), preferred_element_type=f32))
        vvT = (vvh[:, k * R:(k + 1) * R]
               + jnp.dot(wve_ref[...], ef_k, preferred_element_type=f32)
               + jnp.dot(wvt_ref[...], teT.astype(bf), preferred_element_type=f32))
        p = qT * kkT
        a1.append(jnp.sum(p[:DH], axis=0, keepdims=True))
        a2.append(jnp.sum(p[DH:], axis=0, keepdims=True))
        vs.append(vvT)
    scale = 1.0 / (DH ** 0.5)
    A1 = jnp.concatenate(a1, axis=0) * scale
    A2 = jnp.concatenate(a2, axis=0) * scale
    A1 = jnp.exp(A1 - jnp.max(A1, axis=0, keepdims=True))
    A2 = jnp.exp(A2 - jnp.max(A2, axis=0, keepdims=True))
    A1 = A1 / jnp.sum(A1, axis=0, keepdims=True)
    A2 = A2 / jnp.sum(A2, axis=0, keepdims=True)
    o1 = jnp.zeros((DH, R), f32)
    o2 = jnp.zeros((DH, R), f32)
    for k in range(K):
        o1 = o1 + A1[k:k + 1, :] * vs[k][:DH]
        o2 = o2 + A2[k:k + 1, :] * vs[k][DH:]
    embT = (jnp.dot(woh_ref[...], dshT, preferred_element_type=f32)
            + jnp.dot(wo1_ref[...], o1.astype(bf), preferred_element_type=f32)
            + jnp.dot(wo2_ref[...], o2.astype(bf), preferred_element_type=f32)
            + bo_ref[...])
    embT_ref[...] = jnp.maximum(embT, 0.0)


def _attn(hT, dstt2, nbrT, ef2, w_t, b_t, Wq, Wk, Wv, Wo, bo):
    grid = (B // _RA,)
    bf = jnp.bfloat16
    full = lambda i: (0, 0)
    return pl.pallas_call(
        _attn_body,
        grid=grid,
        in_specs=[
            pl.BlockSpec((D, _RA), lambda i: (0, i)),
            pl.BlockSpec((D, _RA * K), lambda i: (0, i + 1)),
            pl.BlockSpec((1, _RA), lambda i: (0, i)),
            pl.BlockSpec((K, _RA), lambda i: (0, i)),
            pl.BlockSpec((_RA, K * DE), lambda i: (i, 0)),
            pl.BlockSpec((DT, 1), full),
            pl.BlockSpec((DT, 1), full),
            pl.BlockSpec((D, D), full),
            pl.BlockSpec((D, DT), full),
            pl.BlockSpec((D, D), full),
            pl.BlockSpec((D, DE), full),
            pl.BlockSpec((D, DT), full),
            pl.BlockSpec((D, D), full),
            pl.BlockSpec((D, DE), full),
            pl.BlockSpec((D, DT), full),
            pl.BlockSpec((D, D), full),
            pl.BlockSpec((D, DH), full),
            pl.BlockSpec((D, DH), full),
            pl.BlockSpec((D, 1), full),
        ],
        out_specs=pl.BlockSpec((D, _RA), lambda i: (0, i)),
        out_shape=jax.ShapeDtypeStruct((D, B), jnp.float32),
    )(hT, hT, dstt2, nbrT, ef2,
      w_t.reshape(DT, 1), b_t.reshape(DT, 1),
      Wq[:D].T.astype(bf), Wq[D:].T.astype(bf),
      Wk[:D].T.astype(bf), Wk[D:D + DE].T.astype(bf), Wk[D + DE:].T.astype(bf),
      Wv[:D].T.astype(bf), Wv[D:D + DE].T.astype(bf), Wv[D + DE:].T.astype(bf),
      Wo[:D].T.astype(bf), Wo[D:D + DH].T.astype(bf), Wo[D + DH:].T.astype(bf),
      bo.reshape(D, 1))


def _pred_body(srcT_ref, dstT_ref, ws_ref, bs_ref, wd_ref, bd_ref, wo_ref, bo_ref,
               out_ref):
    f32 = jnp.float32
    bf = jnp.bfloat16
    hid = (jnp.dot(ws_ref[...], srcT_ref[...].astype(bf), preferred_element_type=f32)
           + jnp.dot(wd_ref[...], dstT_ref[...].astype(bf), preferred_element_type=f32)
           + bs_ref[...] + bd_ref[...])
    hid = jnp.maximum(hid, 0.0)
    out_ref[...] = (jnp.dot(wo_ref[...], hid.astype(bf), preferred_element_type=f32)
                    + bo_ref[...])


def _pred(embT, W_src, b_src, W_dst, b_dst, W_out, b_out):
    Bh = B // 2
    woT = jnp.zeros((8, D), jnp.float32).at[0:1].set(W_out.T)
    return pl.pallas_call(
        _pred_body,
        grid=(1,),
        in_specs=[
            pl.BlockSpec((D, Bh), lambda i: (0, 0)),
            pl.BlockSpec((D, Bh), lambda i: (0, 1)),
            pl.BlockSpec((D, D), lambda i: (0, 0)),
            pl.BlockSpec((D, 1), lambda i: (0, 0)),
            pl.BlockSpec((D, D), lambda i: (0, 0)),
            pl.BlockSpec((D, 1), lambda i: (0, 0)),
            pl.BlockSpec((8, D), lambda i: (0, 0)),
            pl.BlockSpec((1, 1), lambda i: (0, 0)),
        ],
        out_specs=pl.BlockSpec((8, Bh), lambda i: (0, 0)),
        out_shape=jax.ShapeDtypeStruct((8, Bh), jnp.float32),
    )(embT, embT, W_src.T.astype(jnp.bfloat16), b_src.reshape(D, 1),
      W_dst.T.astype(jnp.bfloat16), b_dst.reshape(D, 1),
      woT.astype(jnp.bfloat16), b_out.reshape(1, 1))


def kernel(dst_ids, src_ids, dst_times, nbr_times, efeat, mem, mem_time,
           mailbox, mail_time, nfeat, w_t, b_t, W_ih, b_ih, W_hh, b_hh,
           Wq, Wk, Wv, Wo, bo, W_src, b_src, W_dst, b_dst, W_out, b_out):
    nb = B // _RA
    src_km = src_ids.reshape(nb, _RA, K).transpose(0, 2, 1).reshape(-1)
    nodes = jnp.concatenate([dst_ids, src_km], axis=0).astype(jnp.int32)
    nbrT = nbr_times.reshape(B, K).T
    ef2 = efeat.reshape(B, K * DE)
    dstt2 = dst_times.reshape(1, B)
    aux = _aux_build(mailbox, mail_time, mem_time)
    mem_g, nfeat_g = _gather_mn(nodes, mem, nfeat)
    nodes_mb, _o1 = lax.optimization_barrier((nodes, mem_g[0, :8]))
    mbox_g = _gather_mb(nodes_mb, mailbox)
    nodes_ax, _o2 = lax.optimization_barrier((nodes, mbox_g[0, :8]))
    aux_g = _gather_ax(nodes_ax, aux)
    hT = _gru(mem_g, mbox_g, nfeat_g, aux_g, w_t, b_t, W_ih, b_ih, W_hh, b_hh)
    embT = _attn(hT, dstt2, nbrT, ef2, w_t, b_t, Wq, Wk, Wv, Wo, bo)
    scoreT = _pred(embT, W_src, b_src, W_dst, b_dst, W_out, b_out)
    return scoreT[0:1, :].reshape(B // 2, 1)

# --- scband reference (transcript-rebuilt; emitter-appended) ---
"""Pipeline reference for scband-tgn-50251117363834 (READ-ONLY COPY).

The authoritative reference and input builder live on the scoring server;
editing this copy changes nothing except your own understanding.
"""

import jax, jax.numpy as jnp
import numpy as np

N = 100000
B = 4096
K = 16
D = 128
DE = 16
DT = 100
H = 2


def setup_inputs(seed: int = 0) -> dict:
    key = jax.random.key(seed)
    k = lambda i: jax.random.fold_in(key, i)
    inp = {}
    inp['dst_ids'] = jax.random.randint(k(0), (B,), 0, N)
    inp['src_ids'] = jax.random.randint(k(1), (B * K,), 0, N)
    inp['dst_times'] = jax.random.uniform(k(2), (B,)) * 1000.0
    inp['nbr_times'] = jax.random.uniform(k(3), (B * K,)) * 1000.0
    inp['efeat'] = jax.random.normal(k(4), (B * K, DE))
    inp['mem'] = jax.random.normal(k(5), (N, D)) * 0.1
    inp['mem_time'] = jax.random.uniform(k(6), (N,)) * 1000.0
    inp['mailbox'] = jax.random.normal(k(7), (N, 2 * D + DE)) * 0.1
    inp['mail_time'] = jax.random.uniform(k(8), (N,)) * 1000.0
    inp['nfeat'] = jax.random.normal(k(9), (N, D)) * 0.1
    inp['w_t'] = jax.random.normal(k(10), (DT,)) * 0.1
    inp['b_t'] = jax.random.normal(k(11), (DT,)) * 0.1
    gin = 2 * D + DE + DT
    inp['W_ih'] = jax.random.normal(k(12), (3 * D, gin)) * 0.05
    inp['b_ih'] = jnp.zeros((3 * D,))
    inp['W_hh'] = jax.random.normal(k(13), (3 * D, D)) * 0.05
    inp['b_hh'] = jnp.zeros((3 * D,))
    inp['Wq'] = jax.random.normal(k(14), (D + DT, D)) * 0.05
    inp['Wk'] = jax.random.normal(k(15), (D + DE + DT, D)) * 0.05
    inp['Wv'] = jax.random.normal(k(16), (D + DE + DT, D)) * 0.05
    inp['Wo'] = jax.random.normal(k(17), (2 * D, D)) * 0.05
    inp['bo'] = jnp.zeros((D,))
    inp['W_src'] = jax.random.normal(k(18), (D, D)) * 0.05
    inp['b_src'] = jnp.zeros((D,))
    inp['W_dst'] = jax.random.normal(k(19), (D, D)) * 0.05
    inp['b_dst'] = jnp.zeros((D,))
    inp['W_out'] = jax.random.normal(k(20), (D, 1)) * 0.05
    inp['b_out'] = jnp.zeros((1,))
    return inp


def _tgn_forward(dst_ids, src_ids, dst_times, nbr_times, efeat, mem, mem_time, mailbox, mail_time, nfeat, w_t, b_t, W_ih, b_ih, W_hh, b_hh, Wq, Wk, Wv, Wo, bo, W_src, b_src, W_dst, b_dst, W_out, b_out):
    # --- update_memory: time-encode staleness, concat with raw mail, GRUCell ---
    nodes = jnp.concatenate([dst_ids, src_ids], axis=0)
    delta = jnp.take(mail_time, nodes) - jnp.take(mem_time, nodes)
    te_mem = jnp.cos(delta[:, None] * w_t[None, :] + b_t[None, :])
    mail = jnp.concatenate([jnp.take(mailbox, nodes, axis=0), te_mem], axis=1)
    h_prev = jnp.take(mem, nodes, axis=0)
    gx = mail @ W_ih.T + b_ih
    gh = h_prev @ W_hh.T + b_hh
    xr, xz, xn = jnp.split(gx, 3, axis=1)
    hr, hz, hn = jnp.split(gh, 3, axis=1)
    r = jax.nn.sigmoid(xr + hr)
    z = jax.nn.sigmoid(xz + hz)
    n = jnp.tanh(xn + r * hn)
    new_mem = (1.0 - z) * n + z * h_prev
    # --- h = nfeat + mem (dim_node == dim_embed so nfeat_map is None) ---
    h = jnp.take(nfeat, nodes, axis=0) + new_mem
    dst_h = h[:B]
    src_h = h[B:].reshape(B, K, D)
    # --- temporal attention layer over sampled neighbors ---
    dt_edge = dst_times[:, None] - nbr_times.reshape(B, K)
    te_edge = jnp.cos(dt_edge[..., None] * w_t + b_t)
    te_zero = jnp.broadcast_to(jnp.cos(b_t)[None, :], (B, DT))
    q_in = jnp.concatenate([dst_h, te_zero], axis=1)
    Q = (q_in @ Wq).reshape(B, H, D // H)
    kv_in = jnp.concatenate([src_h, efeat.reshape(B, K, DE), te_edge], axis=-1)
    Km = (kv_in @ Wk).reshape(B, K, H, D // H)
    V = (kv_in @ Wv).reshape(B, K, H, D // H)
    att = jnp.einsum('bhd,bkhd->bhk', Q, Km) / jnp.sqrt(jnp.float32(D // H))
    att = jax.nn.softmax(att, axis=-1)
    out = jnp.einsum('bhk,bkhd->bhd', att, V).reshape(B, D)
    embed = jax.nn.relu(jnp.concatenate([dst_h, out], axis=1) @ Wo + bo)
    # --- edge predictor on (src_event, dst_event) embedding pairs ---
    src_e = embed[: B // 2]
    dst_e = embed[B // 2:]
    hidden = jax.nn.relu(src_e @ W_src + b_src + dst_e @ W_dst + b_dst)
    score = hidden @ W_out + b_out
    return score


def reference(dst_ids, src_ids, dst_times, nbr_times, efeat, mem, mem_time, mailbox, mail_time, nfeat, w_t, b_t, W_ih, b_ih, W_hh, b_hh, Wq, Wk, Wv, Wo, bo, W_src, b_src, W_dst, b_dst, W_out, b_out):
    return _tgn_forward(
        dst_ids, src_ids, dst_times, nbr_times, efeat,
        mem, mem_time, mailbox, mail_time, nfeat,
        w_t, b_t, W_ih, b_ih, W_hh, b_hh,
        Wq, Wk, Wv, Wo, bo,
        W_src, b_src, W_dst, b_dst, W_out, b_out)

if __name__ == "__main__":
    import jax
    _d = setup_inputs()
    print(jax.jit(kernel)(*tuple(_d.values())))

</pallas_src>

<mosaic_0001>
#map = affine_map<(d0, d1) -> (0)>
#map1 = affine_map<(d0, d1) -> (0, 0)>
module attributes {stable_mosaic.version = 14 : i64} {
  func.func @_sc_gather_mb_body(%arg0: i32, %arg1: i32, %arg2: memref<69632xi32, #tpu.memory_space<hbm>>, %arg3: memref<100000x272xf32, #tpu.memory_space<hbm>>, %arg4: memref<69632x256xf32, #tpu.memory_space<hbm>>, %arg5: memref<2176xi32, #tpu.memory_space<vmem>>, %arg6: memref<128x256xf32, #tpu.memory_space<vmem>>, %arg7: memref<!tpu.dma_semaphore, #tpu.memory_space<semaphore_mem>>) attributes {dimension_semantics = [#tpu.dimension_semantics<core_parallel>, #tpu.dimension_semantics<subcore_parallel>], iteration_bounds = array<i64: 2, 16>, scalar_prefetch = 0 : i64, scratch_operands = 3 : i64, tpu.core_type = #tpu.core_type<sc_vector_subcore>, window_params = [{transform_indices = #map}, {transform_indices = #map1}, {transform_indices = #map1}]} {
    %mul3A = arith.constant 2 : i32
    %mul3A_0 = arith.muli %arg1, %mul3A : i32
    %add3A = arith.addi %mul3A_0, %arg0 : i32
    %mul3A_1 = arith.constant 2176 : i32
    %mul3A_2 = arith.muli %add3A, %mul3A_1 : i32
    "tpu.region"() ({
      %run_scoped3A = tpu.sem_alloc : memref<!tpu.dma_semaphore, #tpu.memory_space<semaphore_mem>>
      %dma_start3A = tpu.memref_slice %arg2[%mul3A_2] : memref<69632xi32, #tpu.memory_space<hbm>> -> memref<2176xi32, #tpu.memory_space<hbm>>
      %dma_start3A_8 = tpu.memref_slice %arg2[%mul3A_2] : memref<69632xi32, #tpu.memory_space<hbm>> -> memref<2176xi32, #tpu.memory_space<hbm>>
      tpu.enqueue_dma source(%dma_start3A_8 : memref<2176xi32, #tpu.memory_space<hbm>>) target(%arg5 : memref<2176xi32, #tpu.memory_space<vmem>>) target_semaphore(%run_scoped3A : memref<!tpu.dma_semaphore, #tpu.memory_space<semaphore_mem>>)
      %dma_wait3A = tpu.memref_slice %arg2[%mul3A_2] : memref<69632xi32, #tpu.memory_space<hbm>> -> memref<2176xi32, #tpu.memory_space<hbm>>
      %dma_wait3A_9 = tpu.memref_slice %arg2[%mul3A_2] : memref<69632xi32, #tpu.memory_space<hbm>> -> memref<2176xi32, #tpu.memory_space<hbm>>
      tpu.wait_dma2 semaphore(%run_scoped3A : memref<!tpu.dma_semaphore, #tpu.memory_space<semaphore_mem>>) src(%dma_wait3A_9 : memref<2176xi32, #tpu.memory_space<hbm>>) dst(%arg5 : memref<2176xi32, #tpu.memory_space<vmem>>)
      tpu.yield
    }) : () -> ()
    %scan3A = arith.constant 0 : i32
    %scan3A_3 = arith.constant 0 : i32
    %scan3A_4 = arith.constant 17 : i32
    %scan3A_5 = arith.addi %scan3A_3, %scan3A_4 : i32
    %scan3A_6 = arith.constant 1 : i32
    scf.for %scan3A_8 = %scan3A_3 to %scan3A_5 step %scan3A_6  : i32 {
      %mul3A_9 = arith.constant 128 : i32
      %mul3A_10 = arith.muli %scan3A_8, %mul3A_9 : i32
      %add3A_11 = arith.addi %mul3A_2, %mul3A_10 : i32
      %mul3A_12 = arith.constant 128 : i32
      %mul3A_13 = arith.muli %scan3A_8, %mul3A_12 : i32
      %dma_start3A = tpu.memref_slice %arg5[%mul3A_13] : memref<2176xi32, #tpu.memory_space<vmem>> -> memref<128xi32, #tpu.memory_space<vmem>>
      %dma_start3A_14 = arith.constant 0 : i32
      %dma_start3A_15 = arith.constant 0 : i32
      %dma_start3A_16 = tpu.memref_slice %arg3[%dma_start3A_14, %dma_start3A_15] : memref<100000x272xf32, #tpu.memory_space<hbm>> -> memref<100000x256xf32, #tpu.memory_space<hbm>>
      tpu.enqueue_indirect_dma source(%dma_start3A_16 : memref<100000x256xf32, #tpu.memory_space<hbm>>) target(%arg6 : memref<128x256xf32, #tpu.memory_space<vmem>>) offsets(%dma_start3A : memref<128xi32, #tpu.memory_space<vmem>>) semaphore(%arg7 : memref<!tpu.dma_semaphore, #tpu.memory_space<semaphore_mem>>)
      %dma_wait3A = tpu.memref_slice %arg5[%mul3A_13] : memref<2176xi32, #tpu.memory_space<vmem>> -> memref<128xi32, #tpu.memory_space<vmem>>
      %dma_wait3A_17 = arith.constant 0 : i32
      %dma_wait3A_18 = arith.constant 0 : i32
      %dma_wait3A_19 = tpu.memref_slice %arg3[%dma_wait3A_17, %dma_wait3A_18] : memref<100000x272xf32, #tpu.memory_space<hbm>> -> memref<100000x256xf32, #tpu.memory_space<hbm>>
      tpu.wait_indirect_dma semaphore(%arg7 : memref<!tpu.dma_semaphore, #tpu.memory_space<semaphore_mem>>) src(%dma_wait3A_19 : memref<100000x256xf32, #tpu.memory_space<hbm>>) dst(%arg6 : memref<128x256xf32, #tpu.memory_space<vmem>>)
      "tpu.region"() ({
        %run_scoped3A = tpu.sem_alloc : memref<!tpu.dma_semaphore, #tpu.memory_space<semaphore_mem>>
        %dma_start3A_20 = arith.constant 0 : i32
        %dma_start3A_21 = tpu.memref_slice %arg4[%add3A_11, %dma_start3A_20] : memref<69632x256xf32, #tpu.memory_space<hbm>> -> memref<128x256xf32, #tpu.memory_space<hbm>>
        %dma_start3A_22 = arith.constant 0 : i32
        %dma_start3A_23 = tpu.memref_slice %arg4[%add3A_11, %dma_start3A_22] : memref<69632x256xf32, #tpu.memory_space<hbm>> -> memref<128x256xf32, #tpu.memory_space<hbm>>
        tpu.enqueue_dma source(%arg6 : memref<128x256xf32, #tpu.memory_space<vmem>>) target(%dma_start3A_23 : memref<128x256xf32, #tpu.memory_space<hbm>>) target_semaphore(%run_scoped3A : memref<!tpu.dma_semaphore, #tpu.memory_space<semaphore_mem>>)
        %dma_wait3A_24 = arith.constant 0 : i32
        %dma_wait3A_25 = tpu.memref_slice %arg4[%add3A_11, %dma_wait3A_24] : memref<69632x256xf32, #tpu.memory_space<hbm>> -> memref<128x256xf32, #tpu.memory_space<hbm>>
        %dma_wait3A_26 = arith.constant 0 : i32
        %dma_wait3A_27 = tpu.memref_slice %arg4[%add3A_11, %dma_wait3A_26] : memref<69632x256xf32, #tpu.memory_space<hbm>> -> memref<128x256xf32, #tpu.memory_space<hbm>>
        tpu.wait_dma2 semaphore(%run_scoped3A : memref<!tpu.dma_semaphore, #tpu.memory_space<semaphore_mem>>) src(%arg6 : memref<128x256xf32, #tpu.memory_space<vmem>>) dst(%dma_wait3A_27 : memref<128x256xf32, #tpu.memory_space<hbm>>)
        tpu.yield
      }) : () -> ()
    }
    %scan3A_7 = arith.constant 17 : i32
    return
  }
}

#map = affine_map<(d0, d1) -> (0)>
#map1 = affine_map<(d0, d1) -> (0, 0)>
module attributes {stable_mosaic.version = 14 : i64} {
  func.func @_sc_gather_mn_body(%arg0: i32, %arg1: i32, %arg2: memref<69632xi32, #tpu.memory_space<hbm>>, %arg3: memref<100000x128xf32, #tpu.memory_space<hbm>>, %arg4: memref<100000x128xf32, #tpu.memory_space<hbm>>, %arg5: memref<69632x128xf32, #tpu.memory_space<hbm>>, %arg6: memref<69632x128xf32, #tpu.memory_space<hbm>>, %arg7: memref<2176xi32, #tpu.memory_space<vmem>>, %arg8: memref<128x128xf32, #tpu.memory_space<vmem>>, %arg9: memref<128x128xf32, #tpu.memory_space<vmem>>, %arg10: memref<!tpu.dma_semaphore, #tpu.memory_space<semaphore_mem>>) attributes {dimension_semantics = [#tpu.dimension_semantics<core_parallel>, #tpu.dimension_semantics<subcore_parallel>], iteration_bounds = array<i64: 2, 16>, scalar_prefetch = 0 : i64, scratch_operands = 4 : i64, tpu.core_type = #tpu.core_type<sc_vector_subcore>, window_params = [{transform_indices = #map}, {transform_indices = #map1}, {transform_indices = #map1}, {transform_indices = #map1}, {transform_indices = #map1}]} {
    %mul3A = arith.constant 2 : i32
    %mul3A_0 = arith.muli %arg1, %mul3A : i32
    %add3A = arith.addi %mul3A_0, %arg0 : i32
    %mul3A_1 = arith.constant 2176 : i32
    %mul3A_2 = arith.muli %add3A, %mul3A_1 : i32
    "tpu.region"() ({
      %run_scoped3A = tpu.sem_alloc : memref<!tpu.dma_semaphore, #tpu.memory_space<semaphore_mem>>
      %dma_start3A = tpu.memref_slice %arg2[%mul3A_2] : memref<69632xi32, #tpu.memory_space<hbm>> -> memref<2176xi32, #tpu.memory_space<hbm>>
      %dma_start3A_8 = tpu.memref_slice %arg2[%mul3A_2] : memref<69632xi32, #tpu.memory_space<hbm>> -> memref<2176xi32, #tpu.memory_space<hbm>>
      tpu.enqueue_dma source(%dma_start3A_8 : memref<2176xi32, #tpu.memory_space<hbm>>) target(%arg7 : memref<2176xi32, #tpu.memory_space<vmem>>) target_semaphore(%run_scoped3A : memref<!tpu.dma_semaphore, #tpu.memory_space<semaphore_mem>>)
      %dma_wait3A = tpu.memref_slice %arg2[%mul3A_2] : memref<69632xi32, #tpu.memory_space<hbm>> -> memref<2176xi32, #tpu.memory_space<hbm>>
      %dma_wait3A_9 = tpu.memref_slice %arg2[%mul3A_2] : memref<69632xi32, #tpu.memory_space<hbm>> -> memref<2176xi32, #tpu.memory_space<hbm>>
      tpu.wait_dma2 semaphore(%run_scoped3A : memref<!tpu.dma_semaphore, #tpu.memory_space<semaphore_mem>>) src(%dma_wait3A_9 : memref<2176xi32, #tpu.memory_space<hbm>>) dst(%arg7 : memref<2176xi32, #tpu.memory_space<vmem>>)
      tpu.yield
    }) : () -> ()
    %scan3A = arith.constant 0 : i32
    %scan3A_3 = arith.constant 0 : i32
    %scan3A_4 = arith.constant 17 : i32
    %scan3A_5 = arith.addi %scan3A_3, %scan3A_4 : i32
    %scan3A_6 = arith.constant 1 : i32
    scf.for %scan3A_8 = %scan3A_3 to %scan3A_5 step %scan3A_6  : i32 {
      %mul3A_9 = arith.constant 128 : i32
      %mul3A_10 = arith.muli %scan3A_8, %mul3A_9 : i32
      %add3A_11 = arith.addi %mul3A_2, %mul3A_10 : i32
      %mul3A_12 = arith.constant 128 : i32
      %mul3A_13 = arith.muli %scan3A_8, %mul3A_12 : i32
      %dma_start3A = tpu.memref_slice %arg7[%mul3A_13] : memref<2176xi32, #tpu.memory_space<vmem>> -> memref<128xi32, #tpu.memory_space<vmem>>
      %dma_start3A_14 = arith.constant 0 : i32
      %dma_start3A_15 = arith.constant 0 : i32
      %dma_start3A_16 = tpu.memref_slice %arg3[%dma_start3A_14, %dma_start3A_15] : memref<100000x128xf32, #tpu.memory_space<hbm>> -> memref<100000x128xf32, #tpu.memory_space<hbm>>
      tpu.enqueue_indirect_dma source(%dma_start3A_16 : memref<100000x128xf32, #tpu.memory_space<hbm>>) target(%arg8 : memref<128x128xf32, #tpu.memory_space<vmem>>) offsets(%dma_start3A : memref<128xi32, #tpu.memory_space<vmem>>) semaphore(%arg10 : memref<!tpu.dma_semaphore, #tpu.memory_space<semaphore_mem>>)
      %dma_start3A_17 = tpu.memref_slice %arg7[%mul3A_13] : memref<2176xi32, #tpu.memory_space<vmem>> -> memref<128xi32, #tpu.memory_space<vmem>>
      %dma_start3A_18 = arith.constant 0 : i32
      %dma_start3A_19 = arith.constant 0 : i32
      %dma_start3A_20 = tpu.memref_slice %arg4[%dma_start3A_18, %dma_start3A_19] : memref<100000x128xf32, #tpu.memory_space<hbm>> -> memref<100000x128xf32, #tpu.memory_space<hbm>>
      tpu.enqueue_indirect_dma source(%dma_start3A_20 : memref<100000x128xf32, #tpu.memory_space<hbm>>) target(%arg9 : memref<128x128xf32, #tpu.memory_space<vmem>>) offsets(%dma_start3A_17 : memref<128xi32, #tpu.memory_space<vmem>>) semaphore(%arg10 : memref<!tpu.dma_semaphore, #tpu.memory_space<semaphore_mem>>)
      %dma_wait3A = tpu.memref_slice %arg7[%mul3A_13] : memref<2176xi32, #tpu.memory_space<vmem>> -> memref<128xi32, #tpu.memory_space<vmem>>
      %dma_wait3A_21 = arith.constant 0 : i32
      %dma_wait3A_22 = arith.constant 0 : i32
      %dma_wait3A_23 = tpu.memref_slice %arg3[%dma_wait3A_21, %dma_wait3A_22] : memref<100000x128xf32, #tpu.memory_space<hbm>> -> memref<100000x128xf32, #tpu.memory_space<hbm>>
      tpu.wait_indirect_dma semaphore(%arg10 : memref<!tpu.dma_semaphore, #tpu.memory_space<semaphore_mem>>) src(%dma_wait3A_23 : memref<100000x128xf32, #tpu.memory_space<hbm>>) dst(%arg8 : memref<128x128xf32, #tpu.memory_space<vmem>>)
      %dma_wait3A_24 = tpu.memref_slice %arg7[%mul3A_13] : memref<2176xi32, #tpu.memory_space<vmem>> -> memref<128xi32, #tpu.memory_space<vmem>>
      %dma_wait3A_25 = arith.constant 0 : i32
      %dma_wait3A_26 = arith.constant 0 : i32
      %dma_wait3A_27 = tpu.memref_slice %arg4[%dma_wait3A_25, %dma_wait3A_26] : memref<100000x128xf32, #tpu.memory_space<hbm>> -> memref<100000x128xf32, #tpu.memory_space<hbm>>
      tpu.wait_indirect_dma semaphore(%arg10 : memref<!tpu.dma_semaphore, #tpu.memory_space<semaphore_mem>>) src(%dma_wait3A_27 : memref<100000x128xf32, #tpu.memory_space<hbm>>) dst(%arg9 : memref<128x128xf32, #tpu.memory_space<vmem>>)
      "tpu.region"() ({
        %run_scoped3A = tpu.sem_alloc : memref<!tpu.dma_semaphore, #tpu.memory_space<semaphore_mem>>
        %dma_start3A_28 = arith.constant 0 : i32
        %dma_start3A_29 = tpu.memref_slice %arg5[%add3A_11, %dma_start3A_28] : memref<69632x128xf32, #tpu.memory_space<hbm>> -> memref<128x128xf32, #tpu.memory_space<hbm>>
        %dma_start3A_30 = arith.constant 0 : i32
        %dma_start3A_31 = tpu.memref_slice %arg5[%add3A_11, %dma_start3A_30] : memref<69632x128xf32, #tpu.memory_space<hbm>> -> memref<128x128xf32, #tpu.memory_space<hbm>>
        tpu.enqueue_dma source(%arg8 : memref<128x128xf32, #tpu.memory_space<vmem>>) target(%dma_start3A_31 : memref<128x128xf32, #tpu.memory_space<hbm>>) target_semaphore(%run_scoped3A : memref<!tpu.dma_semaphore, #tpu.memory_space<semaphore_mem>>)
        %dma_wait3A_32 = arith.constant 0 : i32
        %dma_wait3A_33 = tpu.memref_slice %arg5[%add3A_11, %dma_wait3A_32] : memref<69632x128xf32, #tpu.memory_space<hbm>> -> memref<128x128xf32, #tpu.memory_space<hbm>>
        %dma_wait3A_34 = arith.constant 0 : i32
        %dma_wait3A_35 = tpu.memref_slice %arg5[%add3A_11, %dma_wait3A_34] : memref<69632x128xf32, #tpu.memory_space<hbm>> -> memref<128x128xf32, #tpu.memory_space<hbm>>
        tpu.wait_dma2 semaphore(%run_scoped3A : memref<!tpu.dma_semaphore, #tpu.memory_space<semaphore_mem>>) src(%arg8 : memref<128x128xf32, #tpu.memory_space<vmem>>) dst(%dma_wait3A_35 : memref<128x128xf32, #tpu.memory_space<hbm>>)
        tpu.yield
      }) : () -> ()
      "tpu.region"() ({
        %run_scoped3A = tpu.sem_alloc : memref<!tpu.dma_semaphore, #tpu.memory_space<semaphore_mem>>
        %dma_start3A_28 = arith.constant 0 : i32
        %dma_start3A_29 = tpu.memref_slice %arg6[%add3A_11, %dma_start3A_28] : memref<69632x128xf32, #tpu.memory_space<hbm>> -> memref<128x128xf32, #tpu.memory_space<hbm>>
        %dma_start3A_30 = arith.constant 0 : i32
        %dma_start3A_31 = tpu.memref_slice %arg6[%add3A_11, %dma_start3A_30] : memref<69632x128xf32, #tpu.memory_space<hbm>> -> memref<128x128xf32, #tpu.memory_space<hbm>>
        tpu.enqueue_dma source(%arg9 : memref<128x128xf32, #tpu.memory_space<vmem>>) target(%dma_start3A_31 : memref<128x128xf32, #tpu.memory_space<hbm>>) target_semaphore(%run_scoped3A : memref<!tpu.dma_semaphore, #tpu.memory_space<semaphore_mem>>)
        %dma_wait3A_32 = arith.constant 0 : i32
        %dma_wait3A_33 = tpu.memref_slice %arg6[%add3A_11, %dma_wait3A_32] : memref<69632x128xf32, #tpu.memory_space<hbm>> -> memref<128x128xf32, #tpu.memory_space<hbm>>
        %dma_wait3A_34 = arith.constant 0 : i32
        %dma_wait3A_35 = tpu.memref_slice %arg6[%add3A_11, %dma_wait3A_34] : memref<69632x128xf32, #tpu.memory_space<hbm>> -> memref<128x128xf32, #tpu.memory_space<hbm>>
        tpu.wait_dma2 semaphore(%run_scoped3A : memref<!tpu.dma_semaphore, #tpu.memory_space<semaphore_mem>>) src(%arg9 : memref<128x128xf32, #tpu.memory_space<vmem>>) dst(%dma_wait3A_35 : memref<128x128xf32, #tpu.memory_space<hbm>>)
        tpu.yield
      }) : () -> ()
    }
    %scan3A_7 = arith.constant 17 : i32
    return
  }
}

#map = affine_map<(d0, d1) -> (0)>
#map1 = affine_map<(d0, d1) -> (0, 0)>
module attributes {stable_mosaic.version = 14 : i64} {
  func.func @_sc_gather_ax_body(%arg0: i32, %arg1: i32, %arg2: memref<69632xi32, #tpu.memory_space<hbm>>, %arg3: memref<100000x128xf32, #tpu.memory_space<hbm>>, %arg4: memref<69632x128xf32, #tpu.memory_space<hbm>>, %arg5: memref<2176xi32, #tpu.memory_space<vmem>>, %arg6: memref<128x128xf32, #tpu.memory_space<vmem>>, %arg7: memref<!tpu.dma_semaphore, #tpu.memory_space<semaphore_mem>>) attributes {dimension_semantics = [#tpu.dimension_semantics<core_parallel>, #tpu.dimension_semantics<subcore_parallel>], iteration_bounds = array<i64: 2, 16>, scalar_prefetch = 0 : i64, scratch_operands = 3 : i64, tpu.core_type = #tpu.core_type<sc_vector_subcore>, window_params = [{transform_indices = #map}, {transform_indices = #map1}, {transform_indices = #map1}]} {
    %mul3A = arith.constant 2 : i32
    %mul3A_0 = arith.muli %arg1, %mul3A : i32
    %add3A = arith.addi %mul3A_0, %arg0 : i32
    %mul3A_1 = arith.constant 2176 : i32
    %mul3A_2 = arith.muli %add3A, %mul3A_1 : i32
    "tpu.region"() ({
      %run_scoped3A = tpu.sem_alloc : memref<!tpu.dma_semaphore, #tpu.memory_space<semaphore_mem>>
      %dma_start3A = tpu.memref_slice %arg2[%mul3A_2] : memref<69632xi32, #tpu.memory_space<hbm>> -> memref<2176xi32, #tpu.memory_space<hbm>>
      %dma_start3A_8 = tpu.memref_slice %arg2[%mul3A_2] : memref<69632xi32, #tpu.memory_space<hbm>> -> memref<2176xi32, #tpu.memory_space<hbm>>
      tpu.enqueue_dma source(%dma_start3A_8 : memref<2176xi32, #tpu.memory_space<hbm>>) target(%arg5 : memref<2176xi32, #tpu.memory_space<vmem>>) target_semaphore(%run_scoped3A : memref<!tpu.dma_semaphore, #tpu.memory_space<semaphore_mem>>)
      %dma_wait3A = tpu.memref_slice %arg2[%mul3A_2] : memref<69632xi32, #tpu.memory_space<hbm>> -> memref<2176xi32, #tpu.memory_space<hbm>>
      %dma_wait3A_9 = tpu.memref_slice %arg2[%mul3A_2] : memref<69632xi32, #tpu.memory_space<hbm>> -> memref<2176xi32, #tpu.memory_space<hbm>>
      tpu.wait_dma2 semaphore(%run_scoped3A : memref<!tpu.dma_semaphore, #tpu.memory_space<semaphore_mem>>) src(%dma_wait3A_9 : memref<2176xi32, #tpu.memory_space<hbm>>) dst(%arg5 : memref<2176xi32, #tpu.memory_space<vmem>>)
      tpu.yield
    }) : () -> ()
    %scan3A = arith.constant 0 : i32
    %scan3A_3 = arith.constant 0 : i32
    %scan3A_4 = arith.constant 17 : i32
    %scan3A_5 = arith.addi %scan3A_3, %scan3A_4 : i32
    %scan3A_6 = arith.constant 1 : i32
    scf.for %scan3A_8 = %scan3A_3 to %scan3A_5 step %scan3A_6  : i32 {
      %mul3A_9 = arith.constant 128 : i32
      %mul3A_10 = arith.muli %scan3A_8, %mul3A_9 : i32
      %add3A_11 = arith.addi %mul3A_2, %mul3A_10 : i32
      %mul3A_12 = arith.constant 128 : i32
      %mul3A_13 = arith.muli %scan3A_8, %mul3A_12 : i32
      %dma_start3A = tpu.memref_slice %arg5[%mul3A_13] : memref<2176xi32, #tpu.memory_space<vmem>> -> memref<128xi32, #tpu.memory_space<vmem>>
      %dma_start3A_14 = arith.constant 0 : i32
      %dma_start3A_15 = arith.constant 0 : i32
      %dma_start3A_16 = tpu.memref_slice %arg3[%dma_start3A_14, %dma_start3A_15] : memref<100000x128xf32, #tpu.memory_space<hbm>> -> memref<100000x128xf32, #tpu.memory_space<hbm>>
      tpu.enqueue_indirect_dma source(%dma_start3A_16 : memref<100000x128xf32, #tpu.memory_space<hbm>>) target(%arg6 : memref<128x128xf32, #tpu.memory_space<vmem>>) offsets(%dma_start3A : memref<128xi32, #tpu.memory_space<vmem>>) semaphore(%arg7 : memref<!tpu.dma_semaphore, #tpu.memory_space<semaphore_mem>>)
      %dma_wait3A = tpu.memref_slice %arg5[%mul3A_13] : memref<2176xi32, #tpu.memory_space<vmem>> -> memref<128xi32, #tpu.memory_space<vmem>>
      %dma_wait3A_17 = arith.constant 0 : i32
      %dma_wait3A_18 = arith.constant 0 : i32
      %dma_wait3A_19 = tpu.memref_slice %arg3[%dma_wait3A_17, %dma_wait3A_18] : memref<100000x128xf32, #tpu.memory_space<hbm>> -> memref<100000x128xf32, #tpu.memory_space<hbm>>
      tpu.wait_indirect_dma semaphore(%arg7 : memref<!tpu.dma_semaphore, #tpu.memory_space<semaphore_mem>>) src(%dma_wait3A_19 : memref<100000x128xf32, #tpu.memory_space<hbm>>) dst(%arg6 : memref<128x128xf32, #tpu.memory_space<vmem>>)
      "tpu.region"() ({
        %run_scoped3A = tpu.sem_alloc : memref<!tpu.dma_semaphore, #tpu.memory_space<semaphore_mem>>
        %dma_start3A_20 = arith.constant 0 : i32
        %dma_start3A_21 = tpu.memref_slice %arg4[%add3A_11, %dma_start3A_20] : memref<69632x128xf32, #tpu.memory_space<hbm>> -> memref<128x128xf32, #tpu.memory_space<hbm>>
        %dma_start3A_22 = arith.constant 0 : i32
        %dma_start3A_23 = tpu.memref_slice %arg4[%add3A_11, %dma_start3A_22] : memref<69632x128xf32, #tpu.memory_space<hbm>> -> memref<128x128xf32, #tpu.memory_space<hbm>>
        tpu.enqueue_dma source(%arg6 : memref<128x128xf32, #tpu.memory_space<vmem>>) target(%dma_start3A_23 : memref<128x128xf32, #tpu.memory_space<hbm>>) target_semaphore(%run_scoped3A : memref<!tpu.dma_semaphore, #tpu.memory_space<semaphore_mem>>)
        %dma_wait3A_24 = arith.constant 0 : i32
        %dma_wait3A_25 = tpu.memref_slice %arg4[%add3A_11, %dma_wait3A_24] : memref<69632x128xf32, #tpu.memory_space<hbm>> -> memref<128x128xf32, #tpu.memory_space<hbm>>
        %dma_wait3A_26 = arith.constant 0 : i32
        %dma_wait3A_27 = tpu.memref_slice %arg4[%add3A_11, %dma_wait3A_26] : memref<69632x128xf32, #tpu.memory_space<hbm>> -> memref<128x128xf32, #tpu.memory_space<hbm>>
        tpu.wait_dma2 semaphore(%run_scoped3A : memref<!tpu.dma_semaphore, #tpu.memory_space<semaphore_mem>>) src(%arg6 : memref<128x128xf32, #tpu.memory_space<vmem>>) dst(%dma_wait3A_27 : memref<128x128xf32, #tpu.memory_space<hbm>>)
        tpu.yield
      }) : () -> ()
    }
    %scan3A_7 = arith.constant 17 : i32
    return
  }
}

module attributes {stable_mosaic.version = 14 : i64} {
  func.func @_aux_body(%arg0: i32, %arg1: memref<2000x128xf32, #tpu.memory_space<vmem>>, %arg2: memref<1x1x2000xf32, #tpu.memory_space<vmem>>, %arg3: memref<1x1x2000xf32, #tpu.memory_space<vmem>>, %arg4: memref<2000x128xf32, #tpu.memory_space<vmem>>) attributes {dimension_semantics = [#tpu.dimension_semantics<arbitrary>], iteration_bounds = array<i64: 50>, scalar_prefetch = 0 : i64, scratch_operands = 0 : i64, tpu.core_type = #tpu.core_type<tc>, window_params = [{transform_indices = @transform_0, window_bounds = array<i64: 2000, 128>}, {transform_indices = @transform_1, window_bounds = array<i64: 1, 1, 2000>}, {transform_indices = @transform_2, window_bounds = array<i64: 1, 1, 2000>}, {transform_indices = @transform_3, window_bounds = array<i64: 2000, 128>}]} {
    %get3A = arith.constant 0 : index
    %get3A_0 = arith.constant 0 : index
    %get3A_1 = arith.constant 0 : index
    %get3A_2 = vector.load %arg2[%get3A, %get3A_0, %get3A_1] : memref<1x1x2000xf32, #tpu.memory_space<vmem>>, vector<1x1x2000xf32>
    %get3A_3 = arith.constant 0 : index
    %get3A_4 = arith.constant 0 : index
    %get3A_5 = arith.constant 0 : index
    %get3A_6 = vector.load %arg3[%get3A_3, %get3A_4, %get3A_5] : memref<1x1x2000xf32, #tpu.memory_space<vmem>>, vector<1x1x2000xf32>
    %sub3A = arith.subf %get3A_2, %get3A_6 : vector<1x1x2000xf32>
    %reshape3A = vector.shape_cast %sub3A : vector<1x1x2000xf32> to vector<1x2000xf32>
    %transpose3A = tpu.transpose %reshape3A, [1, 0] : vector<1x2000xf32> -> vector<2000x1xf32>
    %get3A_7 = arith.constant 0 : index
    %get3A_8 = arith.constant 0 : index
    %get3A_9 = vector.load %arg1[%get3A_7, %get3A_8] : memref<2000x128xf32, #tpu.memory_space<vmem>>, vector<2000x16xf32>
    %broadcast_in_dim3A = arith.constant 0.000000e+00 : f32
    %broadcast_in_dim3A_10 = vector.broadcast %broadcast_in_dim3A : f32 to vector<2000x111xf32>
    %concatenate3A = tpu.concatenate %get3A_9, %transpose3A, %broadcast_in_dim3A_10 in 1 : vector<2000x16xf32>, vector<2000x1xf32>, vector<2000x111xf32> -> vector<2000x128xf32>
    %swap3A = arith.constant 0 : index
    %swap3A_11 = arith.constant 0 : index
    %swap3A_12 = vector.load %arg4[%swap3A, %swap3A_11] : memref<2000x128xf32, #tpu.memory_space<vmem>>, vector<2000x128xf32>
    tpu.vector_store %arg4[%swap3A, %swap3A_11], %concatenate3A {strides = array<i32>} : memref<2000x128xf32, #tpu.memory_space<vmem>>, vector<2000x128xf32>,
    return
  }
  func.func @transform_0(%arg0: i32) -> (i32, i32) {
    %c2_i32 = arith.constant 2 : i32
    %c0_i32 = arith.constant 0 : i32
    return %arg0, %c2_i32 : i32, i32
  }
  func.func @transform_1(%arg0: i32) -> (i32, i32, i32) {
    %c0_i32 = arith.constant 0 : i32
    %c0_i32_0 = arith.constant 0 : i32
    %c0_i32_1 = arith.constant 0 : i32
    return %arg0, %c0_i32, %c0_i32_0 : i32, i32, i32
  }
  func.func @transform_2(%arg0: i32) -> (i32, i32, i32) {
    %c0_i32 = arith.constant 0 : i32
    %c0_i32_0 = arith.constant 0 : i32
    %c0_i32_1 = arith.constant 0 : i32
    return %arg0, %c0_i32, %c0_i32_0 : i32, i32, i32
  }
  func.func @transform_3(%arg0: i32) -> (i32, i32) {
    %c0_i32 = arith.constant 0 : i32
    %c0_i32_0 = arith.constant 0 : i32
    return %arg0, %c0_i32 : i32, i32
  }
}

module attributes {stable_mosaic.version = 14 : i64} {
  func.func @_gru_body(%arg0: i32, %arg1: memref<1024x128xf32, #tpu.memory_space<vmem>>, %arg2: memref<1024x128xf32, #tpu.memory_space<vmem>>, %arg3: memref<1024x128xf32, #tpu.memory_space<vmem>>, %arg4: memref<1024x128xf32, #tpu.memory_space<vmem>>, %arg5: memref<1024x128xf32, #tpu.memory_space<vmem>>, %arg6: memref<1x100xf32, #tpu.memory_space<vmem>>, %arg7: memref<1x100xf32, #tpu.memory_space<vmem>>, %arg8: memref<484x384xbf16, #tpu.memory_space<vmem>>, %arg9: memref<1x384xf32, #tpu.memory_space<vmem>>, %arg10: memref<128x384xbf16, #tpu.memory_space<vmem>>, %arg11: memref<1x384xf32, #tpu.memory_space<vmem>>, %arg12: memref<128x1024xbf16, #tpu.memory_space<vmem>>) attributes {dimension_semantics = [#tpu.dimension_semantics<arbitrary>], iteration_bounds = array<i64: 68>, scalar_prefetch = 0 : i64, scratch_operands = 0 : i64, tpu.core_type = #tpu.core_type<tc>, window_params = [{transform_indices = @transform_0, window_bounds = array<i64: 1024, 128>}, {transform_indices = @transform_1, window_bounds = array<i64: 1024, 128>}, {transform_indices = @transform_2, window_bounds = array<i64: 1024, 128>}, {transform_indices = @transform_3, window_bounds = array<i64: 1024, 128>}, {transform_indices = @transform_4, window_bounds = array<i64: 1024, 128>}, {pipeline_mode = #tpu.pipeline_mode<synchronous>, transform_indices = @transform_5, window_bounds = array<i64: 1, 100>}, {pipeline_mode = #tpu.pipeline_mode<synchronous>, transform_indices = @transform_6, window_bounds = array<i64: 1, 100>}, {pipeline_mode = #tpu.pipeline_mode<synchronous>, transform_indices = @transform_7, window_bounds = array<i64: 484, 384>}, {pipeline_mode = #tpu.pipeline_mode<synchronous>, transform_indices = @transform_8, window_bounds = array<i64: 1, 384>}, {pipeline_mode = #tpu.pipeline_mode<synchronous>, transform_indices = @transform_9, window_bounds = array<i64: 128, 384>}, {pipeline_mode = #tpu.pipeline_mode<synchronous>, transform_indices = @transform_10, window_bounds = array<i64: 1, 384>}, {transform_indices = @transform_11, window_bounds = array<i64: 128, 1024>}]} {
    %get3A = arith.constant 0 : index
    %get3A_0 = arith.constant 16 : index
    %get3A_1 = vector.load %arg3[%get3A, %get3A_0] : memref<1024x128xf32, #tpu.memory_space<vmem>>, vector<1024x1xf32>
    %get3A_2 = arith.constant 0 : index
    %get3A_3 = arith.constant 0 : index
    %get3A_4 = vector.load %arg6[%get3A_2, %get3A_3] : memref<1x100xf32, #tpu.memory_space<vmem>>, vector<1x100xf32>
    %mul3A = vector.broadcast %get3A_1 : vector<1024x1xf32> to vector<1024x100xf32>
    %mul3A_5 = vector.broadcast %get3A_4 : vector<1x100xf32> to vector<1024x100xf32>
    %mul3A_6 = arith.mulf %mul3A, %mul3A_5 : vector<1024x100xf32>
    %get3A_7 = arith.constant 0 : index
    %get3A_8 = arith.constant 0 : index
    %get3A_9 = vector.load %arg7[%get3A_7, %get3A_8] : memref<1x100xf32, #tpu.memory_space<vmem>>, vector<1x100xf32>
    %add3A = vector.broadcast %get3A_9 : vector<1x100xf32> to vector<1024x100xf32>
    %add3A_10 = arith.addf %mul3A_6, %add3A : vector<1024x100xf32>
    %cos3A = math.cos %add3A_10 : vector<1024x100xf32>
    %get3A_11 = arith.constant 0 : index
    %get3A_12 = arith.constant 0 : index
    %get3A_13 = vector.load %arg1[%get3A_11, %get3A_12] : memref<1024x128xf32, #tpu.memory_space<vmem>>, vector<1024x128xf32>
    %convert_element_type3A = arith.truncf %get3A_13 : vector<1024x128xf32> to vector<1024x128xbf16>
    %get3A_14 = arith.constant 0 : index
    %get3A_15 = arith.constant 0 : index
    %get3A_16 = vector.load %arg2[%get3A_14, %get3A_15] : memref<1024x128xf32, #tpu.memory_space<vmem>>, vector<1024x128xf32>
    %convert_element_type3A_17 = arith.truncf %get3A_16 : vector<1024x128xf32> to vector<1024x128xbf16>
    %get3A_18 = arith.constant 0 : index
    %get3A_19 = arith.constant 0 : index
    %get3A_20 = vector.load %arg3[%get3A_18, %get3A_19] : memref<1024x128xf32, #tpu.memory_space<vmem>>, vector<1024x128xf32>
    %convert_element_type3A_21 = arith.truncf %get3A_20 : vector<1024x128xf32> to vector<1024x128xbf16>
    %convert_element_type3A_22 = arith.truncf %cos3A : vector<1024x100xf32> to vector<1024x100xbf16>
    %concatenate3A = tpu.concatenate %convert_element_type3A, %convert_element_type3A_17, %convert_element_type3A_21, %convert_element_type3A_22 in 1 : vector<1024x128xbf16>, vector<1024x128xbf16>, vector<1024x128xbf16>, vector<1024x100xbf16> -> vector<1024x484xbf16>
    %get3A_23 = arith.constant 0 : index
    %get3A_24 = arith.constant 0 : index
    %get3A_25 = vector.load %arg8[%get3A_23, %get3A_24] : memref<484x384xbf16, #tpu.memory_space<vmem>>, vector<484x384xbf16>
    %dot_general3A = arith.constant dense<0.000000e+00> : vector<1024x384xf32>
    %dot_general3A_26 = tpu.matmul %concatenate3A, %get3A_25, %dot_general3A {dimension_numbers = #tpu.dot_dimension_numbers<[1], [0], [0], [1], [0, 0, 1, 1], [], []>, transpose_lhs_hint = false} : vector<1024x484xbf16>, vector<484x384xbf16>, vector<1024x384xf32> -> vector<1024x384xf32>
    %get3A_27 = arith.constant 0 : index
    %get3A_28 = arith.constant 0 : index
    %get3A_29 = vector.load %arg9[%get3A_27, %get3A_28] : memref<1x384xf32, #tpu.memory_space<vmem>>, vector<1x384xf32>
    %add3A_30 = vector.broadcast %get3A_29 : vector<1x384xf32> to vector<1024x384xf32>
    %add3A_31 = arith.addf %dot_general3A_26, %add3A_30 : vector<1024x384xf32>
    %get3A_32 = arith.constant 0 : index
    %get3A_33 = arith.constant 0 : index
    %get3A_34 = vector.load %arg4[%get3A_32, %get3A_33] : memref<1024x128xf32, #tpu.memory_space<vmem>>, vector<1024x128xf32>
    %convert_element_type3A_35 = arith.truncf %get3A_34 : vector<1024x128xf32> to vector<1024x128xbf16>
    %get3A_36 = arith.constant 0 : index
    %get3A_37 = arith.constant 0 : index
    %get3A_38 = vector.load %arg10[%get3A_36, %get3A_37] : memref<128x384xbf16, #tpu.memory_space<vmem>>, vector<128x384xbf16>
    %dot_general3A_39 = arith.constant dense<0.000000e+00> : vector<1024x384xf32>
    %dot_general3A_40 = tpu.matmul %convert_element_type3A_35, %get3A_38, %dot_general3A_39 {dimension_numbers = #tpu.dot_dimension_numbers<[1], [0], [0], [1], [0, 0, 1, 1], [], []>, transpose_lhs_hint = false} : vector<1024x128xbf16>, vector<128x384xbf16>, vector<1024x384xf32> -> vector<1024x384xf32>
    %get3A_41 = arith.constant 0 : index
    %get3A_42 = arith.constant 0 : index
    %get3A_43 = vector.load %arg11[%get3A_41, %get3A_42] : memref<1x384xf32, #tpu.memory_space<vmem>>, vector<1x384xf32>
    %add3A_44 = vector.broadcast %get3A_43 : vector<1x384xf32> to vector<1024x384xf32>
    %add3A_45 = arith.addf %dot_general3A_40, %add3A_44 : vector<1024x384xf32>
    %slice3A = vector.extract_strided_slice %add3A_31 {offsets = [0, 0], sizes = [1024, 128], strides = [1, 1]} : vector<1024x384xf32> to vector<1024x128xf32>
    %slice3A_46 = vector.extract_strided_slice %add3A_45 {offsets = [0, 0], sizes = [1024, 128], strides = [1, 1]} : vector<1024x384xf32> to vector<1024x128xf32>
    %add3A_47 = arith.addf %slice3A, %slice3A_46 : vector<1024x128xf32>
    %logistic3A = arith.negf %add3A_47 : vector<1024x128xf32>
    %logistic3A_48 = math.exp %logistic3A : vector<1024x128xf32>
    %logistic3A_49 = arith.constant 1.000000e+00 : f32
    %logistic3A_50 = vector.broadcast %logistic3A_49 : f32 to vector<1024x128xf32>
    %logistic3A_51 = arith.addf %logistic3A_50, %logistic3A_48 : vector<1024x128xf32>
    %logistic3A_52 = arith.divf %logistic3A_50, %logistic3A_51 : vector<1024x128xf32>
    %slice3A_53 = vector.extract_strided_slice %add3A_31 {offsets = [0, 128], sizes = [1024, 128], strides = [1, 1]} : vector<1024x384xf32> to vector<1024x128xf32>
    %slice3A_54 = vector.extract_strided_slice %add3A_45 {offsets = [0, 128], sizes = [1024, 128], strides = [1, 1]} : vector<1024x384xf32> to vector<1024x128xf32>
    %add3A_55 = arith.addf %slice3A_53, %slice3A_54 : vector<1024x128xf32>
    %logistic3A_56 = arith.negf %add3A_55 : vector<1024x128xf32>
    %logistic3A_57 = math.exp %logistic3A_56 : vector<1024x128xf32>
    %logistic3A_58 = arith.constant 1.000000e+00 : f32
    %logistic3A_59 = vector.broadcast %logistic3A_58 : f32 to vector<1024x128xf32>
    %logistic3A_60 = arith.addf %logistic3A_59, %logistic3A_57 : vector<1024x128xf32>
    %logistic3A_61 = arith.divf %logistic3A_59, %logistic3A_60 : vector<1024x128xf32>
    %slice3A_62 = vector.extract_strided_slice %add3A_31 {offsets = [0, 256], sizes = [1024, 128], strides = [1, 1]} : vector<1024x384xf32> to vector<1024x128xf32>
    %slice3A_63 = vector.extract_strided_slice %add3A_45 {offsets = [0, 256], sizes = [1024, 128], strides = [1, 1]} : vector<1024x384xf32> to vector<1024x128xf32>
    %mul3A_64 = arith.mulf %logistic3A_52, %slice3A_63 : vector<1024x128xf32>
    %add3A_65 = arith.addf %slice3A_62, %mul3A_64 : vector<1024x128xf32>
    %tanh3A = math.tanh %add3A_65 : vector<1024x128xf32>
    %sub3A = arith.constant 1.000000e+00 : f32
    %sub3A_66 = vector.broadcast %sub3A : f32 to vector<1024x128xf32>
    %sub3A_67 = arith.subf %sub3A_66, %logistic3A_61 : vector<1024x128xf32>
    %mul3A_68 = arith.mulf %sub3A_67, %tanh3A : vector<1024x128xf32>
    %mul3A_69 = arith.mulf %logistic3A_61, %get3A_34 : vector<1024x128xf32>
    %add3A_70 = arith.addf %mul3A_68, %mul3A_69 : vector<1024x128xf32>
    %get3A_71 = arith.constant 0 : index
    %get3A_72 = arith.constant 0 : index
    %get3A_73 = vector.load %arg5[%get3A_71, %get3A_72] : memref<1024x128xf32, #tpu.memory_space<vmem>>, vector<1024x128xf32>
    %add3A_74 = arith.addf %get3A_73, %add3A_70 : vector<1024x128xf32>
    %transpose3A = tpu.transpose %add3A_74, [1, 0] : vector<1024x128xf32> -> vector<128x1024xf32>
    %convert_element_type3A_75 = arith.truncf %transpose3A : vector<128x1024xf32> to vector<128x1024xbf16>
    %swap3A = arith.constant 0 : index
    %swap3A_76 = arith.constant 0 : index
    %swap3A_77 = vector.load %arg12[%swap3A, %swap3A_76] : memref<128x1024xbf16, #tpu.memory_space<vmem>>, vector<128x1024xbf16>
    tpu.vector_store %arg12[%swap3A, %swap3A_76], %convert_element_type3A_75 {strides = array<i32>} : memref<128x1024xbf16, #tpu.memory_space<vmem>>, vector<128x1024xbf16>,
    return
  }
  func.func @transform_0(%arg0: i32) -> (i32, i32) {
    %c0_i32 = arith.constant 0 : i32
    %c0_i32_0 = arith.constant 0 : i32
    return %arg0, %c0_i32 : i32, i32
  }
  func.func @transform_1(%arg0: i32) -> (i32, i32) {
    %c1_i32 = arith.constant 1 : i32
    %c0_i32 = arith.constant 0 : i32
    return %arg0, %c1_i32 : i32, i32
  }
  func.func @transform_2(%arg0: i32) -> (i32, i32) {
    %c0_i32 = arith.constant 0 : i32
    %c0_i32_0 = arith.constant 0 : i32
    return %arg0, %c0_i32 : i32, i32
  }
  func.func @transform_3(%arg0: i32) -> (i32, i32) {
    %c0_i32 = arith.constant 0 : i32
    %c0_i32_0 = arith.constant 0 : i32
    return %arg0, %c0_i32 : i32, i32
  }
  func.func @transform_4(%arg0: i32) -> (i32, i32) {
    %c0_i32 = arith.constant 0 : i32
    %c0_i32_0 = arith.constant 0 : i32
    return %arg0, %c0_i32 : i32, i32
  }
  func.func @transform_5(%arg0: i32) -> (i32, i32) {
    %c0_i32 = arith.constant 0 : i32
    %c0_i32_0 = arith.constant 0 : i32
    %c0_i32_1 = arith.constant 0 : i32
    return %c0_i32, %c0_i32_0 : i32, i32
  }
  func.func @transform_6(%arg0: i32) -> (i32, i32) {
    %c0_i32 = arith.constant 0 : i32
    %c0_i32_0 = arith.constant 0 : i32
    %c0_i32_1 = arith.constant 0 : i32
    return %c0_i32, %c0_i32_0 : i32, i32
  }
  func.func @transform_7(%arg0: i32) -> (i32, i32) {
    %c0_i32 = arith.constant 0 : i32
    %c0_i32_0 = arith.constant 0 : i32
    %c0_i32_1 = arith.constant 0 : i32
    return %c0_i32, %c0_i32_0 : i32, i32
  }
  func.func @transform_8(%arg0: i32) -> (i32, i32) {
    %c0_i32 = arith.constant 0 : i32
    %c0_i32_0 = arith.constant 0 : i32
    %c0_i32_1 = arith.constant 0 : i32
    return %c0_i32, %c0_i32_0 : i32, i32
  }
  func.func @transform_9(%arg0: i32) -> (i32, i32) {
    %c0_i32 = arith.constant 0 : i32
    %c0_i32_0 = arith.constant 0 : i32
    %c0_i32_1 = arith.constant 0 : i32
    return %c0_i32, %c0_i32_0 : i32, i32
  }
  func.func @transform_10(%arg0: i32) -> (i32, i32) {
    %c0_i32 = arith.constant 0 : i32
    %c0_i32_0 = arith.constant 0 : i32
    %c0_i32_1 = arith.constant 0 : i32
    return %c0_i32, %c0_i32_0 : i32, i32
  }
  func.func @transform_11(%arg0: i32) -> (i32, i32) {
    %c0_i32 = arith.constant 0 : i32
    %c0_i32_0 = arith.constant 0 : i32
    return %c0_i32, %arg0 : i32, i32
  }
}

module attributes {stable_mosaic.version = 14 : i64} {
  func.func @_attn_body(%arg0: i32, %arg1: memref<128x256xbf16, #tpu.memory_space<vmem>>, %arg2: memref<128x4096xbf16, #tpu.memory_space<vmem>>, %arg3: memref<1x256xf32, #tpu.memory_space<vmem>>, %arg4: memref<16x256xf32, #tpu.memory_space<vmem>>, %arg5: memref<256x256xf32, #tpu.memory_space<vmem>>, %arg6: memref<100x1xf32, #tpu.memory_space<vmem>>, %arg7: memref<100x1xf32, #tpu.memory_space<vmem>>, %arg8: memref<128x128xbf16, #tpu.memory_space<vmem>>, %arg9: memref<128x100xbf16, #tpu.memory_space<vmem>>, %arg10: memref<128x128xbf16, #tpu.memory_space<vmem>>, %arg11: memref<128x16xbf16, #tpu.memory_space<vmem>>, %arg12: memref<128x100xbf16, #tpu.memory_space<vmem>>, %arg13: memref<128x128xbf16, #tpu.memory_space<vmem>>, %arg14: memref<128x16xbf16, #tpu.memory_space<vmem>>, %arg15: memref<128x100xbf16, #tpu.memory_space<vmem>>, %arg16: memref<128x128xbf16, #tpu.memory_space<vmem>>, %arg17: memref<128x64xbf16, #tpu.memory_space<vmem>>, %arg18: memref<128x64xbf16, #tpu.memory_space<vmem>>, %arg19: memref<128x1xf32, #tpu.memory_space<vmem>>, %arg20: memref<128x256xf32, #tpu.memory_space<vmem>>) attributes {dimension_semantics = [#tpu.dimension_semantics<arbitrary>], iteration_bounds = array<i64: 16>, scalar_prefetch = 0 : i64, scratch_operands = 0 : i64, tpu.core_type = #tpu.core_type<tc>, window_params = [{transform_indices = @transform_0, window_bounds = array<i64: 128, 256>}, {transform_indices = @transform_1, window_bounds = array<i64: 128, 4096>}, {transform_indices = @transform_2, window_bounds = array<i64: 1, 256>}, {transform_indices = @transform_3, window_bounds = array<i64: 16, 256>}, {transform_indices = @transform_4, window_bounds = array<i64: 256, 256>}, {pipeline_mode = #tpu.pipeline_mode<synchronous>, transform_indices = @transform_5, window_bounds = array<i64: 100, 1>}, {pipeline_mode = #tpu.pipeline_mode<synchronous>, transform_indices = @transform_6, window_bounds = array<i64: 100, 1>}, {pipeline_mode = #tpu.pipeline_mode<synchronous>, transform_indices = @transform_7, window_bounds = array<i64: 128, 128>}, {pipeline_mode = #tpu.pipeline_mode<synchronous>, transform_indices = @transform_8, window_bounds = array<i64: 128, 100>}, {pipeline_mode = #tpu.pipeline_mode<synchronous>, transform_indices = @transform_9, window_bounds = array<i64: 128, 128>}, {pipeline_mode = #tpu.pipeline_mode<synchronous>, transform_indices = @transform_10, window_bounds = array<i64: 128, 16>}, {pipeline_mode = #tpu.pipeline_mode<synchronous>, transform_indices = @transform_11, window_bounds = array<i64: 128, 100>}, {pipeline_mode = #tpu.pipeline_mode<synchronous>, transform_indices = @transform_12, window_bounds = array<i64: 128, 128>}, {pipeline_mode = #tpu.pipeline_mode<synchronous>, transform_indices = @transform_13, window_bounds = array<i64: 128, 16>}, {pipeline_mode = #tpu.pipeline_mode<synchronous>, transform_indices = @transform_14, window_bounds = array<i64: 128, 100>}, {pipeline_mode = #tpu.pipeline_mode<synchronous>, transform_indices = @transform_15, window_bounds = array<i64: 128, 128>}, {pipeline_mode = #tpu.pipeline_mode<synchronous>, transform_indices = @transform_16, window_bounds = array<i64: 128, 64>}, {pipeline_mode = #tpu.pipeline_mode<synchronous>, transform_indices = @transform_17, window_bounds = array<i64: 128, 64>}, {pipeline_mode = #tpu.pipeline_mode<synchronous>, transform_indices = @transform_18, window_bounds = array<i64: 128, 1>}, {transform_indices = @transform_19, window_bounds = array<i64: 128, 256>}]} {
    %get3A = arith.constant 0 : index
    %get3A_0 = arith.constant 0 : index
    %get3A_1 = vector.load %arg6[%get3A, %get3A_0] : memref<100x1xf32, #tpu.memory_space<vmem>>, vector<100x1xf32>
    %get3A_2 = arith.constant 0 : index
    %get3A_3 = arith.constant 0 : index
    %get3A_4 = vector.load %arg7[%get3A_2, %get3A_3] : memref<100x1xf32, #tpu.memory_space<vmem>>, vector<100x1xf32>
    %get3A_5 = arith.constant 0 : index
    %get3A_6 = arith.constant 0 : index
    %get3A_7 = vector.load %arg1[%get3A_5, %get3A_6] : memref<128x256xbf16, #tpu.memory_space<vmem>>, vector<128x256xbf16>
    %cos3A = math.cos %get3A_4 : vector<100x1xf32>
    %get3A_8 = arith.constant 0 : index
    %get3A_9 = arith.constant 0 : index
    %get3A_10 = vector.load %arg8[%get3A_8, %get3A_9] : memref<128x128xbf16, #tpu.memory_space<vmem>>, vector<128x128xbf16>
    %dot_general3A = arith.constant dense<0.000000e+00> : vector<128x256xf32>
    %dot_general3A_11 = tpu.matmul %get3A_10, %get3A_7, %dot_general3A {dimension_numbers = #tpu.dot_dimension_numbers<[1], [0], [0], [1], [0, 0, 1, 1], [], []>, transpose_lhs_hint = false} : vector<128x128xbf16>, vector<128x256xbf16>, vector<128x256xf32> -> vector<128x256xf32>
    %get3A_12 = arith.constant 0 : index
    %get3A_13 = arith.constant 0 : index
    %get3A_14 = vector.load %arg9[%get3A_12, %get3A_13] : memref<128x100xbf16, #tpu.memory_space<vmem>>, vector<128x100xbf16>
    %convert_element_type3A = arith.truncf %cos3A : vector<100x1xf32> to vector<100x1xbf16>
    %dot_general3A_15 = arith.constant dense<0.000000e+00> : vector<128x1xf32>
    %dot_general3A_16 = tpu.matmul %get3A_14, %convert_element_type3A, %dot_general3A_15 {dimension_numbers = #tpu.dot_dimension_numbers<[1], [0], [0], [1], [0, 0, 1, 1], [], []>, transpose_lhs_hint = false} : vector<128x100xbf16>, vector<100x1xbf16>, vector<128x1xf32> -> vector<128x1xf32>
    %add3A = vector.broadcast %dot_general3A_16 : vector<128x1xf32> to vector<128x256xf32>
    %add3A_17 = arith.addf %dot_general3A_11, %add3A : vector<128x256xf32>
    %get3A_18 = arith.constant 0 : index
    %get3A_19 = arith.constant 0 : index
    %get3A_20 = vector.load %arg2[%get3A_18, %get3A_19] : memref<128x4096xbf16, #tpu.memory_space<vmem>>, vector<128x4096xbf16>
    %get3A_21 = arith.constant 0 : index
    %get3A_22 = arith.constant 0 : index
    %get3A_23 = vector.load %arg10[%get3A_21, %get3A_22] : memref<128x128xbf16, #tpu.memory_space<vmem>>, vector<128x128xbf16>
    %dot_general3A_24 = arith.constant dense<0.000000e+00> : vector<128x4096xf32>
    %dot_general3A_25 = tpu.matmul %get3A_23, %get3A_20, %dot_general3A_24 {dimension_numbers = #tpu.dot_dimension_numbers<[1], [0], [0], [1], [0, 0, 1, 1], [], []>, transpose_lhs_hint = false} : vector<128x128xbf16>, vector<128x4096xbf16>, vector<128x4096xf32> -> vector<128x4096xf32>
    %get3A_26 = arith.constant 0 : index
    %get3A_27 = arith.constant 0 : index
    %get3A_28 = vector.load %arg13[%get3A_26, %get3A_27] : memref<128x128xbf16, #tpu.memory_space<vmem>>, vector<128x128xbf16>
    %dot_general3A_29 = arith.constant dense<0.000000e+00> : vector<128x4096xf32>
    %dot_general3A_30 = tpu.matmul %get3A_28, %get3A_20, %dot_general3A_29 {dimension_numbers = #tpu.dot_dimension_numbers<[1], [0], [0], [1], [0, 0, 1, 1], [], []>, transpose_lhs_hint = false} : vector<128x128xbf16>, vector<128x4096xbf16>, vector<128x4096xf32> -> vector<128x4096xf32>
    %get3A_31 = arith.constant 0 : index
    %get3A_32 = arith.constant 0 : index
    %get3A_33 = vector.load %arg5[%get3A_31, %get3A_32] : memref<256x256xf32, #tpu.memory_space<vmem>>, vector<256x256xf32>
    %get3A_34 = arith.constant 0 : index
    %get3A_35 = arith.constant 0 : index
    %get3A_36 = vector.load %arg3[%get3A_34, %get3A_35] : memref<1x256xf32, #tpu.memory_space<vmem>>, vector<1x256xf32>
    %get3A_37 = arith.constant 0 : index
    %get3A_38 = arith.constant 0 : index
    %get3A_39 = vector.load %arg4[%get3A_37, %get3A_38] : memref<16x256xf32, #tpu.memory_space<vmem>>, vector<16x256xf32>
    %sub3A = vector.broadcast %get3A_36 : vector<1x256xf32> to vector<16x256xf32>
    %sub3A_40 = arith.subf %sub3A, %get3A_39 : vector<16x256xf32>
    %slice3A = vector.extract_strided_slice %sub3A_40 {offsets = [0, 0], sizes = [1, 256], strides = [1, 1]} : vector<16x256xf32> to vector<1x256xf32>
    %mul3A = vector.broadcast %get3A_1 : vector<100x1xf32> to vector<100x256xf32>
    %mul3A_41 = vector.broadcast %slice3A : vector<1x256xf32> to vector<100x256xf32>
    %mul3A_42 = arith.mulf %mul3A, %mul3A_41 : vector<100x256xf32>
    %add3A_43 = vector.broadcast %get3A_4 : vector<100x1xf32> to vector<100x256xf32>
    %add3A_44 = arith.addf %mul3A_42, %add3A_43 : vector<100x256xf32>
    %cos3A_45 = math.cos %add3A_44 : vector<100x256xf32>
    %slice3A_46 = vector.extract_strided_slice %get3A_33 {offsets = [0, 0], sizes = [256, 16], strides = [1, 1]} : vector<256x256xf32> to vector<256x16xf32>
    %transpose3A = tpu.transpose %slice3A_46, [1, 0] : vector<256x16xf32> -> vector<16x256xf32>
    %convert_element_type3A_47 = arith.truncf %transpose3A : vector<16x256xf32> to vector<16x256xbf16>
    %slice3A_48 = vector.extract_strided_slice %dot_general3A_25 {offsets = [0, 0], sizes = [128, 256], strides = [1, 1]} : vector<128x4096xf32> to vector<128x256xf32>
    %get3A_49 = arith.constant 0 : index
    %get3A_50 = arith.constant 0 : index
    %get3A_51 = vector.load %arg11[%get3A_49, %get3A_50] : memref<128x16xbf16, #tpu.memory_space<vmem>>, vector<128x16xbf16>
    %dot_general3A_52 = arith.constant dense<0.000000e+00> : vector<128x256xf32>
    %dot_general3A_53 = tpu.matmul %get3A_51, %convert_element_type3A_47, %dot_general3A_52 {dimension_numbers = #tpu.dot_dimension_numbers<[1], [0], [0], [1], [0, 0, 1, 1], [], []>, transpose_lhs_hint = false} : vector<128x16xbf16>, vector<16x256xbf16>, vector<128x256xf32> -> vector<128x256xf32>
    %add3A_54 = arith.addf %slice3A_48, %dot_general3A_53 : vector<128x256xf32>
    %get3A_55 = arith.constant 0 : index
    %get3A_56 = arith.constant 0 : index
    %get3A_57 = vector.load %arg12[%get3A_55, %get3A_56] : memref<128x100xbf16, #tpu.memory_space<vmem>>, vector<128x100xbf16>
    %convert_element_type3A_58 = arith.truncf %cos3A_45 : vector<100x256xf32> to vector<100x256xbf16>
    %dot_general3A_59 = arith.constant dense<0.000000e+00> : vector<128x256xf32>
    %dot_general3A_60 = tpu.matmul %get3A_57, %convert_element_type3A_58, %dot_general3A_59 {dimension_numbers = #tpu.dot_dimension_numbers<[1], [0], [0], [1], [0, 0, 1, 1], [], []>, transpose_lhs_hint = false} : vector<128x100xbf16>, vector<100x256xbf16>, vector<128x256xf32> -> vector<128x256xf32>
    %add3A_61 = arith.addf %add3A_54, %dot_general3A_60 : vector<128x256xf32>
    %slice3A_62 = vector.extract_strided_slice %dot_general3A_30 {offsets = [0, 0], sizes = [128, 256], strides = [1, 1]} : vector<128x4096xf32> to vector<128x256xf32>
    %get3A_63 = arith.constant 0 : index
    %get3A_64 = arith.constant 0 : index
    %get3A_65 = vector.load %arg14[%get3A_63, %get3A_64] : memref<128x16xbf16, #tpu.memory_space<vmem>>, vector<128x16xbf16>
    %dot_general3A_66 = arith.constant dense<0.000000e+00> : vector<128x256xf32>
    %dot_general3A_67 = tpu.matmul %get3A_65, %convert_element_type3A_47, %dot_general3A_66 {dimension_numbers = #tpu.dot_dimension_numbers<[1], [0], [0], [1], [0, 0, 1, 1], [], []>, transpose_lhs_hint = false} : vector<128x16xbf16>, vector<16x256xbf16>, vector<128x256xf32> -> vector<128x256xf32>
    %add3A_68 = arith.addf %slice3A_62, %dot_general3A_67 : vector<128x256xf32>
    %get3A_69 = arith.constant 0 : index
    %get3A_70 = arith.constant 0 : index
    %get3A_71 = vector.load %arg15[%get3A_69, %get3A_70] : memref<128x100xbf16, #tpu.memory_space<vmem>>, vector<128x100xbf16>
    %convert_element_type3A_72 = arith.truncf %cos3A_45 : vector<100x256xf32> to vector<100x256xbf16>
    %dot_general3A_73 = arith.constant dense<0.000000e+00> : vector<128x256xf32>
    %dot_general3A_74 = tpu.matmul %get3A_71, %convert_element_type3A_72, %dot_general3A_73 {dimension_numbers = #tpu.dot_dimension_numbers<[1], [0], [0], [1], [0, 0, 1, 1], [], []>, transpose_lhs_hint = false} : vector<128x100xbf16>, vector<100x256xbf16>, vector<128x256xf32> -> vector<128x256xf32>
    %add3A_75 = arith.addf %add3A_68, %dot_general3A_74 : vector<128x256xf32>
    %mul3A_76 = arith.mulf %add3A_17, %add3A_61 : vector<128x256xf32>
    %slice3A_77 = vector.extract_strided_slice %mul3A_76 {offsets = [0, 0], sizes = [64, 256], strides = [1, 1]} : vector<128x256xf32> to vector<64x256xf32>
    %reduce_sum3A = arith.constant dense<0.000000e+00> : vector<256xf32>
    %reduce_sum3A_78 = vector.multi_reduction <add>, %slice3A_77, %reduce_sum3A [0] : vector<64x256xf32> to vector<256xf32>
    %broadcast_in_dim3A = vector.shape_cast %reduce_sum3A_78 : vector<256xf32> to vector<1x256xf32>
    %slice3A_79 = vector.extract_strided_slice %mul3A_76 {offsets = [64, 0], sizes = [64, 256], strides = [1, 1]} : vector<128x256xf32> to vector<64x256xf32>
    %reduce_sum3A_80 = arith.constant dense<0.000000e+00> : vector<256xf32>
    %reduce_sum3A_81 = vector.multi_reduction <add>, %slice3A_79, %reduce_sum3A_80 [0] : vector<64x256xf32> to vector<256xf32>
    %broadcast_in_dim3A_82 = vector.shape_cast %reduce_sum3A_81 : vector<256xf32> to vector<1x256xf32>
    %slice3A_83 = vector.extract_strided_slice %sub3A_40 {offsets = [1, 0], sizes = [1, 256], strides = [1, 1]} : vector<16x256xf32> to vector<1x256xf32>
    %mul3A_84 = vector.broadcast %get3A_1 : vector<100x1xf32> to vector<100x256xf32>
    %mul3A_85 = vector.broadcast %slice3A_83 : vector<1x256xf32> to vector<100x256xf32>
    %mul3A_86 = arith.mulf %mul3A_84, %mul3A_85 : vector<100x256xf32>
    %add3A_87 = vector.broadcast %get3A_4 : vector<100x1xf32> to vector<100x256xf32>
    %add3A_88 = arith.addf %mul3A_86, %add3A_87 : vector<100x256xf32>
    %cos3A_89 = math.cos %add3A_88 : vector<100x256xf32>
    %slice3A_90 = vector.extract_strided_slice %get3A_33 {offsets = [0, 16], sizes = [256, 16], strides = [1, 1]} : vector<256x256xf32> to vector<256x16xf32>
    %transpose3A_91 = tpu.transpose %slice3A_90, [1, 0] : vector<256x16xf32> -> vector<16x256xf32>
    %convert_element_type3A_92 = arith.truncf %transpose3A_91 : vector<16x256xf32> to vector<16x256xbf16>
    %slice3A_93 = vector.extract_strided_slice %dot_general3A_25 {offsets = [0, 256], sizes = [128, 256], strides = [1, 1]} : vector<128x4096xf32> to vector<128x256xf32>
    %get3A_94 = arith.constant 0 : index
    %get3A_95 = arith.constant 0 : index
    %get3A_96 = vector.load %arg11[%get3A_94, %get3A_95] : memref<128x16xbf16, #tpu.memory_space<vmem>>, vector<128x16xbf16>
    %dot_general3A_97 = arith.constant dense<0.000000e+00> : vector<128x256xf32>
    %dot_general3A_98 = tpu.matmul %get3A_96, %convert_element_type3A_92, %dot_general3A_97 {dimension_numbers = #tpu.dot_dimension_numbers<[1], [0], [0], [1], [0, 0, 1, 1], [], []>, transpose_lhs_hint = false} : vector<128x16xbf16>, vector<16x256xbf16>, vector<128x256xf32> -> vector<128x256xf32>
    %add3A_99 = arith.addf %slice3A_93, %dot_general3A_98 : vector<128x256xf32>
    %get3A_100 = arith.constant 0 : index
    %get3A_101 = arith.constant 0 : index
    %get3A_102 = vector.load %arg12[%get3A_100, %get3A_101] : memref<128x100xbf16, #tpu.memory_space<vmem>>, vector<128x100xbf16>
    %convert_element_type3A_103 = arith.truncf %cos3A_89 : vector<100x256xf32> to vector<100x256xbf16>
    %dot_general3A_104 = arith.constant dense<0.000000e+00> : vector<128x256xf32>
    %dot_general3A_105 = tpu.matmul %get3A_102, %convert_element_type3A_103, %dot_general3A_104 {dimension_numbers = #tpu.dot_dimension_numbers<[1], [0], [0], [1], [0, 0, 1, 1], [], []>, transpose_lhs_hint = false} : vector<128x100xbf16>, vector<100x256xbf16>, vector<128x256xf32> -> vector<128x256xf32>
    %add3A_106 = arith.addf %add3A_99, %dot_general3A_105 : vector<128x256xf32>
    %slice3A_107 = vector.extract_strided_slice %dot_general3A_30 {offsets = [0, 256], sizes = [128, 256], strides = [1, 1]} : vector<128x4096xf32> to vector<128x256xf32>
    %get3A_108 = arith.constant 0 : index
    %get3A_109 = arith.constant 0 : index
    %get3A_110 = vector.load %arg14[%get3A_108, %get3A_109] : memref<128x16xbf16, #tpu.memory_space<vmem>>, vector<128x16xbf16>
    %dot_general3A_111 = arith.constant dense<0.000000e+00> : vector<128x256xf32>
    %dot_general3A_112 = tpu.matmul %get3A_110, %convert_element_type3A_92, %dot_general3A_111 {dimension_numbers = #tpu.dot_dimension_numbers<[1], [0], [0], [1], [0, 0, 1, 1], [], []>, transpose_lhs_hint = false} : vector<128x16xbf16>, vector<16x256xbf16>, vector<128x256xf32> -> vector<128x256xf32>
    %add3A_113 = arith.addf %slice3A_107, %dot_general3A_112 : vector<128x256xf32>
    %get3A_114 = arith.constant 0 : index
    %get3A_115 = arith.constant 0 : index
    %get3A_116 = vector.load %arg15[%get3A_114, %get3A_115] : memref<128x100xbf16, #tpu.memory_space<vmem>>, vector<128x100xbf16>
    %convert_element_type3A_117 = arith.truncf %cos3A_89 : vector<100x256xf32> to vector<100x256xbf16>
    %dot_general3A_118 = arith.constant dense<0.000000e+00> : vector<128x256xf32>
    %dot_general3A_119 = tpu.matmul %get3A_116, %convert_element_type3A_117, %dot_general3A_118 {dimension_numbers = #tpu.dot_dimension_numbers<[1], [0], [0], [1], [0, 0, 1, 1], [], []>, transpose_lhs_hint = false} : vector<128x100xbf16>, vector<100x256xbf16>, vector<128x256xf32> -> vector<128x256xf32>
    %add3A_120 = arith.addf %add3A_113, %dot_general3A_119 : vector<128x256xf32>
    %mul3A_121 = arith.mulf %add3A_17, %add3A_106 : vector<128x256xf32>
    %slice3A_122 = vector.extract_strided_slice %mul3A_121 {offsets = [0, 0], sizes = [64, 256], strides = [1, 1]} : vector<128x256xf32> to vector<64x256xf32>
    %reduce_sum3A_123 = arith.constant dense<0.000000e+00> : vector<256xf32>
    %reduce_sum3A_124 = vector.multi_reduction <add>, %slice3A_122, %reduce_sum3A_123 [0] : vector<64x256xf32> to vector<256xf32>
    %broadcast_in_dim3A_125 = vector.shape_cast %reduce_sum3A_124 : vector<256xf32> to vector<1x256xf32>
    %slice3A_126 = vector.extract_strided_slice %mul3A_121 {offsets = [64, 0], sizes = [64, 256], strides = [1, 1]} : vector<128x256xf32> to vector<64x256xf32>
    %reduce_sum3A_127 = arith.constant dense<0.000000e+00> : vector<256xf32>
    %reduce_sum3A_128 = vector.multi_reduction <add>, %slice3A_126, %reduce_sum3A_127 [0] : vector<64x256xf32> to vector<256xf32>
    %broadcast_in_dim3A_129 = vector.shape_cast %reduce_sum3A_128 : vector<256xf32> to vector<1x256xf32>
    %slice3A_130 = vector.extract_strided_slice %sub3A_40 {offsets = [2, 0], sizes = [1, 256], strides = [1, 1]} : vector<16x256xf32> to vector<1x256xf32>
    %mul3A_131 = vector.broadcast %get3A_1 : vector<100x1xf32> to vector<100x256xf32>
    %mul3A_132 = vector.broadcast %slice3A_130 : vector<1x256xf32> to vector<100x256xf32>
    %mul3A_133 = arith.mulf %mul3A_131, %mul3A_132 : vector<100x256xf32>
    %add3A_134 = vector.broadcast %get3A_4 : vector<100x1xf32> to vector<100x256xf32>
    %add3A_135 = arith.addf %mul3A_133, %add3A_134 : vector<100x256xf32>
    %cos3A_136 = math.cos %add3A_135 : vector<100x256xf32>
    %slice3A_137 = vector.extract_strided_slice %get3A_33 {offsets = [0, 32], sizes = [256, 16], strides = [1, 1]} : vector<256x256xf32> to vector<256x16xf32>
    %transpose3A_138 = tpu.transpose %slice3A_137, [1, 0] : vector<256x16xf32> -> vector<16x256xf32>
    %convert_element_type3A_139 = arith.truncf %transpose3A_138 : vector<16x256xf32> to vector<16x256xbf16>
    %slice3A_140 = vector.extract_strided_slice %dot_general3A_25 {offsets = [0, 512], sizes = [128, 256], strides = [1, 1]} : vector<128x4096xf32> to vector<128x256xf32>
    %get3A_141 = arith.constant 0 : index
    %get3A_142 = arith.constant 0 : index
    %get3A_143 = vector.load %arg11[%get3A_141, %get3A_142] : memref<128x16xbf16, #tpu.memory_space<vmem>>, vector<128x16xbf16>
    %dot_general3A_144 = arith.constant dense<0.000000e+00> : vector<128x256xf32>
    %dot_general3A_145 = tpu.matmul %get3A_143, %convert_element_type3A_139, %dot_general3A_144 {dimension_numbers = #tpu.dot_dimension_numbers<[1], [0], [0], [1], [0, 0, 1, 1], [], []>, transpose_lhs_hint = false} : vector<128x16xbf16>, vector<16x256xbf16>, vector<128x256xf32> -> vector<128x256xf32>
    %add3A_146 = arith.addf %slice3A_140, %dot_general3A_145 : vector<128x256xf32>
    %get3A_147 = arith.constant 0 : index
    %get3A_148 = arith.constant 0 : index
    %get3A_149 = vector.load %arg12[%get3A_147, %get3A_148] : memref<128x100xbf16, #tpu.memory_space<vmem>>, vector<128x100xbf16>
    %convert_element_type3A_150 = arith.truncf %cos3A_136 : vector<100x256xf32> to vector<100x256xbf16>
    %dot_general3A_151 = arith.constant dense<0.000000e+00> : vector<128x256xf32>
    %dot_general3A_152 = tpu.matmul %get3A_149, %convert_element_type3A_150, %dot_general3A_151 {dimension_numbers = #tpu.dot_dimension_numbers<[1], [0], [0], [1], [0, 0, 1, 1], [], []>, transpose_lhs_hint = false} : vector<128x100xbf16>, vector<100x256xbf16>, vector<128x256xf32> -> vector<128x256xf32>
    %add3A_153 = arith.addf %add3A_146, %dot_general3A_152 : vector<128x256xf32>
    %slice3A_154 = vector.extract_strided_slice %dot_general3A_30 {offsets = [0, 512], sizes = [128, 256], strides = [1, 1]} : vector<128x4096xf32> to vector<128x256xf32>
    %get3A_155 = arith.constant 0 : index
    %get3A_156 = arith.constant 0 : index
    %get3A_157 = vector.load %arg14[%get3A_155, %get3A_156] : memref<128x16xbf16, #tpu.memory_space<vmem>>, vector<128x16xbf16>
    %dot_general3A_158 = arith.constant dense<0.000000e+00> : vector<128x256xf32>
    %dot_general3A_159 = tpu.matmul %get3A_157, %convert_element_type3A_139, %dot_general3A_158 {dimension_numbers = #tpu.dot_dimension_numbers<[1], [0], [0], [1], [0, 0, 1, 1], [], []>, transpose_lhs_hint = false} : vector<128x16xbf16>, vector<16x256xbf16>, vector<128x256xf32> -> vector<128x256xf32>
    %add3A_160 = arith.addf %slice3A_154, %dot_general3A_159 : vector<128x256xf32>
    %get3A_161 = arith.constant 0 : index
    %get3A_162 = arith.constant 0 : index
    %get3A_163 = vector.load %arg15[%get3A_161, %get3A_162] : memref<128x100xbf16, #tpu.memory_space<vmem>>, vector<128x100xbf16>
    %convert_element_type3A_164 = arith.truncf %cos3A_136 : vector<100x256xf32> to vector<100x256xbf16>
    %dot_general3A_165 = arith.constant dense<0.000000e+00> : vector<128x256xf32>
    %dot_general3A_166 = tpu.matmul %get3A_163, %convert_element_type3A_164, %dot_general3A_165 {dimension_numbers = #tpu.dot_dimension_numbers<[1], [0], [0], [1], [0, 0, 1, 1], [], []>, transpose_lhs_hint = false} : vector<128x100xbf16>, vector<100x256xbf16>, vector<128x256xf32> -> vector<128x256xf32>
    %add3A_167 = arith.addf %add3A_160, %dot_general3A_166 : vector<128x256xf32>
    %mul3A_168 = arith.mulf %add3A_17, %add3A_153 : vector<128x256xf32>
    %slice3A_169 = vector.extract_strided_slice %mul3A_168 {offsets = [0, 0], sizes = [64, 256], strides = [1, 1]} : vector<128x256xf32> to vector<64x256xf32>
    %reduce_sum3A_170 = arith.constant dense<0.000000e+00> : vector<256xf32>
    %reduce_sum3A_171 = vector.multi_reduction <add>, %slice3A_169, %reduce_sum3A_170 [0] : vector<64x256xf32> to vector<256xf32>
    %broadcast_in_dim3A_172 = vector.shape_cast %reduce_sum3A_171 : vector<256xf32> to vector<1x256xf32>
    %slice3A_173 = vector.extract_strided_slice %mul3A_168 {offsets = [64, 0], sizes = [64, 256], strides = [1, 1]} : vector<128x256xf32> to vector<64x256xf32>
    %reduce_sum3A_174 = arith.constant dense<0.000000e+00> : vector<256xf32>
    %reduce_sum3A_175 = vector.multi_reduction <add>, %slice3A_173, %reduce_sum3A_174 [0] : vector<64x256xf32> to vector<256xf32>
    %broadcast_in_dim3A_176 = vector.shape_cast %reduce_sum3A_175 : vector<256xf32> to vector<1x256xf32>
    %slice3A_177 = vector.extract_strided_slice %sub3A_40 {offsets = [3, 0], sizes = [1, 256], strides = [1, 1]} : vector<16x256xf32> to vector<1x256xf32>
    %mul3A_178 = vector.broadcast %get3A_1 : vector<100x1xf32> to vector<100x256xf32>
    %mul3A_179 = vector.broadcast %slice3A_177 : vector<1x256xf32> to vector<100x256xf32>
    %mul3A_180 = arith.mulf %mul3A_178, %mul3A_179 : vector<100x256xf32>
    %add3A_181 = vector.broadcast %get3A_4 : vector<100x1xf32> to vector<100x256xf32>
    %add3A_182 = arith.addf %mul3A_180, %add3A_181 : vector<100x256xf32>
    %cos3A_183 = math.cos %add3A_182 : vector<100x256xf32>
    %slice3A_184 = vector.extract_strided_slice %get3A_33 {offsets = [0, 48], sizes = [256, 16], strides = [1, 1]} : vector<256x256xf32> to vector<256x16xf32>
    %transpose3A_185 = tpu.transpose %slice3A_184, [1, 0] : vector<256x16xf32> -> vector<16x256xf32>
    %convert_element_type3A_186 = arith.truncf %transpose3A_185 : vector<16x256xf32> to vector<16x256xbf16>
    %slice3A_187 = vector.extract_strided_slice %dot_general3A_25 {offsets = [0, 768], sizes = [128, 256], strides = [1, 1]} : vector<128x4096xf32> to vector<128x256xf32>
    %get3A_188 = arith.constant 0 : index
    %get3A_189 = arith.constant 0 : index
    %get3A_190 = vector.load %arg11[%get3A_188, %get3A_189] : memref<128x16xbf16, #tpu.memory_space<vmem>>, vector<128x16xbf16>
    %dot_general3A_191 = arith.constant dense<0.000000e+00> : vector<128x256xf32>
    %dot_general3A_192 = tpu.matmul %get3A_190, %convert_element_type3A_186, %dot_general3A_191 {dimension_numbers = #tpu.dot_dimension_numbers<[1], [0], [0], [1], [0, 0, 1, 1], [], []>, transpose_lhs_hint = false} : vector<128x16xbf16>, vector<16x256xbf16>, vector<128x256xf32> -> vector<128x256xf32>
    %add3A_193 = arith.addf %slice3A_187, %dot_general3A_192 : vector<128x256xf32>
    %get3A_194 = arith.constant 0 : index
    %get3A_195 = arith.constant 0 : index
    %get3A_196 = vector.load %arg12[%get3A_194, %get3A_195] : memref<128x100xbf16, #tpu.memory_space<vmem>>, vector<128x100xbf16>
    %convert_element_type3A_197 = arith.truncf %cos3A_183 : vector<100x256xf32> to vector<100x256xbf16>
    %dot_general3A_198 = arith.constant dense<0.000000e+00> : vector<128x256xf32>
    %dot_general3A_199 = tpu.matmul %get3A_196, %convert_element_type3A_197, %dot_general3A_198 {dimension_numbers = #tpu.dot_dimension_numbers<[1], [0], [0], [1], [0, 0, 1, 1], [], []>, transpose_lhs_hint = false} : vector<128x100xbf16>, vector<100x256xbf16>, vector<128x256xf32> -> vector<128x256xf32>
    %add3A_200 = arith.addf %add3A_193, %dot_general3A_199 : vector<128x256xf32>
    %slice3A_201 = vector.extract_strided_slice %dot_general3A_30 {offsets = [0, 768], sizes = [128, 256], strides = [1, 1]} : vector<128x4096xf32> to vector<128x256xf32>
    %get3A_202 = arith.constant 0 : index
    %get3A_203 = arith.constant 0 : index
    %get3A_204 = vector.load %arg14[%get3A_202, %get3A_203] : memref<128x16xbf16, #tpu.memory_space<vmem>>, vector<128x16xbf16>
    %dot_general3A_205 = arith.constant dense<0.000000e+00> : vector<128x256xf32>
    %dot_general3A_206 = tpu.matmul %get3A_204, %convert_element_type3A_186, %dot_general3A_205 {dimension_numbers = #tpu.dot_dimension_numbers<[1], [0], [0], [1], [0, 0, 1, 1], [], []>, transpose_lhs_hint = false} : vector<128x16xbf16>, vector<16x256xbf16>, vector<128x256xf32> -> vector<128x256xf32>
    %add3A_207 = arith.addf %slice3A_201, %dot_general3A_206 : vector<128x256xf32>
    %get3A_208 = arith.constant 0 : index
    %get3A_209 = arith.constant 0 : index
    %get3A_210 = vector.load %arg15[%get3A_208, %get3A_209] : memref<128x100xbf16, #tpu.memory_space<vmem>>, vector<128x100xbf16>
    %convert_element_type3A_211 = arith.truncf %cos3A_183 : vector<100x256xf32> to vector<100x256xbf16>
    %dot_general3A_212 = arith.constant dense<0.000000e+00> : vector<128x256xf32>
    %dot_general3A_213 = tpu.matmul %get3A_210, %convert_element_type3A_211, %dot_general3A_212 {dimension_numbers = #tpu.dot_dimension_numbers<[1], [0], [0], [1], [0, 0, 1, 1], [], []>, transpose_lhs_hint = false} : vector<128x100xbf16>, vector<100x256xbf16>, vector<128x256xf32> -> vector<128x256xf32>
    %add3A_214 = arith.addf %add3A_207, %dot_general3A_213 : vector<128x256xf32>
    %mul3A_215 = arith.mulf %add3A_17, %add3A_200 : vector<128x256xf32>
    %slice3A_216 = vector.extract_strided_slice %mul3A_215 {offsets = [0, 0], sizes = [64, 256], strides = [1, 1]} : vector<128x256xf32> to vector<64x256xf32>
    %reduce_sum3A_217 = arith.constant dense<0.000000e+00> : vector<256xf32>
    %reduce_sum3A_218 = vector.multi_reduction <add>, %slice3A_216, %reduce_sum3A_217 [0] : vector<64x256xf32> to vector<256xf32>
    %broadcast_in_dim3A_219 = vector.shape_cast %reduce_sum3A_218 : vector<256xf32> to vector<1x256xf32>
    %slice3A_220 = vector.extract_strided_slice %mul3A_215 {offsets = [64, 0], sizes = [64, 256], strides = [1, 1]} : vector<128x256xf32> to vector<64x256xf32>
    %reduce_sum3A_221 = arith.constant dense<0.000000e+00> : vector<256xf32>
    %reduce_sum3A_222 = vector.multi_reduction <add>, %slice3A_220, %reduce_sum3A_221 [0] : vector<64x256xf32> to vector<256xf32>
    %broadcast_in_dim3A_223 = vector.shape_cast %reduce_sum3A_222 : vector<256xf32> to vector<1x256xf32>
    %slice3A_224 = vector.extract_strided_slice %sub3A_40 {offsets = [4, 0], sizes = [1, 256], strides = [1, 1]} : vector<16x256xf32> to vector<1x256xf32>
    %mul3A_225 = vector.broadcast %get3A_1 : vector<100x1xf32> to vector<100x256xf32>
    %mul3A_226 = vector.broadcast %slice3A_224 : vector<1x256xf32> to vector<100x256xf32>
    %mul3A_227 = arith.mulf %mul3A_225, %mul3A_226 : vector<100x256xf32>
    %add3A_228 = vector.broadcast %get3A_4 : vector<100x1xf32> to vector<100x256xf32>
    %add3A_229 = arith.addf %mul3A_227, %add3A_228 : vector<100x256xf32>
    %cos3A_230 = math.cos %add3A_229 : vector<100x256xf32>
    %slice3A_231 = vector.extract_strided_slice %get3A_33 {offsets = [0, 64], sizes = [256, 16], strides = [1, 1]} : vector<256x256xf32> to vector<256x16xf32>
    %transpose3A_232 = tpu.transpose %slice3A_231, [1, 0] : vector<256x16xf32> -> vector<16x256xf32>
    %convert_element_type3A_233 = arith.truncf %transpose3A_232 : vector<16x256xf32> to vector<16x256xbf16>
    %slice3A_234 = vector.extract_strided_slice %dot_general3A_25 {offsets = [0, 1024], sizes = [128, 256], strides = [1, 1]} : vector<128x4096xf32> to vector<128x256xf32>
    %get3A_235 = arith.constant 0 : index
    %get3A_236 = arith.constant 0 : index
    %get3A_237 = vector.load %arg11[%get3A_235, %get3A_236] : memref<128x16xbf16, #tpu.memory_space<vmem>>, vector<128x16xbf16>
    %dot_general3A_238 = arith.constant dense<0.000000e+00> : vector<128x256xf32>
    %dot_general3A_239 = tpu.matmul %get3A_237, %convert_element_type3A_233, %dot_general3A_238 {dimension_numbers = #tpu.dot_dimension_numbers<[1], [0], [0], [1], [0, 0, 1, 1], [], []>, transpose_lhs_hint = false} : vector<128x16xbf16>, vector<16x256xbf16>, vector<128x256xf32> -> vector<128x256xf32>
    %add3A_240 = arith.addf %slice3A_234, %dot_general3A_239 : vector<128x256xf32>
    %get3A_241 = arith.constant 0 : index
    %get3A_242 = arith.constant 0 : index
    %get3A_243 = vector.load %arg12[%get3A_241, %get3A_242] : memref<128x100xbf16, #tpu.memory_space<vmem>>, vector<128x100xbf16>
    %convert_element_type3A_244 = arith.truncf %cos3A_230 : vector<100x256xf32> to vector<100x256xbf16>
    %dot_general3A_245 = arith.constant dense<0.000000e+00> : vector<128x256xf32>
    %dot_general3A_246 = tpu.matmul %get3A_243, %convert_element_type3A_244, %dot_general3A_245 {dimension_numbers = #tpu.dot_dimension_numbers<[1], [0], [0], [1], [0, 0, 1, 1], [], []>, transpose_lhs_hint = false} : vector<128x100xbf16>, vector<100x256xbf16>, vector<128x256xf32> -> vector<128x256xf32>
    %add3A_247 = arith.addf %add3A_240, %dot_general3A_246 : vector<128x256xf32>
    %slice3A_248 = vector.extract_strided_slice %dot_general3A_30 {offsets = [0, 1024], sizes = [128, 256], strides = [1, 1]} : vector<128x4096xf32> to vector<128x256xf32>
    %get3A_249 = arith.constant 0 : index
    %get3A_250 = arith.constant 0 : index
    %get3A_251 = vector.load %arg14[%get3A_249, %get3A_250] : memref<128x16xbf16, #tpu.memory_space<vmem>>, vector<128x16xbf16>
    %dot_general3A_252 = arith.constant dense<0.000000e+00> : vector<128x256xf32>
    %dot_general3A_253 = tpu.matmul %get3A_251, %convert_element_type3A_233, %dot_general3A_252 {dimension_numbers = #tpu.dot_dimension_numbers<[1], [0], [0], [1], [0, 0, 1, 1], [], []>, transpose_lhs_hint = false} : vector<128x16xbf16>, vector<16x256xbf16>, vector<128x256xf32> -> vector<128x256xf32>
    %add3A_254 = arith.addf %slice3A_248, %dot_general3A_253 : vector<128x256xf32>
    %get3A_255 = arith.constant 0 : index
    %get3A_256 = arith.constant 0 : index
    %get3A_257 = vector.load %arg15[%get3A_255, %get3A_256] : memref<128x100xbf16, #tpu.memory_space<vmem>>, vector<128x100xbf16>
    %convert_element_type3A_258 = arith.truncf %cos3A_230 : vector<100x256xf32> to vector<100x256xbf16>
    %dot_general3A_259 = arith.constant dense<0.000000e+00> : vector<128x256xf32>
    %dot_general3A_260 = tpu.matmul %get3A_257, %convert_element_type3A_258, %dot_general3A_259 {dimension_numbers = #tpu.dot_dimension_numbers<[1], [0], [0], [1], [0, 0, 1, 1], [], []>, transpose_lhs_hint = false} : vector<128x100xbf16>, vector<100x256xbf16>, vector<128x256xf32> -> vector<128x256xf32>
    %add3A_261 = arith.addf %add3A_254, %dot_general3A_260 : vector<128x256xf32>
    %mul3A_262 = arith.mulf %add3A_17, %add3A_247 : vector<128x256xf32>
    %slice3A_263 = vector.extract_strided_slice %mul3A_262 {offsets = [0, 0], sizes = [64, 256], strides = [1, 1]} : vector<128x256xf32> to vector<64x256xf32>
    %reduce_sum3A_264 = arith.constant dense<0.000000e+00> : vector<256xf32>
    %reduce_sum3A_265 = vector.multi_reduction <add>, %slice3A_263, %reduce_sum3A_264 [0] : vector<64x256xf32> to vector<256xf32>
    %broadcast_in_dim3A_266 = vector.shape_cast %reduce_sum3A_265 : vector<256xf32> to vector<1x256xf32>
    %slice3A_267 = vector.extract_strided_slice %mul3A_262 {offsets = [64, 0], sizes = [64, 256], strides = [1, 1]} : vector<128x256xf32> to vector<64x256xf32>
    %reduce_sum3A_268 = arith.constant dense<0.000000e+00> : vector<256xf32>
    %reduce_sum3A_269 = vector.multi_reduction <add>, %slice3A_267, %reduce_sum3A_268 [0] : vector<64x256xf32> to vector<256xf32>
    %broadcast_in_dim3A_270 = vector.shape_cast %reduce_sum3A_269 : vector<256xf32> to vector<1x256xf32>
    %slice3A_271 = vector.extract_strided_slice %sub3A_40 {offsets = [5, 0], sizes = [1, 256], strides = [1, 1]} : vector<16x256xf32> to vector<1x256xf32>
    %mul3A_272 = vector.broadcast %get3A_1 : vector<100x1xf32> to vector<100x256xf32>
    %mul3A_273 = vector.broadcast %slice3A_271 : vector<1x256xf32> to vector<100x256xf32>
    %mul3A_274 = arith.mulf %mul3A_272, %mul3A_273 : vector<100x256xf32>
    %add3A_275 = vector.broadcast %get3A_4 : vector<100x1xf32> to vector<100x256xf32>
    %add3A_276 = arith.addf %mul3A_274, %add3A_275 : vector<100x256xf32>
    %cos3A_277 = math.cos %add3A_276 : vector<100x256xf32>
    %slice3A_278 = vector.extract_strided_slice %get3A_33 {offsets = [0, 80], sizes = [256, 16], strides = [1, 1]} : vector<256x256xf32> to vector<256x16xf32>
    %transpose3A_279 = tpu.transpose %slice3A_278, [1, 0] : vector<256x16xf32> -> vector<16x256xf32>
    %convert_element_type3A_280 = arith.truncf %transpose3A_279 : vector<16x256xf32> to vector<16x256xbf16>
    %slice3A_281 = vector.extract_strided_slice %dot_general3A_25 {offsets = [0, 1280], sizes = [128, 256], strides = [1, 1]} : vector<128x4096xf32> to vector<128x256xf32>
    %get3A_282 = arith.constant 0 : index
    %get3A_283 = arith.constant 0 : index
    %get3A_284 = vector.load %arg11[%get3A_282, %get3A_283] : memref<128x16xbf16, #tpu.memory_space<vmem>>, vector<128x16xbf16>
    %dot_general3A_285 = arith.constant dense<0.000000e+00> : vector<128x256xf32>
    %dot_general3A_286 = tpu.matmul %get3A_284, %convert_element_type3A_280, %dot_general3A_285 {dimension_numbers = #tpu.dot_dimension_numbers<[1], [0], [0], [1], [0, 0, 1, 1], [], []>, transpose_lhs_hint = false} : vector<128x16xbf16>, vector<16x256xbf16>, vector<128x256xf32> -> vector<128x256xf32>
    %add3A_287 = arith.addf %slice3A_281, %dot_general3A_286 : vector<128x256xf32>
    %get3A_288 = arith.constant 0 : index
    %get3A_289 = arith.constant 0 : index
    %get3A_290 = vector.load %arg12[%get3A_288, %get3A_289] : memref<128x100xbf16, #tpu.memory_space<vmem>>, vector<128x100xbf16>
    %convert_element_type3A_291 = arith.truncf %cos3A_277 : vector<100x256xf32> to vector<100x256xbf16>
    %dot_general3A_292 = arith.constant dense<0.000000e+00> : vector<128x256xf32>
    %dot_general3A_293 = tpu.matmul %get3A_290, %convert_element_type3A_291, %dot_general3A_292 {dimension_numbers = #tpu.dot_dimension_numbers<[1], [0], [0], [1], [0, 0, 1, 1], [], []>, transpose_lhs_hint = false} : vector<128x100xbf16>, vector<100x256xbf16>, vector<128x256xf32> -> vector<128x256xf32>
    %add3A_294 = arith.addf %add3A_287, %dot_general3A_293 : vector<128x256xf32>
    %slice3A_295 = vector.extract_strided_slice %dot_general3A_30 {offsets = [0, 1280], sizes = [128, 256], strides = [1, 1]} : vector<128x4096xf32> to vector<128x256xf32>
    %get3A_296 = arith.constant 0 : index
    %get3A_297 = arith.constant 0 : index
    %get3A_298 = vector.load %arg14[%get3A_296, %get3A_297] : memref<128x16xbf16, #tpu.memory_space<vmem>>, vector<128x16xbf16>
    %dot_general3A_299 = arith.constant dense<0.000000e+00> : vector<128x256xf32>
    %dot_general3A_300 = tpu.matmul %get3A_298, %convert_element_type3A_280, %dot_general3A_299 {dimension_numbers = #tpu.dot_dimension_numbers<[1], [0], [0], [1], [0, 0, 1, 1], [], []>, transpose_lhs_hint = false} : vector<128x16xbf16>, vector<16x256xbf16>, vector<128x256xf32> -> vector<128x256xf32>
    %add3A_301 = arith.addf %slice3A_295, %dot_general3A_300 : vector<128x256xf32>
    %get3A_302 = arith.constant 0 : index
    %get3A_303 = arith.constant 0 : index
    %get3A_304 = vector.load %arg15[%get3A_302, %get3A_303] : memref<128x100xbf16, #tpu.memory_space<vmem>>, vector<128x100xbf16>
    %convert_element_type3A_305 = arith.truncf %cos3A_277 : vector<100x256xf32> to vector<100x256xbf16>
    %dot_general3A_306 = arith.constant dense<0.000000e+00> : vector<128x256xf32>
    %dot_general3A_307 = tpu.matmul %get3A_304, %convert_element_type3A_305, %dot_general3A_306 {dimension_numbers = #tpu.dot_dimension_numbers<[1], [0], [0], [1], [0, 0, 1, 1], [], []>, transpose_lhs_hint = false} : vector<128x100xbf16>, vector<100x256xbf16>, vector<128x256xf32> -> vector<128x256xf32>
    %add3A_308 = arith.addf %add3A_301, %dot_general3A_307 : vector<128x256xf32>
    %mul3A_309 = arith.mulf %add3A_17, %add3A_294 : vector<128x256xf32>
    %slice3A_310 = vector.extract_strided_slice %mul3A_309 {offsets = [0, 0], sizes = [64, 256], strides = [1, 1]} : vector<128x256xf32> to vector<64x256xf32>
    %reduce_sum3A_311 = arith.constant dense<0.000000e+00> : vector<256xf32>
    %reduce_sum3A_312 = vector.multi_reduction <add>, %slice3A_310, %reduce_sum3A_311 [0] : vector<64x256xf32> to vector<256xf32>
    %broadcast_in_dim3A_313 = vector.shape_cast %reduce_sum3A_312 : vector<256xf32> to vector<1x256xf32>
    %slice3A_314 = vector.extract_strided_slice %mul3A_309 {offsets = [64, 0], sizes = [64, 256], strides = [1, 1]} : vector<128x256xf32> to vector<64x256xf32>
    %reduce_sum3A_315 = arith.constant dense<0.000000e+00> : vector<256xf32>
    %reduce_sum3A_316 = vector.multi_reduction <add>, %slice3A_314, %reduce_sum3A_315 [0] : vector<64x256xf32> to vector<256xf32>
    %broadcast_in_dim3A_317 = vector.shape_cast %reduce_sum3A_316 : vector<256xf32> to vector<1x256xf32>
    %slice3A_318 = vector.extract_strided_slice %sub3A_40 {offsets = [6, 0], sizes = [1, 256], strides = [1, 1]} : vector<16x256xf32> to vector<1x256xf32>
    %mul3A_319 = vector.broadcast %get3A_1 : vector<100x1xf32> to vector<100x256xf32>
    %mul3A_320 = vector.broadcast %slice3A_318 : vector<1x256xf32> to vector<100x256xf32>
    %mul3A_321 = arith.mulf %mul3A_319, %mul3A_320 : vector<100x256xf32>
    %add3A_322 = vector.broadcast %get3A_4 : vector<100x1xf32> to vector<100x256xf32>
    %add3A_323 = arith.addf %mul3A_321, %add3A_322 : vector<100x256xf32>
    %cos3A_324 = math.cos %add3A_323 : vector<100x256xf32>
    %slice3A_325 = vector.extract_strided_slice %get3A_33 {offsets = [0, 96], sizes = [256, 16], strides = [1, 1]} : vector<256x256xf32> to vector<256x16xf32>
    %transpose3A_326 = tpu.transpose %slice3A_325, [1, 0] : vector<256x16xf32> -> vector<16x256xf32>
    %convert_element_type3A_327 = arith.truncf %transpose3A_326 : vector<16x256xf32> to vector<16x256xbf16>
    %slice3A_328 = vector.extract_strided_slice %dot_general3A_25 {offsets = [0, 1536], sizes = [128, 256], strides = [1, 1]} : vector<128x4096xf32> to vector<128x256xf32>
    %get3A_329 = arith.constant 0 : index
    %get3A_330 = arith.constant 0 : index
    %get3A_331 = vector.load %arg11[%get3A_329, %get3A_330] : memref<128x16xbf16, #tpu.memory_space<vmem>>, vector<128x16xbf16>
    %dot_general3A_332 = arith.constant dense<0.000000e+00> : vector<128x256xf32>
    %dot_general3A_333 = tpu.matmul %get3A_331, %convert_element_type3A_327, %dot_general3A_332 {dimension_numbers = #tpu.dot_dimension_numbers<[1], [0], [0], [1], [0, 0, 1, 1], [], []>, transpose_lhs_hint = false} : vector<128x16xbf16>, vector<16x256xbf16>, vector<128x256xf32> -> vector<128x256xf32>
    %add3A_334 = arith.addf %slice3A_328, %dot_general3A_333 : vector<128x256xf32>
    %get3A_335 = arith.constant 0 : index
    %get3A_336 = arith.constant 0 : index
    %get3A_337 = vector.load %arg12[%get3A_335, %get3A_336] : memref<128x100xbf16, #tpu.memory_space<vmem>>, vector<128x100xbf16>
    %convert_element_type3A_338 = arith.truncf %cos3A_324 : vector<100x256xf32> to vector<100x256xbf16>
    %dot_general3A_339 = arith.constant dense<0.000000e+00> : vector<128x256xf32>
    %dot_general3A_340 = tpu.matmul %get3A_337, %convert_element_type3A_338, %dot_general3A_339 {dimension_numbers = #tpu.dot_dimension_numbers<[1], [0], [0], [1], [0, 0, 1, 1], [], []>, transpose_lhs_hint = false} : vector<128x100xbf16>, vector<100x256xbf16>, vector<128x256xf32> -> vector<128x256xf32>
    %add3A_341 = arith.addf %add3A_334, %dot_general3A_340 : vector<128x256xf32>
    %slice3A_342 = vector.extract_strided_slice %dot_general3A_30 {offsets = [0, 1536], sizes = [128, 256], strides = [1, 1]} : vector<128x4096xf32> to vector<128x256xf32>
    %get3A_343 = arith.constant 0 : index
    %get3A_344 = arith.constant 0 : index
    %get3A_345 = vector.load %arg14[%get3A_343, %get3A_344] : memref<128x16xbf16, #tpu.memory_space<vmem>>, vector<128x16xbf16>
    %dot_general3A_346 = arith.constant dense<0.000000e+00> : vector<128x256xf32>
    %dot_general3A_347 = tpu.matmul %get3A_345, %convert_element_type3A_327, %dot_general3A_346 {dimension_numbers = #tpu.dot_dimension_numbers<[1], [0], [0], [1], [0, 0, 1, 1], [], []>, transpose_lhs_hint = false} : vector<128x16xbf16>, vector<16x256xbf16>, vector<128x256xf32> -> vector<128x256xf32>
    %add3A_348 = arith.addf %slice3A_342, %dot_general3A_347 : vector<128x256xf32>
    %get3A_349 = arith.constant 0 : index
    %get3A_350 = arith.constant 0 : index
    %get3A_351 = vector.load %arg15[%get3A_349, %get3A_350] : memref<128x100xbf16, #tpu.memory_space<vmem>>, vector<128x100xbf16>
    %convert_element_type3A_352 = arith.truncf %cos3A_324 : vector<100x256xf32> to vector<100x256xbf16>
    %dot_general3A_353 = arith.constant dense<0.000000e+00> : vector<128x256xf32>
    %dot_general3A_354 = tpu.matmul %get3A_351, %convert_element_type3A_352, %dot_general3A_353 {dimension_numbers = #tpu.dot_dimension_numbers<[1], [0], [0], [1], [0, 0, 1, 1], [], []>, transpose_lhs_hint = false} : vector<128x100xbf16>, vector<100x256xbf16>, vector<128x256xf32> -> vector<128x256xf32>
    %add3A_355 = arith.addf %add3A_348, %dot_general3A_354 : vector<128x256xf32>
    %mul3A_356 = arith.mulf %add3A_17, %add3A_341 : vector<128x256xf32>
    %slice3A_357 = vector.extract_strided_slice %mul3A_356 {offsets = [0, 0], sizes = [64, 256], strides = [1, 1]} : vector<128x256xf32> to vector<64x256xf32>
    %reduce_sum3A_358 = arith.constant dense<0.000000e+00> : vector<256xf32>
    %reduce_sum3A_359 = vector.multi_reduction <add>, %slice3A_357, %reduce_sum3A_358 [0] : vector<64x256xf32> to vector<256xf32>
    %broadcast_in_dim3A_360 = vector.shape_cast %reduce_sum3A_359 : vector<256xf32> to vector<1x256xf32>
    %slice3A_361 = vector.extract_strided_slice %mul3A_356 {offsets = [64, 0], sizes = [64, 256], strides = [1, 1]} : vector<128x256xf32> to vector<64x256xf32>
    %reduce_sum3A_362 = arith.constant dense<0.000000e+00> : vector<256xf32>
    %reduce_sum3A_363 = vector.multi_reduction <add>, %slice3A_361, %reduce_sum3A_362 [0] : vector<64x256xf32> to vector<256xf32>
    %broadcast_in_dim3A_364 = vector.shape_cast %reduce_sum3A_363 : vector<256xf32> to vector<1x256xf32>
    %slice3A_365 = vector.extract_strided_slice %sub3A_40 {offsets = [7, 0], sizes = [1, 256], strides = [1, 1]} : vector<16x256xf32> to vector<1x256xf32>
    %mul3A_366 = vector.broadcast %get3A_1 : vector<100x1xf32> to vector<100x256xf32>
    %mul3A_367 = vector.broadcast %slice3A_365 : vector<1x256xf32> to vector<100x256xf32>
    %mul3A_368 = arith.mulf %mul3A_366, %mul3A_367 : vector<100x256xf32>
    %add3A_369 = vector.broadcast %get3A_4 : vector<100x1xf32> to vector<100x256xf32>
    %add3A_370 = arith.addf %mul3A_368, %add3A_369 : vector<100x256xf32>
    %cos3A_371 = math.cos %add3A_370 : vector<100x256xf32>
    %slice3A_372 = vector.extract_strided_slice %get3A_33 {offsets = [0, 112], sizes = [256, 16], strides = [1, 1]} : vector<256x256xf32> to vector<256x16xf32>
    %transpose3A_373 = tpu.transpose %slice3A_372, [1, 0] : vector<256x16xf32> -> vector<16x256xf32>
    %convert_element_type3A_374 = arith.truncf %transpose3A_373 : vector<16x256xf32> to vector<16x256xbf16>
    %slice3A_375 = vector.extract_strided_slice %dot_general3A_25 {offsets = [0, 1792], sizes = [128, 256], strides = [1, 1]} : vector<128x4096xf32> to vector<128x256xf32>
    %get3A_376 = arith.constant 0 : index
    %get3A_377 = arith.constant 0 : index
    %get3A_378 = vector.load %arg11[%get3A_376, %get3A_377] : memref<128x16xbf16, #tpu.memory_space<vmem>>, vector<128x16xbf16>
    %dot_general3A_379 = arith.constant dense<0.000000e+00> : vector<128x256xf32>
    %dot_general3A_380 = tpu.matmul %get3A_378, %convert_element_type3A_374, %dot_general3A_379 {dimension_numbers = #tpu.dot_dimension_numbers<[1], [0], [0], [1], [0, 0, 1, 1], [], []>, transpose_lhs_hint = false} : vector<128x16xbf16>, vector<16x256xbf16>, vector<128x256xf32> -> vector<128x256xf32>
    %add3A_381 = arith.addf %slice3A_375, %dot_general3A_380 : vector<128x256xf32>
    %get3A_382 = arith.constant 0 : index
    %get3A_383 = arith.constant 0 : index
    %get3A_384 = vector.load %arg12[%get3A_382, %get3A_383] : memref<128x100xbf16, #tpu.memory_space<vmem>>, vector<128x100xbf16>
    %convert_element_type3A_385 = arith.truncf %cos3A_371 : vector<100x256xf32> to vector<100x256xbf16>
    %dot_general3A_386 = arith.constant dense<0.000000e+00> : vector<128x256xf32>
    %dot_general3A_387 = tpu.matmul %get3A_384, %convert_element_type3A_385, %dot_general3A_386 {dimension_numbers = #tpu.dot_dimension_numbers<[1], [0], [0], [1], [0, 0, 1, 1], [], []>, transpose_lhs_hint = false} : vector<128x100xbf16>, vector<100x256xbf16>, vector<128x256xf32> -> vector<128x256xf32>
    %add3A_388 = arith.addf %add3A_381, %dot_general3A_387 : vector<128x256xf32>
    %slice3A_389 = vector.extract_strided_slice %dot_general3A_30 {offsets = [0, 1792], sizes = [128, 256], strides = [1, 1]} : vector<128x4096xf32> to vector<128x256xf32>
    %get3A_390 = arith.constant 0 : index
    %get3A_391 = arith.constant 0 : index
    %get3A_392 = vector.load %arg14[%get3A_390, %get3A_391] : memref<128x16xbf16, #tpu.memory_space<vmem>>, vector<128x16xbf16>
    %dot_general3A_393 = arith.constant dense<0.000000e+00> : vector<128x256xf32>
    %dot_general3A_394 = tpu.matmul %get3A_392, %convert_element_type3A_374, %dot_general3A_393 {dimension_numbers = #tpu.dot_dimension_numbers<[1], [0], [0], [1], [0, 0, 1, 1], [], []>, transpose_lhs_hint = false} : vector<128x16xbf16>, vector<16x256xbf16>, vector<128x256xf32> -> vector<128x256xf32>
    %add3A_395 = arith.addf %slice3A_389, %dot_general3A_394 : vector<128x256xf32>
    %get3A_396 = arith.constant 0 : index
    %get3A_397 = arith.constant 0 : index
    %get3A_398 = vector.load %arg15[%get3A_396, %get3A_397] : memref<128x100xbf16, #tpu.memory_space<vmem>>, vector<128x100xbf16>
    %convert_element_type3A_399 = arith.truncf %cos3A_371 : vector<100x256xf32> to vector<100x256xbf16>
    %dot_general3A_400 = arith.constant dense<0.000000e+00> : vector<128x256xf32>
    %dot_general3A_401 = tpu.matmul %get3A_398, %convert_element_type3A_399, %dot_general3A_400 {dimension_numbers = #tpu.dot_dimension_numbers<[1], [0], [0], [1], [0, 0, 1, 1], [], []>, transpose_lhs_hint = false} : vector<128x100xbf16>, vector<100x256xbf16>, vector<128x256xf32> -> vector<128x256xf32>
    %add3A_402 = arith.addf %add3A_395, %dot_general3A_401 : vector<128x256xf32>
    %mul3A_403 = arith.mulf %add3A_17, %add3A_388 : vector<128x256xf32>
    %slice3A_404 = vector.extract_strided_slice %mul3A_403 {offsets = [0, 0], sizes = [64, 256], strides = [1, 1]} : vector<128x256xf32> to vector<64x256xf32>
    %reduce_sum3A_405 = arith.constant dense<0.000000e+00> : vector<256xf32>
    %reduce_sum3A_406 = vector.multi_reduction <add>, %slice3A_404, %reduce_sum3A_405 [0] : vector<64x256xf32> to vector<256xf32>
    %broadcast_in_dim3A_407 = vector.shape_cast %reduce_sum3A_406 : vector<256xf32> to vector<1x256xf32>
    %slice3A_408 = vector.extract_strided_slice %mul3A_403 {offsets = [64, 0], sizes = [64, 256], strides = [1, 1]} : vector<128x256xf32> to vector<64x256xf32>
    %reduce_sum3A_409 = arith.constant dense<0.000000e+00> : vector<256xf32>
    %reduce_sum3A_410 = vector.multi_reduction <add>, %slice3A_408, %reduce_sum3A_409 [0] : vector<64x256xf32> to vector<256xf32>
    %broadcast_in_dim3A_411 = vector.shape_cast %reduce_sum3A_410 : vector<256xf32> to vector<1x256xf32>
    %slice3A_412 = vector.extract_strided_slice %sub3A_40 {offsets = [8, 0], sizes = [1, 256], strides = [1, 1]} : vector<16x256xf32> to vector<1x256xf32>
    %mul3A_413 = vector.broadcast %get3A_1 : vector<100x1xf32> to vector<100x256xf32>
    %mul3A_414 = vector.broadcast %slice3A_412 : vector<1x256xf32> to vector<100x256xf32>
    %mul3A_415 = arith.mulf %mul3A_413, %mul3A_414 : vector<100x256xf32>
    %add3A_416 = vector.broadcast %get3A_4 : vector<100x1xf32> to vector<100x256xf32>
    %add3A_417 = arith.addf %mul3A_415, %add3A_416 : vector<100x256xf32>
    %cos3A_418 = math.cos %add3A_417 : vector<100x256xf32>
    %slice3A_419 = vector.extract_strided_slice %get3A_33 {offsets = [0, 128], sizes = [256, 16], strides = [1, 1]} : vector<256x256xf32> to vector<256x16xf32>
    %transpose3A_420 = tpu.transpose %slice3A_419, [1, 0] : vector<256x16xf32> -> vector<16x256xf32>
    %convert_element_type3A_421 = arith.truncf %transpose3A_420 : vector<16x256xf32> to vector<16x256xbf16>
    %slice3A_422 = vector.extract_strided_slice %dot_general3A_25 {offsets = [0, 2048], sizes = [128, 256], strides = [1, 1]} : vector<128x4096xf32> to vector<128x256xf32>
    %get3A_423 = arith.constant 0 : index
    %get3A_424 = arith.constant 0 : index
    %get3A_425 = vector.load %arg11[%get3A_423, %get3A_424] : memref<128x16xbf16, #tpu.memory_space<vmem>>, vector<128x16xbf16>
    %dot_general3A_426 = arith.constant dense<0.000000e+00> : vector<128x256xf32>
    %dot_general3A_427 = tpu.matmul %get3A_425, %convert_element_type3A_421, %dot_general3A_426 {dimension_numbers = #tpu.dot_dimension_numbers<[1], [0], [0], [1], [0, 0, 1, 1], [], []>, transpose_lhs_hint = false} : vector<128x16xbf16>, vector<16x256xbf16>, vector<128x256xf32> -> vector<128x256xf32>
    %add3A_428 = arith.addf %slice3A_422, %dot_general3A_427 : vector<128x256xf32>
    %get3A_429 = arith.constant 0 : index
    %get3A_430 = arith.constant 0 : index
    %get3A_431 = vector.load %arg12[%get3A_429, %get3A_430] : memref<128x100xbf16, #tpu.memory_space<vmem>>, vector<128x100xbf16>
    %convert_element_type3A_432 = arith.truncf %cos3A_418 : vector<100x256xf32> to vector<100x256xbf16>
    %dot_general3A_433 = arith.constant dense<0.000000e+00> : vector<128x256xf32>
    %dot_general3A_434 = tpu.matmul %get3A_431, %convert_element_type3A_432, %dot_general3A_433 {dimension_numbers = #tpu.dot_dimension_numbers<[1], [0], [0], [1], [0, 0, 1, 1], [], []>, transpose_lhs_hint = false} : vector<128x100xbf16>, vector<100x256xbf16>, vector<128x256xf32> -> vector<128x256xf32>
    %add3A_435 = arith.addf %add3A_428, %dot_general3A_434 : vector<128x256xf32>
    %slice3A_436 = vector.extract_strided_slice %dot_general3A_30 {offsets = [0, 2048], sizes = [128, 256], strides = [1, 1]} : vector<128x4096xf32> to vector<128x256xf32>
    %get3A_437 = arith.constant 0 : index
    %get3A_438 = arith.constant 0 : index
    %get3A_439 = vector.load %arg14[%get3A_437, %get3A_438] : memref<128x16xbf16, #tpu.memory_space<vmem>>, vector<128x16xbf16>
    %dot_general3A_440 = arith.constant dense<0.000000e+00> : vector<128x256xf32>
    %dot_general3A_441 = tpu.matmul %get3A_439, %convert_element_type3A_421, %dot_general3A_440 {dimension_numbers = #tpu.dot_dimension_numbers<[1], [0], [0], [1], [0, 0, 1, 1], [], []>, transpose_lhs_hint = false} : vector<128x16xbf16>, vector<16x256xbf16>, vector<128x256xf32> -> vector<128x256xf32>
    %add3A_442 = arith.addf %slice3A_436, %dot_general3A_441 : vector<128x256xf32>
    %get3A_443 = arith.constant 0 : index
    %get3A_444 = arith.constant 0 : index
    %get3A_445 = vector.load %arg15[%get3A_443, %get3A_444] : memref<128x100xbf16, #tpu.memory_space<vmem>>, vector<128x100xbf16>
    %convert_element_type3A_446 = arith.truncf %cos3A_418 : vector<100x256xf32> to vector<100x256xbf16>
    %dot_general3A_447 = arith.constant dense<0.000000e+00> : vector<128x256xf32>
    %dot_general3A_448 = tpu.matmul %get3A_445, %convert_element_type3A_446, %dot_general3A_447 {dimension_numbers = #tpu.dot_dimension_numbers<[1], [0], [0], [1], [0, 0, 1, 1], [], []>, transpose_lhs_hint = false} : vector<128x100xbf16>, vector<100x256xbf16>, vector<128x256xf32> -> vector<128x256xf32>
    %add3A_449 = arith.addf %add3A_442, %dot_general3A_448 : vector<128x256xf32>
    %mul3A_450 = arith.mulf %add3A_17, %add3A_435 : vector<128x256xf32>
    %slice3A_451 = vector.extract_strided_slice %mul3A_450 {offsets = [0, 0], sizes = [64, 256], strides = [1, 1]} : vector<128x256xf32> to vector<64x256xf32>
    %reduce_sum3A_452 = arith.constant dense<0.000000e+00> : vector<256xf32>
    %reduce_sum3A_453 = vector.multi_reduction <add>, %slice3A_451, %reduce_sum3A_452 [0] : vector<64x256xf32> to vector<256xf32>
    %broadcast_in_dim3A_454 = vector.shape_cast %reduce_sum3A_453 : vector<256xf32> to vector<1x256xf32>
    %slice3A_455 = vector.extract_strided_slice %mul3A_450 {offsets = [64, 0], sizes = [64, 256], strides = [1, 1]} : vector<128x256xf32> to vector<64x256xf32>
    %reduce_sum3A_456 = arith.constant dense<0.000000e+00> : vector<256xf32>
    %reduce_sum3A_457 = vector.multi_reduction <add>, %slice3A_455, %reduce_sum3A_456 [0] : vector<64x256xf32> to vector<256xf32>
    %broadcast_in_dim3A_458 = vector.shape_cast %reduce_sum3A_457 : vector<256xf32> to vector<1x256xf32>
    %slice3A_459 = vector.extract_strided_slice %sub3A_40 {offsets = [9, 0], sizes = [1, 256], strides = [1, 1]} : vector<16x256xf32> to vector<1x256xf32>
    %mul3A_460 = vector.broadcast %get3A_1 : vector<100x1xf32> to vector<100x256xf32>
    %mul3A_461 = vector.broadcast %slice3A_459 : vector<1x256xf32> to vector<100x256xf32>
    %mul3A_462 = arith.mulf %mul3A_460, %mul3A_461 : vector<100x256xf32>
    %add3A_463 = vector.broadcast %get3A_4 : vector<100x1xf32> to vector<100x256xf32>
    %add3A_464 = arith.addf %mul3A_462, %add3A_463 : vector<100x256xf32>
    %cos3A_465 = math.cos %add3A_464 : vector<100x256xf32>
    %slice3A_466 = vector.extract_strided_slice %get3A_33 {offsets = [0, 144], sizes = [256, 16], strides = [1, 1]} : vector<256x256xf32> to vector<256x16xf32>
    %transpose3A_467 = tpu.transpose %slice3A_466, [1, 0] : vector<256x16xf32> -> vector<16x256xf32>
    %convert_element_type3A_468 = arith.truncf %transpose3A_467 : vector<16x256xf32> to vector<16x256xbf16>
    %slice3A_469 = vector.extract_strided_slice %dot_general3A_25 {offsets = [0, 2304], sizes = [128, 256], strides = [1, 1]} : vector<128x4096xf32> to vector<128x256xf32>
    %get3A_470 = arith.constant 0 : index
    %get3A_471 = arith.constant 0 : index
    %get3A_472 = vector.load %arg11[%get3A_470, %get3A_471] : memref<128x16xbf16, #tpu.memory_space<vmem>>, vector<128x16xbf16>
    %dot_general3A_473 = arith.constant dense<0.000000e+00> : vector<128x256xf32>
    %dot_general3A_474 = tpu.matmul %get3A_472, %convert_element_type3A_468, %dot_general3A_473 {dimension_numbers = #tpu.dot_dimension_numbers<[1], [0], [0], [1], [0, 0, 1, 1], [], []>, transpose_lhs_hint = false} : vector<128x16xbf16>, vector<16x256xbf16>, vector<128x256xf32> -> vector<128x256xf32>
    %add3A_475 = arith.addf %slice3A_469, %dot_general3A_474 : vector<128x256xf32>
    %get3A_476 = arith.constant 0 : index
    %get3A_477 = arith.constant 0 : index
    %get3A_478 = vector.load %arg12[%get3A_476, %get3A_477] : memref<128x100xbf16, #tpu.memory_space<vmem>>, vector<128x100xbf16>
    %convert_element_type3A_479 = arith.truncf %cos3A_465 : vector<100x256xf32> to vector<100x256xbf16>
    %dot_general3A_480 = arith.constant dense<0.000000e+00> : vector<128x256xf32>
    %dot_general3A_481 = tpu.matmul %get3A_478, %convert_element_type3A_479, %dot_general3A_480 {dimension_numbers = #tpu.dot_dimension_numbers<[1], [0], [0], [1], [0, 0, 1, 1], [], []>, transpose_lhs_hint = false} : vector<128x100xbf16>, vector<100x256xbf16>, vector<128x256xf32> -> vector<128x256xf32>
    %add3A_482 = arith.addf %add3A_475, %dot_general3A_481 : vector<128x256xf32>
    %slice3A_483 = vector.extract_strided_slice %dot_general3A_30 {offsets = [0, 2304], sizes = [128, 256], strides = [1, 1]} : vector<128x4096xf32> to vector<128x256xf32>
    %get3A_484 = arith.constant 0 : index
    %get3A_485 = arith.constant 0 : index
    %get3A_486 = vector.load %arg14[%get3A_484, %get3A_485] : memref<128x16xbf16, #tpu.memory_space<vmem>>, vector<128x16xbf16>
    %dot_general3A_487 = arith.constant dense<0.000000e+00> : vector<128x256xf32>
    %dot_general3A_488 = tpu.matmul %get3A_486, %convert_element_type3A_468, %dot_general3A_487 {dimension_numbers = #tpu.dot_dimension_numbers<[1], [0], [0], [1], [0, 0, 1, 1], [], []>, transpose_lhs_hint = false} : vector<128x16xbf16>, vector<16x256xbf16>, vector<128x256xf32> -> vector<128x256xf32>
    %add3A_489 = arith.addf %slice3A_483, %dot_general3A_488 : vector<128x256xf32>
    %get3A_490 = arith.constant 0 : index
    %get3A_491 = arith.constant 0 : index
    %get3A_492 = vector.load %arg15[%get3A_490, %get3A_491] : memref<128x100xbf16, #tpu.memory_space<vmem>>, vector<128x100xbf16>
    %convert_element_type3A_493 = arith.truncf %cos3A_465 : vector<100x256xf32> to vector<100x256xbf16>
    %dot_general3A_494 = arith.constant dense<0.000000e+00> : vector<128x256xf32>
    %dot_general3A_495 = tpu.matmul %get3A_492, %convert_element_type3A_493, %dot_general3A_494 {dimension_numbers = #tpu.dot_dimension_numbers<[1], [0], [0], [1], [0, 0, 1, 1], [], []>, transpose_lhs_hint = false} : vector<128x100xbf16>, vector<100x256xbf16>, vector<128x256xf32> -> vector<128x256xf32>
    %add3A_496 = arith.addf %add3A_489, %dot_general3A_495 : vector<128x256xf32>
    %mul3A_497 = arith.mulf %add3A_17, %add3A_482 : vector<128x256xf32>
    %slice3A_498 = vector.extract_strided_slice %mul3A_497 {offsets = [0, 0], sizes = [64, 256], strides = [1, 1]} : vector<128x256xf32> to vector<64x256xf32>
    %reduce_sum3A_499 = arith.constant dense<0.000000e+00> : vector<256xf32>
    %reduce_sum3A_500 = vector.multi_reduction <add>, %slice3A_498, %reduce_sum3A_499 [0] : vector<64x256xf32> to vector<256xf32>
    %broadcast_in_dim3A_501 = vector.shape_cast %reduce_sum3A_500 : vector<256xf32> to vector<1x256xf32>
    %slice3A_502 = vector.extract_strided_slice %mul3A_497 {offsets = [64, 0], sizes = [64, 256], strides = [1, 1]} : vector<128x256xf32> to vector<64x256xf32>
    %reduce_sum3A_503 = arith.constant dense<0.000000e+00> : vector<256xf32>
    %reduce_sum3A_504 = vector.multi_reduction <add>, %slice3A_502, %reduce_sum3A_503 [0] : vector<64x256xf32> to vector<256xf32>
    %broadcast_in_dim3A_505 = vector.shape_cast %reduce_sum3A_504 : vector<256xf32> to vector<1x256xf32>
    %slice3A_506 = vector.extract_strided_slice %sub3A_40 {offsets = [10, 0], sizes = [1, 256], strides = [1, 1]} : vector<16x256xf32> to vector<1x256xf32>
    %mul3A_507 = vector.broadcast %get3A_1 : vector<100x1xf32> to vector<100x256xf32>
    %mul3A_508 = vector.broadcast %slice3A_506 : vector<1x256xf32> to vector<100x256xf32>
    %mul3A_509 = arith.mulf %mul3A_507, %mul3A_508 : vector<100x256xf32>
    %add3A_510 = vector.broadcast %get3A_4 : vector<100x1xf32> to vector<100x256xf32>
    %add3A_511 = arith.addf %mul3A_509, %add3A_510 : vector<100x256xf32>
    %cos3A_512 = math.cos %add3A_511 : vector<100x256xf32>
    %slice3A_513 = vector.extract_strided_slice %get3A_33 {offsets = [0, 160], sizes = [256, 16], strides = [1, 1]} : vector<256x256xf32> to vector<256x16xf32>
    %transpose3A_514 = tpu.transpose %slice3A_513, [1, 0] : vector<256x16xf32> -> vector<16x256xf32>
    %convert_element_type3A_515 = arith.truncf %transpose3A_514 : vector<16x256xf32> to vector<16x256xbf16>
    %slice3A_516 = vector.extract_strided_slice %dot_general3A_25 {offsets = [0, 2560], sizes = [128, 256], strides = [1, 1]} : vector<128x4096xf32> to vector<128x256xf32>
    %get3A_517 = arith.constant 0 : index
    %get3A_518 = arith.constant 0 : index
    %get3A_519 = vector.load %arg11[%get3A_517, %get3A_518] : memref<128x16xbf16, #tpu.memory_space<vmem>>, vector<128x16xbf16>
    %dot_general3A_520 = arith.constant dense<0.000000e+00> : vector<128x256xf32>
    %dot_general3A_521 = tpu.matmul %get3A_519, %convert_element_type3A_515, %dot_general3A_520 {dimension_numbers = #tpu.dot_dimension_numbers<[1], [0], [0], [1], [0, 0, 1, 1], [], []>, transpose_lhs_hint = false} : vector<128x16xbf16>, vector<16x256xbf16>, vector<128x256xf32> -> vector<128x256xf32>
    %add3A_522 = arith.addf %slice3A_516, %dot_general3A_521 : vector<128x256xf32>
    %get3A_523 = arith.constant 0 : index
    %get3A_524 = arith.constant 0 : index
    %get3A_525 = vector.load %arg12[%get3A_523, %get3A_524] : memref<128x100xbf16, #tpu.memory_space<vmem>>, vector<128x100xbf16>
    %convert_element_type3A_526 = arith.truncf %cos3A_512 : vector<100x256xf32> to vector<100x256xbf16>
    %dot_general3A_527 = arith.constant dense<0.000000e+00> : vector<128x256xf32>
    %dot_general3A_528 = tpu.matmul %get3A_525, %convert_element_type3A_526, %dot_general3A_527 {dimension_numbers = #tpu.dot_dimension_numbers<[1], [0], [0], [1], [0, 0, 1, 1], [], []>, transpose_lhs_hint = false} : vector<128x100xbf16>, vector<100x256xbf16>, vector<128x256xf32> -> vector<128x256xf32>
    %add3A_529 = arith.addf %add3A_522, %dot_general3A_528 : vector<128x256xf32>
    %slice3A_530 = vector.extract_strided_slice %dot_general3A_30 {offsets = [0, 2560], sizes = [128, 256], strides = [1, 1]} : vector<128x4096xf32> to vector<128x256xf32>
    %get3A_531 = arith.constant 0 : index
    %get3A_532 = arith.constant 0 : index
    %get3A_533 = vector.load %arg14[%get3A_531, %get3A_532] : memref<128x16xbf16, #tpu.memory_space<vmem>>, vector<128x16xbf16>
    %dot_general3A_534 = arith.constant dense<0.000000e+00> : vector<128x256xf32>
    %dot_general3A_535 = tpu.matmul %get3A_533, %convert_element_type3A_515, %dot_general3A_534 {dimension_numbers = #tpu.dot_dimension_numbers<[1], [0], [0], [1], [0, 0, 1, 1], [], []>, transpose_lhs_hint = false} : vector<128x16xbf16>, vector<16x256xbf16>, vector<128x256xf32> -> vector<128x256xf32>
    %add3A_536 = arith.addf %slice3A_530, %dot_general3A_535 : vector<128x256xf32>
    %get3A_537 = arith.constant 0 : index
    %get3A_538 = arith.constant 0 : index
    %get3A_539 = vector.load %arg15[%get3A_537, %get3A_538] : memref<128x100xbf16, #tpu.memory_space<vmem>>, vector<128x100xbf16>
    %convert_element_type3A_540 = arith.truncf %cos3A_512 : vector<100x256xf32> to vector<100x256xbf16>
    %dot_general3A_541 = arith.constant dense<0.000000e+00> : vector<128x256xf32>
    %dot_general3A_542 = tpu.matmul %get3A_539, %convert_element_type3A_540, %dot_general3A_541 {dimension_numbers = #tpu.dot_dimension_numbers<[1], [0], [0], [1], [0, 0, 1, 1], [], []>, transpose_lhs_hint = false} : vector<128x100xbf16>, vector<100x256xbf16>, vector<128x256xf32> -> vector<128x256xf32>
    %add3A_543 = arith.addf %add3A_536, %dot_general3A_542 : vector<128x256xf32>
    %mul3A_544 = arith.mulf %add3A_17, %add3A_529 : vector<128x256xf32>
    %slice3A_545 = vector.extract_strided_slice %mul3A_544 {offsets = [0, 0], sizes = [64, 256], strides = [1, 1]} : vector<128x256xf32> to vector<64x256xf32>
    %reduce_sum3A_546 = arith.constant dense<0.000000e+00> : vector<256xf32>
    %reduce_sum3A_547 = vector.multi_reduction <add>, %slice3A_545, %reduce_sum3A_546 [0] : vector<64x256xf32> to vector<256xf32>
    %broadcast_in_dim3A_548 = vector.shape_cast %reduce_sum3A_547 : vector<256xf32> to vector<1x256xf32>
    %slice3A_549 = vector.extract_strided_slice %mul3A_544 {offsets = [64, 0], sizes = [64, 256], strides = [1, 1]} : vector<128x256xf32> to vector<64x256xf32>
    %reduce_sum3A_550 = arith.constant dense<0.000000e+00> : vector<256xf32>
    %reduce_sum3A_551 = vector.multi_reduction <add>, %slice3A_549, %reduce_sum3A_550 [0] : vector<64x256xf32> to vector<256xf32>
    %broadcast_in_dim3A_552 = vector.shape_cast %reduce_sum3A_551 : vector<256xf32> to vector<1x256xf32>
    %slice3A_553 = vector.extract_strided_slice %sub3A_40 {offsets = [11, 0], sizes = [1, 256], strides = [1, 1]} : vector<16x256xf32> to vector<1x256xf32>
    %mul3A_554 = vector.broadcast %get3A_1 : vector<100x1xf32> to vector<100x256xf32>
    %mul3A_555 = vector.broadcast %slice3A_553 : vector<1x256xf32> to vector<100x256xf32>
    %mul3A_556 = arith.mulf %mul3A_554, %mul3A_555 : vector<100x256xf32>
    %add3A_557 = vector.broadcast %get3A_4 : vector<100x1xf32> to vector<100x256xf32>
    %add3A_558 = arith.addf %mul3A_556, %add3A_557 : vector<100x256xf32>
    %cos3A_559 = math.cos %add3A_558 : vector<100x256xf32>
    %slice3A_560 = vector.extract_strided_slice %get3A_33 {offsets = [0, 176], sizes = [256, 16], strides = [1, 1]} : vector<256x256xf32> to vector<256x16xf32>
    %transpose3A_561 = tpu.transpose %slice3A_560, [1, 0] : vector<256x16xf32> -> vector<16x256xf32>
    %convert_element_type3A_562 = arith.truncf %transpose3A_561 : vector<16x256xf32> to vector<16x256xbf16>
    %slice3A_563 = vector.extract_strided_slice %dot_general3A_25 {offsets = [0, 2816], sizes = [128, 256], strides = [1, 1]} : vector<128x4096xf32> to vector<128x256xf32>
    %get3A_564 = arith.constant 0 : index
    %get3A_565 = arith.constant 0 : index
    %get3A_566 = vector.load %arg11[%get3A_564, %get3A_565] : memref<128x16xbf16, #tpu.memory_space<vmem>>, vector<128x16xbf16>
    %dot_general3A_567 = arith.constant dense<0.000000e+00> : vector<128x256xf32>
    %dot_general3A_568 = tpu.matmul %get3A_566, %convert_element_type3A_562, %dot_general3A_567 {dimension_numbers = #tpu.dot_dimension_numbers<[1], [0], [0], [1], [0, 0, 1, 1], [], []>, transpose_lhs_hint = false} : vector<128x16xbf16>, vector<16x256xbf16>, vector<128x256xf32> -> vector<128x256xf32>
    %add3A_569 = arith.addf %slice3A_563, %dot_general3A_568 : vector<128x256xf32>
    %get3A_570 = arith.constant 0 : index
    %get3A_571 = arith.constant 0 : index
    %get3A_572 = vector.load %arg12[%get3A_570, %get3A_571] : memref<128x100xbf16, #tpu.memory_space<vmem>>, vector<128x100xbf16>
    %convert_element_type3A_573 = arith.truncf %cos3A_559 : vector<100x256xf32> to vector<100x256xbf16>
    %dot_general3A_574 = arith.constant dense<0.000000e+00> : vector<128x256xf32>
    %dot_general3A_575 = tpu.matmul %get3A_572, %convert_element_type3A_573, %dot_general3A_574 {dimension_numbers = #tpu.dot_dimension_numbers<[1], [0], [0], [1], [0, 0, 1, 1], [], []>, transpose_lhs_hint = false} : vector<128x100xbf16>, vector<100x256xbf16>, vector<128x256xf32> -> vector<128x256xf32>
    %add3A_576 = arith.addf %add3A_569, %dot_general3A_575 : vector<128x256xf32>
    %slice3A_577 = vector.extract_strided_slice %dot_general3A_30 {offsets = [0, 2816], sizes = [128, 256], strides = [1, 1]} : vector<128x4096xf32> to vector<128x256xf32>
    %get3A_578 = arith.constant 0 : index
    %get3A_579 = arith.constant 0 : index
    %get3A_580 = vector.load %arg14[%get3A_578, %get3A_579] : memref<128x16xbf16, #tpu.memory_space<vmem>>, vector<128x16xbf16>
    %dot_general3A_581 = arith.constant dense<0.000000e+00> : vector<128x256xf32>
    %dot_general3A_582 = tpu.matmul %get3A_580, %convert_element_type3A_562, %dot_general3A_581 {dimension_numbers = #tpu.dot_dimension_numbers<[1], [0], [0], [1], [0, 0, 1, 1], [], []>, transpose_lhs_hint = false} : vector<128x16xbf16>, vector<16x256xbf16>, vector<128x256xf32> -> vector<128x256xf32>
    %add3A_583 = arith.addf %slice3A_577, %dot_general3A_582 : vector<128x256xf32>
    %get3A_584 = arith.constant 0 : index
    %get3A_585 = arith.constant 0 : index
    %get3A_586 = vector.load %arg15[%get3A_584, %get3A_585] : memref<128x100xbf16, #tpu.memory_space<vmem>>, vector<128x100xbf16>
    %convert_element_type3A_587 = arith.truncf %cos3A_559 : vector<100x256xf32> to vector<100x256xbf16>
    %dot_general3A_588 = arith.constant dense<0.000000e+00> : vector<128x256xf32>
    %dot_general3A_589 = tpu.matmul %get3A_586, %convert_element_type3A_587, %dot_general3A_588 {dimension_numbers = #tpu.dot_dimension_numbers<[1], [0], [0], [1], [0, 0, 1, 1], [], []>, transpose_lhs_hint = false} : vector<128x100xbf16>, vector<100x256xbf16>, vector<128x256xf32> -> vector<128x256xf32>
    %add3A_590 = arith.addf %add3A_583, %dot_general3A_589 : vector<128x256xf32>
    %mul3A_591 = arith.mulf %add3A_17, %add3A_576 : vector<128x256xf32>
    %slice3A_592 = vector.extract_strided_slice %mul3A_591 {offsets = [0, 0], sizes = [64, 256], strides = [1, 1]} : vector<128x256xf32> to vector<64x256xf32>
    %reduce_sum3A_593 = arith.constant dense<0.000000e+00> : vector<256xf32>
    %reduce_sum3A_594 = vector.multi_reduction <add>, %slice3A_592, %reduce_sum3A_593 [0] : vector<64x256xf32> to vector<256xf32>
    %broadcast_in_dim3A_595 = vector.shape_cast %reduce_sum3A_594 : vector<256xf32> to vector<1x256xf32>
    %slice3A_596 = vector.extract_strided_slice %mul3A_591 {offsets = [64, 0], sizes = [64, 256], strides = [1, 1]} : vector<128x256xf32> to vector<64x256xf32>
    %reduce_sum3A_597 = arith.constant dense<0.000000e+00> : vector<256xf32>
    %reduce_sum3A_598 = vector.multi_reduction <add>, %slice3A_596, %reduce_sum3A_597 [0] : vector<64x256xf32> to vector<256xf32>
    %broadcast_in_dim3A_599 = vector.shape_cast %reduce_sum3A_598 : vector<256xf32> to vector<1x256xf32>
    %slice3A_600 = vector.extract_strided_slice %sub3A_40 {offsets = [12, 0], sizes = [1, 256], strides = [1, 1]} : vector<16x256xf32> to vector<1x256xf32>
    %mul3A_601 = vector.broadcast %get3A_1 : vector<100x1xf32> to vector<100x256xf32>
    %mul3A_602 = vector.broadcast %slice3A_600 : vector<1x256xf32> to vector<100x256xf32>
    %mul3A_603 = arith.mulf %mul3A_601, %mul3A_602 : vector<100x256xf32>
    %add3A_604 = vector.broadcast %get3A_4 : vector<100x1xf32> to vector<100x256xf32>
    %add3A_605 = arith.addf %mul3A_603, %add3A_604 : vector<100x256xf32>
    %cos3A_606 = math.cos %add3A_605 : vector<100x256xf32>
    %slice3A_607 = vector.extract_strided_slice %get3A_33 {offsets = [0, 192], sizes = [256, 16], strides = [1, 1]} : vector<256x256xf32> to vector<256x16xf32>
    %transpose3A_608 = tpu.transpose %slice3A_607, [1, 0] : vector<256x16xf32> -> vector<16x256xf32>
    %convert_element_type3A_609 = arith.truncf %transpose3A_608 : vector<16x256xf32> to vector<16x256xbf16>
    %slice3A_610 = vector.extract_strided_slice %dot_general3A_25 {offsets = [0, 3072], sizes = [128, 256], strides = [1, 1]} : vector<128x4096xf32> to vector<128x256xf32>
    %get3A_611 = arith.constant 0 : index
    %get3A_612 = arith.constant 0 : index
    %get3A_613 = vector.load %arg11[%get3A_611, %get3A_612] : memref<128x16xbf16, #tpu.memory_space<vmem>>, vector<128x16xbf16>
    %dot_general3A_614 = arith.constant dense<0.000000e+00> : vector<128x256xf32>
    %dot_general3A_615 = tpu.matmul %get3A_613, %convert_element_type3A_609, %dot_general3A_614 {dimension_numbers = #tpu.dot_dimension_numbers<[1], [0], [0], [1], [0, 0, 1, 1], [], []>, transpose_lhs_hint = false} : vector<128x16xbf16>, vector<16x256xbf16>, vector<128x256xf32> -> vector<128x256xf32>
    %add3A_616 = arith.addf %slice3A_610, %dot_general3A_615 : vector<128x256xf32>
    %get3A_617 = arith.constant 0 : index
    %get3A_618 = arith.constant 0 : index
    %get3A_619 = vector.load %arg12[%get3A_617, %get3A_618] : memref<128x100xbf16, #tpu.memory_space<vmem>>, vector<128x100xbf16>
    %convert_element_type3A_620 = arith.truncf %cos3A_606 : vector<100x256xf32> to vector<100x256xbf16>
    %dot_general3A_621 = arith.constant dense<0.000000e+00> : vector<128x256xf32>
    %dot_general3A_622 = tpu.matmul %get3A_619, %convert_element_type3A_620, %dot_general3A_621 {dimension_numbers = #tpu.dot_dimension_numbers<[1], [0], [0], [1], [0, 0, 1, 1], [], []>, transpose_lhs_hint = false} : vector<128x100xbf16>, vector<100x256xbf16>, vector<128x256xf32> -> vector<128x256xf32>
    %add3A_623 = arith.addf %add3A_616, %dot_general3A_622 : vector<128x256xf32>
    %slice3A_624 = vector.extract_strided_slice %dot_general3A_30 {offsets = [0, 3072], sizes = [128, 256], strides = [1, 1]} : vector<128x4096xf32> to vector<128x256xf32>
    %get3A_625 = arith.constant 0 : index
    %get3A_626 = arith.constant 0 : index
    %get3A_627 = vector.load %arg14[%get3A_625, %get3A_626] : memref<128x16xbf16, #tpu.memory_space<vmem>>, vector<128x16xbf16>
    %dot_general3A_628 = arith.constant dense<0.000000e+00> : vector<128x256xf32>
    %dot_general3A_629 = tpu.matmul %get3A_627, %convert_element_type3A_609, %dot_general3A_628 {dimension_numbers = #tpu.dot_dimension_numbers<[1], [0], [0], [1], [0, 0, 1, 1], [], []>, transpose_lhs_hint = false} : vector<128x16xbf16>, vector<16x256xbf16>, vector<128x256xf32> -> vector<128x256xf32>
    %add3A_630 = arith.addf %slice3A_624, %dot_general3A_629 : vector<128x256xf32>
    %get3A_631 = arith.constant 0 : index
    %get3A_632 = arith.constant 0 : index
    %get3A_633 = vector.load %arg15[%get3A_631, %get3A_632] : memref<128x100xbf16, #tpu.memory_space<vmem>>, vector<128x100xbf16>
    %convert_element_type3A_634 = arith.truncf %cos3A_606 : vector<100x256xf32> to vector<100x256xbf16>
    %dot_general3A_635 = arith.constant dense<0.000000e+00> : vector<128x256xf32>
    %dot_general3A_636 = tpu.matmul %get3A_633, %convert_element_type3A_634, %dot_general3A_635 {dimension_numbers = #tpu.dot_dimension_numbers<[1], [0], [0], [1], [0, 0, 1, 1], [], []>, transpose_lhs_hint = false} : vector<128x100xbf16>, vector<100x256xbf16>, vector<128x256xf32> -> vector<128x256xf32>
    %add3A_637 = arith.addf %add3A_630, %dot_general3A_636 : vector<128x256xf32>
    %mul3A_638 = arith.mulf %add3A_17, %add3A_623 : vector<128x256xf32>
    %slice3A_639 = vector.extract_strided_slice %mul3A_638 {offsets = [0, 0], sizes = [64, 256], strides = [1, 1]} : vector<128x256xf32> to vector<64x256xf32>
    %reduce_sum3A_640 = arith.constant dense<0.000000e+00> : vector<256xf32>
    %reduce_sum3A_641 = vector.multi_reduction <add>, %slice3A_639, %reduce_sum3A_640 [0] : vector<64x256xf32> to vector<256xf32>
    %broadcast_in_dim3A_642 = vector.shape_cast %reduce_sum3A_641 : vector<256xf32> to vector<1x256xf32>
    %slice3A_643 = vector.extract_strided_slice %mul3A_638 {offsets = [64, 0], sizes = [64, 256], strides = [1, 1]} : vector<128x256xf32> to vector<64x256xf32>
    %reduce_sum3A_644 = arith.constant dense<0.000000e+00> : vector<256xf32>
    %reduce_sum3A_645 = vector.multi_reduction <add>, %slice3A_643, %reduce_sum3A_644 [0] : vector<64x256xf32> to vector<256xf32>
    %broadcast_in_dim3A_646 = vector.shape_cast %reduce_sum3A_645 : vector<256xf32> to vector<1x256xf32>
    %slice3A_647 = vector.extract_strided_slice %sub3A_40 {offsets = [13, 0], sizes = [1, 256], strides = [1, 1]} : vector<16x256xf32> to vector<1x256xf32>
    %mul3A_648 = vector.broadcast %get3A_1 : vector<100x1xf32> to vector<100x256xf32>
    %mul3A_649 = vector.broadcast %slice3A_647 : vector<1x256xf32> to vector<100x256xf32>
    %mul3A_650 = arith.mulf %mul3A_648, %mul3A_649 : vector<100x256xf32>
    %add3A_651 = vector.broadcast %get3A_4 : vector<100x1xf32> to vector<100x256xf32>
    %add3A_652 = arith.addf %mul3A_650, %add3A_651 : vector<100x256xf32>
    %cos3A_653 = math.cos %add3A_652 : vector<100x256xf32>
    %slice3A_654 = vector.extract_strided_slice %get3A_33 {offsets = [0, 208], sizes = [256, 16], strides = [1, 1]} : vector<256x256xf32> to vector<256x16xf32>
    %transpose3A_655 = tpu.transpose %slice3A_654, [1, 0] : vector<256x16xf32> -> vector<16x256xf32>
    %convert_element_type3A_656 = arith.truncf %transpose3A_655 : vector<16x256xf32> to vector<16x256xbf16>
    %slice3A_657 = vector.extract_strided_slice %dot_general3A_25 {offsets = [0, 3328], sizes = [128, 256], strides = [1, 1]} : vector<128x4096xf32> to vector<128x256xf32>
    %get3A_658 = arith.constant 0 : index
    %get3A_659 = arith.constant 0 : index
    %get3A_660 = vector.load %arg11[%get3A_658, %get3A_659] : memref<128x16xbf16, #tpu.memory_space<vmem>>, vector<128x16xbf16>
    %dot_general3A_661 = arith.constant dense<0.000000e+00> : vector<128x256xf32>
    %dot_general3A_662 = tpu.matmul %get3A_660, %convert_element_type3A_656, %dot_general3A_661 {dimension_numbers = #tpu.dot_dimension_numbers<[1], [0], [0], [1], [0, 0, 1, 1], [], []>, transpose_lhs_hint = false} : vector<128x16xbf16>, vector<16x256xbf16>, vector<128x256xf32> -> vector<128x256xf32>
    %add3A_663 = arith.addf %slice3A_657, %dot_general3A_662 : vector<128x256xf32>
    %get3A_664 = arith.constant 0 : index
    %get3A_665 = arith.constant 0 : index
    %get3A_666 = vector.load %arg12[%get3A_664, %get3A_665] : memref<128x100xbf16, #tpu.memory_space<vmem>>, vector<128x100xbf16>
    %convert_element_type3A_667 = arith.truncf %cos3A_653 : vector<100x256xf32> to vector<100x256xbf16>
    %dot_general3A_668 = arith.constant dense<0.000000e+00> : vector<128x256xf32>
    %dot_general3A_669 = tpu.matmul %get3A_666, %convert_element_type3A_667, %dot_general3A_668 {dimension_numbers = #tpu.dot_dimension_numbers<[1], [0], [0], [1], [0, 0, 1, 1], [], []>, transpose_lhs_hint = false} : vector<128x100xbf16>, vector<100x256xbf16>, vector<128x256xf32> -> vector<128x256xf32>
    %add3A_670 = arith.addf %add3A_663, %dot_general3A_669 : vector<128x256xf32>
    %slice3A_671 = vector.extract_strided_slice %dot_general3A_30 {offsets = [0, 3328], sizes = [128, 256], strides = [1, 1]} : vector<128x4096xf32> to vector<128x256xf32>
    %get3A_672 = arith.constant 0 : index
    %get3A_673 = arith.constant 0 : index
    %get3A_674 = vector.load %arg14[%get3A_672, %get3A_673] : memref<128x16xbf16, #tpu.memory_space<vmem>>, vector<128x16xbf16>
    %dot_general3A_675 = arith.constant dense<0.000000e+00> : vector<128x256xf32>
    %dot_general3A_676 = tpu.matmul %get3A_674, %convert_element_type3A_656, %dot_general3A_675 {dimension_numbers = #tpu.dot_dimension_numbers<[1], [0], [0], [1], [0, 0, 1, 1], [], []>, transpose_lhs_hint = false} : vector<128x16xbf16>, vector<16x256xbf16>, vector<128x256xf32> -> vector<128x256xf32>
    %add3A_677 = arith.addf %slice3A_671, %dot_general3A_676 : vector<128x256xf32>
    %get3A_678 = arith.constant 0 : index
    %get3A_679 = arith.constant 0 : index
    %get3A_680 = vector.load %arg15[%get3A_678, %get3A_679] : memref<128x100xbf16, #tpu.memory_space<vmem>>, vector<128x100xbf16>
    %convert_element_type3A_681 = arith.truncf %cos3A_653 : vector<100x256xf32> to vector<100x256xbf16>
    %dot_general3A_682 = arith.constant dense<0.000000e+00> : vector<128x256xf32>
    %dot_general3A_683 = tpu.matmul %get3A_680, %convert_element_type3A_681, %dot_general3A_682 {dimension_numbers = #tpu.dot_dimension_numbers<[1], [0], [0], [1], [0, 0, 1, 1], [], []>, transpose_lhs_hint = false} : vector<128x100xbf16>, vector<100x256xbf16>, vector<128x256xf32> -> vector<128x256xf32>
    %add3A_684 = arith.addf %add3A_677, %dot_general3A_683 : vector<128x256xf32>
    %mul3A_685 = arith.mulf %add3A_17, %add3A_670 : vector<128x256xf32>
    %slice3A_686 = vector.extract_strided_slice %mul3A_685 {offsets = [0, 0], sizes = [64, 256], strides = [1, 1]} : vector<128x256xf32> to vector<64x256xf32>
    %reduce_sum3A_687 = arith.constant dense<0.000000e+00> : vector<256xf32>
    %reduce_sum3A_688 = vector.multi_reduction <add>, %slice3A_686, %reduce_sum3A_687 [0] : vector<64x256xf32> to vector<256xf32>
    %broadcast_in_dim3A_689 = vector.shape_cast %reduce_sum3A_688 : vector<256xf32> to vector<1x256xf32>
    %slice3A_690 = vector.extract_strided_slice %mul3A_685 {offsets = [64, 0], sizes = [64, 256], strides = [1, 1]} : vector<128x256xf32> to vector<64x256xf32>
    %reduce_sum3A_691 = arith.constant dense<0.000000e+00> : vector<256xf32>
    %reduce_sum3A_692 = vector.multi_reduction <add>, %slice3A_690, %reduce_sum3A_691 [0] : vector<64x256xf32> to vector<256xf32>
    %broadcast_in_dim3A_693 = vector.shape_cast %reduce_sum3A_692 : vector<256xf32> to vector<1x256xf32>
    %slice3A_694 = vector.extract_strided_slice %sub3A_40 {offsets = [14, 0], sizes = [1, 256], strides = [1, 1]} : vector<16x256xf32> to vector<1x256xf32>
    %mul3A_695 = vector.broadcast %get3A_1 : vector<100x1xf32> to vector<100x256xf32>
    %mul3A_696 = vector.broadcast %slice3A_694 : vector<1x256xf32> to vector<100x256xf32>
    %mul3A_697 = arith.mulf %mul3A_695, %mul3A_696 : vector<100x256xf32>
    %add3A_698 = vector.broadcast %get3A_4 : vector<100x1xf32> to vector<100x256xf32>
    %add3A_699 = arith.addf %mul3A_697, %add3A_698 : vector<100x256xf32>
    %cos3A_700 = math.cos %add3A_699 : vector<100x256xf32>
    %slice3A_701 = vector.extract_strided_slice %get3A_33 {offsets = [0, 224], sizes = [256, 16], strides = [1, 1]} : vector<256x256xf32> to vector<256x16xf32>
    %transpose3A_702 = tpu.transpose %slice3A_701, [1, 0] : vector<256x16xf32> -> vector<16x256xf32>
    %convert_element_type3A_703 = arith.truncf %transpose3A_702 : vector<16x256xf32> to vector<16x256xbf16>
    %slice3A_704 = vector.extract_strided_slice %dot_general3A_25 {offsets = [0, 3584], sizes = [128, 256], strides = [1, 1]} : vector<128x4096xf32> to vector<128x256xf32>
    %get3A_705 = arith.constant 0 : index
    %get3A_706 = arith.constant 0 : index
    %get3A_707 = vector.load %arg11[%get3A_705, %get3A_706] : memref<128x16xbf16, #tpu.memory_space<vmem>>, vector<128x16xbf16>
    %dot_general3A_708 = arith.constant dense<0.000000e+00> : vector<128x256xf32>
    %dot_general3A_709 = tpu.matmul %get3A_707, %convert_element_type3A_703, %dot_general3A_708 {dimension_numbers = #tpu.dot_dimension_numbers<[1], [0], [0], [1], [0, 0, 1, 1], [], []>, transpose_lhs_hint = false} : vector<128x16xbf16>, vector<16x256xbf16>, vector<128x256xf32> -> vector<128x256xf32>
    %add3A_710 = arith.addf %slice3A_704, %dot_general3A_709 : vector<128x256xf32>
    %get3A_711 = arith.constant 0 : index
    %get3A_712 = arith.constant 0 : index
    %get3A_713 = vector.load %arg12[%get3A_711, %get3A_712] : memref<128x100xbf16, #tpu.memory_space<vmem>>, vector<128x100xbf16>
    %convert_element_type3A_714 = arith.truncf %cos3A_700 : vector<100x256xf32> to vector<100x256xbf16>
    %dot_general3A_715 = arith.constant dense<0.000000e+00> : vector<128x256xf32>
    %dot_general3A_716 = tpu.matmul %get3A_713, %convert_element_type3A_714, %dot_general3A_715 {dimension_numbers = #tpu.dot_dimension_numbers<[1], [0], [0], [1], [0, 0, 1, 1], [], []>, transpose_lhs_hint = false} : vector<128x100xbf16>, vector<100x256xbf16>, vector<128x256xf32> -> vector<128x256xf32>
    %add3A_717 = arith.addf %add3A_710, %dot_general3A_716 : vector<128x256xf32>
    %slice3A_718 = vector.extract_strided_slice %dot_general3A_30 {offsets = [0, 3584], sizes = [128, 256], strides = [1, 1]} : vector<128x4096xf32> to vector<128x256xf32>
    %get3A_719 = arith.constant 0 : index
    %get3A_720 = arith.constant 0 : index
    %get3A_721 = vector.load %arg14[%get3A_719, %get3A_720] : memref<128x16xbf16, #tpu.memory_space<vmem>>, vector<128x16xbf16>
    %dot_general3A_722 = arith.constant dense<0.000000e+00> : vector<128x256xf32>
    %dot_general3A_723 = tpu.matmul %get3A_721, %convert_element_type3A_703, %dot_general3A_722 {dimension_numbers = #tpu.dot_dimension_numbers<[1], [0], [0], [1], [0, 0, 1, 1], [], []>, transpose_lhs_hint = false} : vector<128x16xbf16>, vector<16x256xbf16>, vector<128x256xf32> -> vector<128x256xf32>
    %add3A_724 = arith.addf %slice3A_718, %dot_general3A_723 : vector<128x256xf32>
    %get3A_725 = arith.constant 0 : index
    %get3A_726 = arith.constant 0 : index
    %get3A_727 = vector.load %arg15[%get3A_725, %get3A_726] : memref<128x100xbf16, #tpu.memory_space<vmem>>, vector<128x100xbf16>
    %convert_element_type3A_728 = arith.truncf %cos3A_700 : vector<100x256xf32> to vector<100x256xbf16>
    %dot_general3A_729 = arith.constant dense<0.000000e+00> : vector<128x256xf32>
    %dot_general3A_730 = tpu.matmul %get3A_727, %convert_element_type3A_728, %dot_general3A_729 {dimension_numbers = #tpu.dot_dimension_numbers<[1], [0], [0], [1], [0, 0, 1, 1], [], []>, transpose_lhs_hint = false} : vector<128x100xbf16>, vector<100x256xbf16>, vector<128x256xf32> -> vector<128x256xf32>
    %add3A_731 = arith.addf %add3A_724, %dot_general3A_730 : vector<128x256xf32>
    %mul3A_732 = arith.mulf %add3A_17, %add3A_717 : vector<128x256xf32>
    %slice3A_733 = vector.extract_strided_slice %mul3A_732 {offsets = [0, 0], sizes = [64, 256], strides = [1, 1]} : vector<128x256xf32> to vector<64x256xf32>
    %reduce_sum3A_734 = arith.constant dense<0.000000e+00> : vector<256xf32>
    %reduce_sum3A_735 = vector.multi_reduction <add>, %slice3A_733, %reduce_sum3A_734 [0] : vector<64x256xf32> to vector<256xf32>
    %broadcast_in_dim3A_736 = vector.shape_cast %reduce_sum3A_735 : vector<256xf32> to vector<1x256xf32>
    %slice3A_737 = vector.extract_strided_slice %mul3A_732 {offsets = [64, 0], sizes = [64, 256], strides = [1, 1]} : vector<128x256xf32> to vector<64x256xf32>
    %reduce_sum3A_738 = arith.constant dense<0.000000e+00> : vector<256xf32>
    %reduce_sum3A_739 = vector.multi_reduction <add>, %slice3A_737, %reduce_sum3A_738 [0] : vector<64x256xf32> to vector<256xf32>
    %broadcast_in_dim3A_740 = vector.shape_cast %reduce_sum3A_739 : vector<256xf32> to vector<1x256xf32>
    %slice3A_741 = vector.extract_strided_slice %sub3A_40 {offsets = [15, 0], sizes = [1, 256], strides = [1, 1]} : vector<16x256xf32> to vector<1x256xf32>
    %mul3A_742 = vector.broadcast %get3A_1 : vector<100x1xf32> to vector<100x256xf32>
    %mul3A_743 = vector.broadcast %slice3A_741 : vector<1x256xf32> to vector<100x256xf32>
    %mul3A_744 = arith.mulf %mul3A_742, %mul3A_743 : vector<100x256xf32>
    %add3A_745 = vector.broadcast %get3A_4 : vector<100x1xf32> to vector<100x256xf32>
    %add3A_746 = arith.addf %mul3A_744, %add3A_745 : vector<100x256xf32>
    %cos3A_747 = math.cos %add3A_746 : vector<100x256xf32>
    %slice3A_748 = vector.extract_strided_slice %get3A_33 {offsets = [0, 240], sizes = [256, 16], strides = [1, 1]} : vector<256x256xf32> to vector<256x16xf32>
    %transpose3A_749 = tpu.transpose %slice3A_748, [1, 0] : vector<256x16xf32> -> vector<16x256xf32>
    %convert_element_type3A_750 = arith.truncf %transpose3A_749 : vector<16x256xf32> to vector<16x256xbf16>
    %slice3A_751 = vector.extract_strided_slice %dot_general3A_25 {offsets = [0, 3840], sizes = [128, 256], strides = [1, 1]} : vector<128x4096xf32> to vector<128x256xf32>
    %get3A_752 = arith.constant 0 : index
    %get3A_753 = arith.constant 0 : index
    %get3A_754 = vector.load %arg11[%get3A_752, %get3A_753] : memref<128x16xbf16, #tpu.memory_space<vmem>>, vector<128x16xbf16>
    %dot_general3A_755 = arith.constant dense<0.000000e+00> : vector<128x256xf32>
    %dot_general3A_756 = tpu.matmul %get3A_754, %convert_element_type3A_750, %dot_general3A_755 {dimension_numbers = #tpu.dot_dimension_numbers<[1], [0], [0], [1], [0, 0, 1, 1], [], []>, transpose_lhs_hint = false} : vector<128x16xbf16>, vector<16x256xbf16>, vector<128x256xf32> -> vector<128x256xf32>
    %add3A_757 = arith.addf %slice3A_751, %dot_general3A_756 : vector<128x256xf32>
    %get3A_758 = arith.constant 0 : index
    %get3A_759 = arith.constant 0 : index
    %get3A_760 = vector.load %arg12[%get3A_758, %get3A_759] : memref<128x100xbf16, #tpu.memory_space<vmem>>, vector<128x100xbf16>
    %convert_element_type3A_761 = arith.truncf %cos3A_747 : vector<100x256xf32> to vector<100x256xbf16>
    %dot_general3A_762 = arith.constant dense<0.000000e+00> : vector<128x256xf32>
    %dot_general3A_763 = tpu.matmul %get3A_760, %convert_element_type3A_761, %dot_general3A_762 {dimension_numbers = #tpu.dot_dimension_numbers<[1], [0], [0], [1], [0, 0, 1, 1], [], []>, transpose_lhs_hint = false} : vector<128x100xbf16>, vector<100x256xbf16>, vector<128x256xf32> -> vector<128x256xf32>
    %add3A_764 = arith.addf %add3A_757, %dot_general3A_763 : vector<128x256xf32>
    %slice3A_765 = vector.extract_strided_slice %dot_general3A_30 {offsets = [0, 3840], sizes = [128, 256], strides = [1, 1]} : vector<128x4096xf32> to vector<128x256xf32>
    %get3A_766 = arith.constant 0 : index
    %get3A_767 = arith.constant 0 : index
    %get3A_768 = vector.load %arg14[%get3A_766, %get3A_767] : memref<128x16xbf16, #tpu.memory_space<vmem>>, vector<128x16xbf16>
    %dot_general3A_769 = arith.constant dense<0.000000e+00> : vector<128x256xf32>
    %dot_general3A_770 = tpu.matmul %get3A_768, %convert_element_type3A_750, %dot_general3A_769 {dimension_numbers = #tpu.dot_dimension_numbers<[1], [0], [0], [1], [0, 0, 1, 1], [], []>, transpose_lhs_hint = false} : vector<128x16xbf16>, vector<16x256xbf16>, vector<128x256xf32> -> vector<128x256xf32>
    %add3A_771 = arith.addf %slice3A_765, %dot_general3A_770 : vector<128x256xf32>
    %get3A_772 = arith.constant 0 : index
    %get3A_773 = arith.constant 0 : index
    %get3A_774 = vector.load %arg15[%get3A_772, %get3A_773] : memref<128x100xbf16, #tpu.memory_space<vmem>>, vector<128x100xbf16>
    %convert_element_type3A_775 = arith.truncf %cos3A_747 : vector<100x256xf32> to vector<100x256xbf16>
    %dot_general3A_776 = arith.constant dense<0.000000e+00> : vector<128x256xf32>
    %dot_general3A_777 = tpu.matmul %get3A_774, %convert_element_type3A_775, %dot_general3A_776 {dimension_numbers = #tpu.dot_dimension_numbers<[1], [0], [0], [1], [0, 0, 1, 1], [], []>, transpose_lhs_hint = false} : vector<128x100xbf16>, vector<100x256xbf16>, vector<128x256xf32> -> vector<128x256xf32>
    %add3A_778 = arith.addf %add3A_771, %dot_general3A_777 : vector<128x256xf32>
    %mul3A_779 = arith.mulf %add3A_17, %add3A_764 : vector<128x256xf32>
    %slice3A_780 = vector.extract_strided_slice %mul3A_779 {offsets = [0, 0], sizes = [64, 256], strides = [1, 1]} : vector<128x256xf32> to vector<64x256xf32>
    %reduce_sum3A_781 = arith.constant dense<0.000000e+00> : vector<256xf32>
    %reduce_sum3A_782 = vector.multi_reduction <add>, %slice3A_780, %reduce_sum3A_781 [0] : vector<64x256xf32> to vector<256xf32>
    %broadcast_in_dim3A_783 = vector.shape_cast %reduce_sum3A_782 : vector<256xf32> to vector<1x256xf32>
    %slice3A_784 = vector.extract_strided_slice %mul3A_779 {offsets = [64, 0], sizes = [64, 256], strides = [1, 1]} : vector<128x256xf32> to vector<64x256xf32>
    %reduce_sum3A_785 = arith.constant dense<0.000000e+00> : vector<256xf32>
    %reduce_sum3A_786 = vector.multi_reduction <add>, %slice3A_784, %reduce_sum3A_785 [0] : vector<64x256xf32> to vector<256xf32>
    %broadcast_in_dim3A_787 = vector.shape_cast %reduce_sum3A_786 : vector<256xf32> to vector<1x256xf32>
    %concatenate3A = tpu.concatenate %broadcast_in_dim3A, %broadcast_in_dim3A_125, %broadcast_in_dim3A_172, %broadcast_in_dim3A_219, %broadcast_in_dim3A_266, %broadcast_in_dim3A_313, %broadcast_in_dim3A_360, %broadcast_in_dim3A_407, %broadcast_in_dim3A_454, %broadcast_in_dim3A_501, %broadcast_in_dim3A_548, %broadcast_in_dim3A_595, %broadcast_in_dim3A_642, %broadcast_in_dim3A_689, %broadcast_in_dim3A_736, %broadcast_in_dim3A_783 in 0 : vector<1x256xf32>, vector<1x256xf32>, vector<1x256xf32>, vector<1x256xf32>, vector<1x256xf32>, vector<1x256xf32>, vector<1x256xf32>, vector<1x256xf32>, vector<1x256xf32>, vector<1x256xf32>, vector<1x256xf32>, vector<1x256xf32>, vector<1x256xf32>, vector<1x256xf32>, vector<1x256xf32>, vector<1x256xf32> -> vector<16x256xf32>
    %mul3A_788 = arith.constant 1.250000e-01 : f32
    %mul3A_789 = vector.broadcast %mul3A_788 : f32 to vector<16x256xf32>
    %mul3A_790 = arith.mulf %concatenate3A, %mul3A_789 : vector<16x256xf32>
    %concatenate3A_791 = tpu.concatenate %broadcast_in_dim3A_82, %broadcast_in_dim3A_129, %broadcast_in_dim3A_176, %broadcast_in_dim3A_223, %broadcast_in_dim3A_270, %broadcast_in_dim3A_317, %broadcast_in_dim3A_364, %broadcast_in_dim3A_411, %broadcast_in_dim3A_458, %broadcast_in_dim3A_505, %broadcast_in_dim3A_552, %broadcast_in_dim3A_599, %broadcast_in_dim3A_646, %broadcast_in_dim3A_693, %broadcast_in_dim3A_740, %broadcast_in_dim3A_787 in 0 : vector<1x256xf32>, vector<1x256xf32>, vector<1x256xf32>, vector<1x256xf32>, vector<1x256xf32>, vector<1x256xf32>, vector<1x256xf32>, vector<1x256xf32>, vector<1x256xf32>, vector<1x256xf32>, vector<1x256xf32>, vector<1x256xf32>, vector<1x256xf32>, vector<1x256xf32>, vector<1x256xf32>, vector<1x256xf32> -> vector<16x256xf32>
    %mul3A_792 = arith.constant 1.250000e-01 : f32
    %mul3A_793 = vector.broadcast %mul3A_792 : f32 to vector<16x256xf32>
    %mul3A_794 = arith.mulf %concatenate3A_791, %mul3A_793 : vector<16x256xf32>
    %reduce_max3A = arith.constant dense<0xFF800000> : vector<256xf32>
    %reduce_max3A_795 = vector.multi_reduction <maximumf>, %mul3A_790, %reduce_max3A [0] : vector<16x256xf32> to vector<256xf32>
    %broadcast_in_dim3A_796 = vector.shape_cast %reduce_max3A_795 : vector<256xf32> to vector<1x256xf32>
    %sub3A_797 = vector.broadcast %broadcast_in_dim3A_796 : vector<1x256xf32> to vector<16x256xf32>
    %sub3A_798 = arith.subf %mul3A_790, %sub3A_797 : vector<16x256xf32>
    %exp3A = math.exp %sub3A_798 : vector<16x256xf32>
    %reduce_max3A_799 = arith.constant dense<0xFF800000> : vector<256xf32>
    %reduce_max3A_800 = vector.multi_reduction <maximumf>, %mul3A_794, %reduce_max3A_799 [0] : vector<16x256xf32> to vector<256xf32>
    %broadcast_in_dim3A_801 = vector.shape_cast %reduce_max3A_800 : vector<256xf32> to vector<1x256xf32>
    %sub3A_802 = vector.broadcast %broadcast_in_dim3A_801 : vector<1x256xf32> to vector<16x256xf32>
    %sub3A_803 = arith.subf %mul3A_794, %sub3A_802 : vector<16x256xf32>
    %exp3A_804 = math.exp %sub3A_803 : vector<16x256xf32>
    %reduce_sum3A_805 = arith.constant dense<0.000000e+00> : vector<256xf32>
    %reduce_sum3A_806 = vector.multi_reduction <add>, %exp3A, %reduce_sum3A_805 [0] : vector<16x256xf32> to vector<256xf32>
    %broadcast_in_dim3A_807 = vector.shape_cast %reduce_sum3A_806 : vector<256xf32> to vector<1x256xf32>
    %div3A = vector.broadcast %broadcast_in_dim3A_807 : vector<1x256xf32> to vector<16x256xf32>
    %div3A_808 = arith.divf %exp3A, %div3A : vector<16x256xf32>
    %reduce_sum3A_809 = arith.constant dense<0.000000e+00> : vector<256xf32>
    %reduce_sum3A_810 = vector.multi_reduction <add>, %exp3A_804, %reduce_sum3A_809 [0] : vector<16x256xf32> to vector<256xf32>
    %broadcast_in_dim3A_811 = vector.shape_cast %reduce_sum3A_810 : vector<256xf32> to vector<1x256xf32>
    %div3A_812 = vector.broadcast %broadcast_in_dim3A_811 : vector<1x256xf32> to vector<16x256xf32>
    %div3A_813 = arith.divf %exp3A_804, %div3A_812 : vector<16x256xf32>
    %broadcast_in_dim3A_814 = arith.constant 0.000000e+00 : f32
    %broadcast_in_dim3A_815 = vector.broadcast %broadcast_in_dim3A_814 : f32 to vector<64x256xf32>
    %broadcast_in_dim3A_816 = arith.constant 0.000000e+00 : f32
    %broadcast_in_dim3A_817 = vector.broadcast %broadcast_in_dim3A_816 : f32 to vector<64x256xf32>
    %slice3A_818 = vector.extract_strided_slice %div3A_808 {offsets = [0, 0], sizes = [1, 256], strides = [1, 1]} : vector<16x256xf32> to vector<1x256xf32>
    %slice3A_819 = vector.extract_strided_slice %add3A_75 {offsets = [0, 0], sizes = [64, 256], strides = [1, 1]} : vector<128x256xf32> to vector<64x256xf32>
    %mul3A_820 = vector.broadcast %slice3A_818 : vector<1x256xf32> to vector<64x256xf32>
    %mul3A_821 = arith.mulf %mul3A_820, %slice3A_819 : vector<64x256xf32>
    %add3A_822 = arith.addf %broadcast_in_dim3A_815, %mul3A_821 : vector<64x256xf32>
    %slice3A_823 = vector.extract_strided_slice %div3A_813 {offsets = [0, 0], sizes = [1, 256], strides = [1, 1]} : vector<16x256xf32> to vector<1x256xf32>
    %slice3A_824 = vector.extract_strided_slice %add3A_75 {offsets = [64, 0], sizes = [64, 256], strides = [1, 1]} : vector<128x256xf32> to vector<64x256xf32>
    %mul3A_825 = vector.broadcast %slice3A_823 : vector<1x256xf32> to vector<64x256xf32>
    %mul3A_826 = arith.mulf %mul3A_825, %slice3A_824 : vector<64x256xf32>
    %add3A_827 = arith.addf %broadcast_in_dim3A_817, %mul3A_826 : vector<64x256xf32>
    %slice3A_828 = vector.extract_strided_slice %div3A_808 {offsets = [1, 0], sizes = [1, 256], strides = [1, 1]} : vector<16x256xf32> to vector<1x256xf32>
    %slice3A_829 = vector.extract_strided_slice %add3A_120 {offsets = [0, 0], sizes = [64, 256], strides = [1, 1]} : vector<128x256xf32> to vector<64x256xf32>
    %mul3A_830 = vector.broadcast %slice3A_828 : vector<1x256xf32> to vector<64x256xf32>
    %mul3A_831 = arith.mulf %mul3A_830, %slice3A_829 : vector<64x256xf32>
    %add3A_832 = arith.addf %add3A_822, %mul3A_831 : vector<64x256xf32>
    %slice3A_833 = vector.extract_strided_slice %div3A_813 {offsets = [1, 0], sizes = [1, 256], strides = [1, 1]} : vector<16x256xf32> to vector<1x256xf32>
    %slice3A_834 = vector.extract_strided_slice %add3A_120 {offsets = [64, 0], sizes = [64, 256], strides = [1, 1]} : vector<128x256xf32> to vector<64x256xf32>
    %mul3A_835 = vector.broadcast %slice3A_833 : vector<1x256xf32> to vector<64x256xf32>
    %mul3A_836 = arith.mulf %mul3A_835, %slice3A_834 : vector<64x256xf32>
    %add3A_837 = arith.addf %add3A_827, %mul3A_836 : vector<64x256xf32>
    %slice3A_838 = vector.extract_strided_slice %div3A_808 {offsets = [2, 0], sizes = [1, 256], strides = [1, 1]} : vector<16x256xf32> to vector<1x256xf32>
    %slice3A_839 = vector.extract_strided_slice %add3A_167 {offsets = [0, 0], sizes = [64, 256], strides = [1, 1]} : vector<128x256xf32> to vector<64x256xf32>
    %mul3A_840 = vector.broadcast %slice3A_838 : vector<1x256xf32> to vector<64x256xf32>
    %mul3A_841 = arith.mulf %mul3A_840, %slice3A_839 : vector<64x256xf32>
    %add3A_842 = arith.addf %add3A_832, %mul3A_841 : vector<64x256xf32>
    %slice3A_843 = vector.extract_strided_slice %div3A_813 {offsets = [2, 0], sizes = [1, 256], strides = [1, 1]} : vector<16x256xf32> to vector<1x256xf32>
    %slice3A_844 = vector.extract_strided_slice %add3A_167 {offsets = [64, 0], sizes = [64, 256], strides = [1, 1]} : vector<128x256xf32> to vector<64x256xf32>
    %mul3A_845 = vector.broadcast %slice3A_843 : vector<1x256xf32> to vector<64x256xf32>
    %mul3A_846 = arith.mulf %mul3A_845, %slice3A_844 : vector<64x256xf32>
    %add3A_847 = arith.addf %add3A_837, %mul3A_846 : vector<64x256xf32>
    %slice3A_848 = vector.extract_strided_slice %div3A_808 {offsets = [3, 0], sizes = [1, 256], strides = [1, 1]} : vector<16x256xf32> to vector<1x256xf32>
    %slice3A_849 = vector.extract_strided_slice %add3A_214 {offsets = [0, 0], sizes = [64, 256], strides = [1, 1]} : vector<128x256xf32> to vector<64x256xf32>
    %mul3A_850 = vector.broadcast %slice3A_848 : vector<1x256xf32> to vector<64x256xf32>
    %mul3A_851 = arith.mulf %mul3A_850, %slice3A_849 : vector<64x256xf32>
    %add3A_852 = arith.addf %add3A_842, %mul3A_851 : vector<64x256xf32>
    %slice3A_853 = vector.extract_strided_slice %div3A_813 {offsets = [3, 0], sizes = [1, 256], strides = [1, 1]} : vector<16x256xf32> to vector<1x256xf32>
    %slice3A_854 = vector.extract_strided_slice %add3A_214 {offsets = [64, 0], sizes = [64, 256], strides = [1, 1]} : vector<128x256xf32> to vector<64x256xf32>
    %mul3A_855 = vector.broadcast %slice3A_853 : vector<1x256xf32> to vector<64x256xf32>
    %mul3A_856 = arith.mulf %mul3A_855, %slice3A_854 : vector<64x256xf32>
    %add3A_857 = arith.addf %add3A_847, %mul3A_856 : vector<64x256xf32>
    %slice3A_858 = vector.extract_strided_slice %div3A_808 {offsets = [4, 0], sizes = [1, 256], strides = [1, 1]} : vector<16x256xf32> to vector<1x256xf32>
    %slice3A_859 = vector.extract_strided_slice %add3A_261 {offsets = [0, 0], sizes = [64, 256], strides = [1, 1]} : vector<128x256xf32> to vector<64x256xf32>
    %mul3A_860 = vector.broadcast %slice3A_858 : vector<1x256xf32> to vector<64x256xf32>
    %mul3A_861 = arith.mulf %mul3A_860, %slice3A_859 : vector<64x256xf32>
    %add3A_862 = arith.addf %add3A_852, %mul3A_861 : vector<64x256xf32>
    %slice3A_863 = vector.extract_strided_slice %div3A_813 {offsets = [4, 0], sizes = [1, 256], strides = [1, 1]} : vector<16x256xf32> to vector<1x256xf32>
    %slice3A_864 = vector.extract_strided_slice %add3A_261 {offsets = [64, 0], sizes = [64, 256], strides = [1, 1]} : vector<128x256xf32> to vector<64x256xf32>
    %mul3A_865 = vector.broadcast %slice3A_863 : vector<1x256xf32> to vector<64x256xf32>
    %mul3A_866 = arith.mulf %mul3A_865, %slice3A_864 : vector<64x256xf32>
    %add3A_867 = arith.addf %add3A_857, %mul3A_866 : vector<64x256xf32>
    %slice3A_868 = vector.extract_strided_slice %div3A_808 {offsets = [5, 0], sizes = [1, 256], strides = [1, 1]} : vector<16x256xf32> to vector<1x256xf32>
    %slice3A_869 = vector.extract_strided_slice %add3A_308 {offsets = [0, 0], sizes = [64, 256], strides = [1, 1]} : vector<128x256xf32> to vector<64x256xf32>
    %mul3A_870 = vector.broadcast %slice3A_868 : vector<1x256xf32> to vector<64x256xf32>
    %mul3A_871 = arith.mulf %mul3A_870, %slice3A_869 : vector<64x256xf32>
    %add3A_872 = arith.addf %add3A_862, %mul3A_871 : vector<64x256xf32>
    %slice3A_873 = vector.extract_strided_slice %div3A_813 {offsets = [5, 0], sizes = [1, 256], strides = [1, 1]} : vector<16x256xf32> to vector<1x256xf32>
    %slice3A_874 = vector.extract_strided_slice %add3A_308 {offsets = [64, 0], sizes = [64, 256], strides = [1, 1]} : vector<128x256xf32> to vector<64x256xf32>
    %mul3A_875 = vector.broadcast %slice3A_873 : vector<1x256xf32> to vector<64x256xf32>
    %mul3A_876 = arith.mulf %mul3A_875, %slice3A_874 : vector<64x256xf32>
    %add3A_877 = arith.addf %add3A_867, %mul3A_876 : vector<64x256xf32>
    %slice3A_878 = vector.extract_strided_slice %div3A_808 {offsets = [6, 0], sizes = [1, 256], strides = [1, 1]} : vector<16x256xf32> to vector<1x256xf32>
    %slice3A_879 = vector.extract_strided_slice %add3A_355 {offsets = [0, 0], sizes = [64, 256], strides = [1, 1]} : vector<128x256xf32> to vector<64x256xf32>
    %mul3A_880 = vector.broadcast %slice3A_878 : vector<1x256xf32> to vector<64x256xf32>
    %mul3A_881 = arith.mulf %mul3A_880, %slice3A_879 : vector<64x256xf32>
    %add3A_882 = arith.addf %add3A_872, %mul3A_881 : vector<64x256xf32>
    %slice3A_883 = vector.extract_strided_slice %div3A_813 {offsets = [6, 0], sizes = [1, 256], strides = [1, 1]} : vector<16x256xf32> to vector<1x256xf32>
    %slice3A_884 = vector.extract_strided_slice %add3A_355 {offsets = [64, 0], sizes = [64, 256], strides = [1, 1]} : vector<128x256xf32> to vector<64x256xf32>
    %mul3A_885 = vector.broadcast %slice3A_883 : vector<1x256xf32> to vector<64x256xf32>
    %mul3A_886 = arith.mulf %mul3A_885, %slice3A_884 : vector<64x256xf32>
    %add3A_887 = arith.addf %add3A_877, %mul3A_886 : vector<64x256xf32>
    %slice3A_888 = vector.extract_strided_slice %div3A_808 {offsets = [7, 0], sizes = [1, 256], strides = [1, 1]} : vector<16x256xf32> to vector<1x256xf32>
    %slice3A_889 = vector.extract_strided_slice %add3A_402 {offsets = [0, 0], sizes = [64, 256], strides = [1, 1]} : vector<128x256xf32> to vector<64x256xf32>
    %mul3A_890 = vector.broadcast %slice3A_888 : vector<1x256xf32> to vector<64x256xf32>
    %mul3A_891 = arith.mulf %mul3A_890, %slice3A_889 : vector<64x256xf32>
    %add3A_892 = arith.addf %add3A_882, %mul3A_891 : vector<64x256xf32>
    %slice3A_893 = vector.extract_strided_slice %div3A_813 {offsets = [7, 0], sizes = [1, 256], strides = [1, 1]} : vector<16x256xf32> to vector<1x256xf32>
    %slice3A_894 = vector.extract_strided_slice %add3A_402 {offsets = [64, 0], sizes = [64, 256], strides = [1, 1]} : vector<128x256xf32> to vector<64x256xf32>
    %mul3A_895 = vector.broadcast %slice3A_893 : vector<1x256xf32> to vector<64x256xf32>
    %mul3A_896 = arith.mulf %mul3A_895, %slice3A_894 : vector<64x256xf32>
    %add3A_897 = arith.addf %add3A_887, %mul3A_896 : vector<64x256xf32>
    %slice3A_898 = vector.extract_strided_slice %div3A_808 {offsets = [8, 0], sizes = [1, 256], strides = [1, 1]} : vector<16x256xf32> to vector<1x256xf32>
    %slice3A_899 = vector.extract_strided_slice %add3A_449 {offsets = [0, 0], sizes = [64, 256], strides = [1, 1]} : vector<128x256xf32> to vector<64x256xf32>
    %mul3A_900 = vector.broadcast %slice3A_898 : vector<1x256xf32> to vector<64x256xf32>
    %mul3A_901 = arith.mulf %mul3A_900, %slice3A_899 : vector<64x256xf32>
    %add3A_902 = arith.addf %add3A_892, %mul3A_901 : vector<64x256xf32>
    %slice3A_903 = vector.extract_strided_slice %div3A_813 {offsets = [8, 0], sizes = [1, 256], strides = [1, 1]} : vector<16x256xf32> to vector<1x256xf32>
    %slice3A_904 = vector.extract_strided_slice %add3A_449 {offsets = [64, 0], sizes = [64, 256], strides = [1, 1]} : vector<128x256xf32> to vector<64x256xf32>
    %mul3A_905 = vector.broadcast %slice3A_903 : vector<1x256xf32> to vector<64x256xf32>
    %mul3A_906 = arith.mulf %mul3A_905, %slice3A_904 : vector<64x256xf32>
    %add3A_907 = arith.addf %add3A_897, %mul3A_906 : vector<64x256xf32>
    %slice3A_908 = vector.extract_strided_slice %div3A_808 {offsets = [9, 0], sizes = [1, 256], strides = [1, 1]} : vector<16x256xf32> to vector<1x256xf32>
    %slice3A_909 = vector.extract_strided_slice %add3A_496 {offsets = [0, 0], sizes = [64, 256], strides = [1, 1]} : vector<128x256xf32> to vector<64x256xf32>
    %mul3A_910 = vector.broadcast %slice3A_908 : vector<1x256xf32> to vector<64x256xf32>
    %mul3A_911 = arith.mulf %mul3A_910, %slice3A_909 : vector<64x256xf32>
    %add3A_912 = arith.addf %add3A_902, %mul3A_911 : vector<64x256xf32>
    %slice3A_913 = vector.extract_strided_slice %div3A_813 {offsets = [9, 0], sizes = [1, 256], strides = [1, 1]} : vector<16x256xf32> to vector<1x256xf32>
    %slice3A_914 = vector.extract_strided_slice %add3A_496 {offsets = [64, 0], sizes = [64, 256], strides = [1, 1]} : vector<128x256xf32> to vector<64x256xf32>
    %mul3A_915 = vector.broadcast %slice3A_913 : vector<1x256xf32> to vector<64x256xf32>
    %mul3A_916 = arith.mulf %mul3A_915, %slice3A_914 : vector<64x256xf32>
    %add3A_917 = arith.addf %add3A_907, %mul3A_916 : vector<64x256xf32>
    %slice3A_918 = vector.extract_strided_slice %div3A_808 {offsets = [10, 0], sizes = [1, 256], strides = [1, 1]} : vector<16x256xf32> to vector<1x256xf32>
    %slice3A_919 = vector.extract_strided_slice %add3A_543 {offsets = [0, 0], sizes = [64, 256], strides = [1, 1]} : vector<128x256xf32> to vector<64x256xf32>
    %mul3A_920 = vector.broadcast %slice3A_918 : vector<1x256xf32> to vector<64x256xf32>
    %mul3A_921 = arith.mulf %mul3A_920, %slice3A_919 : vector<64x256xf32>
    %add3A_922 = arith.addf %add3A_912, %mul3A_921 : vector<64x256xf32>
    %slice3A_923 = vector.extract_strided_slice %div3A_813 {offsets = [10, 0], sizes = [1, 256], strides = [1, 1]} : vector<16x256xf32> to vector<1x256xf32>
    %slice3A_924 = vector.extract_strided_slice %add3A_543 {offsets = [64, 0], sizes = [64, 256], strides = [1, 1]} : vector<128x256xf32> to vector<64x256xf32>
    %mul3A_925 = vector.broadcast %slice3A_923 : vector<1x256xf32> to vector<64x256xf32>
    %mul3A_926 = arith.mulf %mul3A_925, %slice3A_924 : vector<64x256xf32>
    %add3A_927 = arith.addf %add3A_917, %mul3A_926 : vector<64x256xf32>
    %slice3A_928 = vector.extract_strided_slice %div3A_808 {offsets = [11, 0], sizes = [1, 256], strides = [1, 1]} : vector<16x256xf32> to vector<1x256xf32>
    %slice3A_929 = vector.extract_strided_slice %add3A_590 {offsets = [0, 0], sizes = [64, 256], strides = [1, 1]} : vector<128x256xf32> to vector<64x256xf32>
    %mul3A_930 = vector.broadcast %slice3A_928 : vector<1x256xf32> to vector<64x256xf32>
    %mul3A_931 = arith.mulf %mul3A_930, %slice3A_929 : vector<64x256xf32>
    %add3A_932 = arith.addf %add3A_922, %mul3A_931 : vector<64x256xf32>
    %slice3A_933 = vector.extract_strided_slice %div3A_813 {offsets = [11, 0], sizes = [1, 256], strides = [1, 1]} : vector<16x256xf32> to vector<1x256xf32>
    %slice3A_934 = vector.extract_strided_slice %add3A_590 {offsets = [64, 0], sizes = [64, 256], strides = [1, 1]} : vector<128x256xf32> to vector<64x256xf32>
    %mul3A_935 = vector.broadcast %slice3A_933 : vector<1x256xf32> to vector<64x256xf32>
    %mul3A_936 = arith.mulf %mul3A_935, %slice3A_934 : vector<64x256xf32>
    %add3A_937 = arith.addf %add3A_927, %mul3A_936 : vector<64x256xf32>
    %slice3A_938 = vector.extract_strided_slice %div3A_808 {offsets = [12, 0], sizes = [1, 256], strides = [1, 1]} : vector<16x256xf32> to vector<1x256xf32>
    %slice3A_939 = vector.extract_strided_slice %add3A_637 {offsets = [0, 0], sizes = [64, 256], strides = [1, 1]} : vector<128x256xf32> to vector<64x256xf32>
    %mul3A_940 = vector.broadcast %slice3A_938 : vector<1x256xf32> to vector<64x256xf32>
    %mul3A_941 = arith.mulf %mul3A_940, %slice3A_939 : vector<64x256xf32>
    %add3A_942 = arith.addf %add3A_932, %mul3A_941 : vector<64x256xf32>
    %slice3A_943 = vector.extract_strided_slice %div3A_813 {offsets = [12, 0], sizes = [1, 256], strides = [1, 1]} : vector<16x256xf32> to vector<1x256xf32>
    %slice3A_944 = vector.extract_strided_slice %add3A_637 {offsets = [64, 0], sizes = [64, 256], strides = [1, 1]} : vector<128x256xf32> to vector<64x256xf32>
    %mul3A_945 = vector.broadcast %slice3A_943 : vector<1x256xf32> to vector<64x256xf32>
    %mul3A_946 = arith.mulf %mul3A_945, %slice3A_944 : vector<64x256xf32>
    %add3A_947 = arith.addf %add3A_937, %mul3A_946 : vector<64x256xf32>
    %slice3A_948 = vector.extract_strided_slice %div3A_808 {offsets = [13, 0], sizes = [1, 256], strides = [1, 1]} : vector<16x256xf32> to vector<1x256xf32>
    %slice3A_949 = vector.extract_strided_slice %add3A_684 {offsets = [0, 0], sizes = [64, 256], strides = [1, 1]} : vector<128x256xf32> to vector<64x256xf32>
    %mul3A_950 = vector.broadcast %slice3A_948 : vector<1x256xf32> to vector<64x256xf32>
    %mul3A_951 = arith.mulf %mul3A_950, %slice3A_949 : vector<64x256xf32>
    %add3A_952 = arith.addf %add3A_942, %mul3A_951 : vector<64x256xf32>
    %slice3A_953 = vector.extract_strided_slice %div3A_813 {offsets = [13, 0], sizes = [1, 256], strides = [1, 1]} : vector<16x256xf32> to vector<1x256xf32>
    %slice3A_954 = vector.extract_strided_slice %add3A_684 {offsets = [64, 0], sizes = [64, 256], strides = [1, 1]} : vector<128x256xf32> to vector<64x256xf32>
    %mul3A_955 = vector.broadcast %slice3A_953 : vector<1x256xf32> to vector<64x256xf32>
    %mul3A_956 = arith.mulf %mul3A_955, %slice3A_954 : vector<64x256xf32>
    %add3A_957 = arith.addf %add3A_947, %mul3A_956 : vector<64x256xf32>
    %slice3A_958 = vector.extract_strided_slice %div3A_808 {offsets = [14, 0], sizes = [1, 256], strides = [1, 1]} : vector<16x256xf32> to vector<1x256xf32>
    %slice3A_959 = vector.extract_strided_slice %add3A_731 {offsets = [0, 0], sizes = [64, 256], strides = [1, 1]} : vector<128x256xf32> to vector<64x256xf32>
    %mul3A_960 = vector.broadcast %slice3A_958 : vector<1x256xf32> to vector<64x256xf32>
    %mul3A_961 = arith.mulf %mul3A_960, %slice3A_959 : vector<64x256xf32>
    %add3A_962 = arith.addf %add3A_952, %mul3A_961 : vector<64x256xf32>
    %slice3A_963 = vector.extract_strided_slice %div3A_813 {offsets = [14, 0], sizes = [1, 256], strides = [1, 1]} : vector<16x256xf32> to vector<1x256xf32>
    %slice3A_964 = vector.extract_strided_slice %add3A_731 {offsets = [64, 0], sizes = [64, 256], strides = [1, 1]} : vector<128x256xf32> to vector<64x256xf32>
    %mul3A_965 = vector.broadcast %slice3A_963 : vector<1x256xf32> to vector<64x256xf32>
    %mul3A_966 = arith.mulf %mul3A_965, %slice3A_964 : vector<64x256xf32>
    %add3A_967 = arith.addf %add3A_957, %mul3A_966 : vector<64x256xf32>
    %slice3A_968 = vector.extract_strided_slice %div3A_808 {offsets = [15, 0], sizes = [1, 256], strides = [1, 1]} : vector<16x256xf32> to vector<1x256xf32>
    %slice3A_969 = vector.extract_strided_slice %add3A_778 {offsets = [0, 0], sizes = [64, 256], strides = [1, 1]} : vector<128x256xf32> to vector<64x256xf32>
    %mul3A_970 = vector.broadcast %slice3A_968 : vector<1x256xf32> to vector<64x256xf32>
    %mul3A_971 = arith.mulf %mul3A_970, %slice3A_969 : vector<64x256xf32>
    %add3A_972 = arith.addf %add3A_962, %mul3A_971 : vector<64x256xf32>
    %slice3A_973 = vector.extract_strided_slice %div3A_813 {offsets = [15, 0], sizes = [1, 256], strides = [1, 1]} : vector<16x256xf32> to vector<1x256xf32>
    %slice3A_974 = vector.extract_strided_slice %add3A_778 {offsets = [64, 0], sizes = [64, 256], strides = [1, 1]} : vector<128x256xf32> to vector<64x256xf32>
    %mul3A_975 = vector.broadcast %slice3A_973 : vector<1x256xf32> to vector<64x256xf32>
    %mul3A_976 = arith.mulf %mul3A_975, %slice3A_974 : vector<64x256xf32>
    %add3A_977 = arith.addf %add3A_967, %mul3A_976 : vector<64x256xf32>
    %get3A_978 = arith.constant 0 : index
    %get3A_979 = arith.constant 0 : index
    %get3A_980 = vector.load %arg16[%get3A_978, %get3A_979] : memref<128x128xbf16, #tpu.memory_space<vmem>>, vector<128x128xbf16>
    %dot_general3A_981 = arith.constant dense<0.000000e+00> : vector<128x256xf32>
    %dot_general3A_982 = tpu.matmul %get3A_980, %get3A_7, %dot_general3A_981 {dimension_numbers = #tpu.dot_dimension_numbers<[1], [0], [0], [1], [0, 0, 1, 1], [], []>, transpose_lhs_hint = false} : vector<128x128xbf16>, vector<128x256xbf16>, vector<128x256xf32> -> vector<128x256xf32>
    %get3A_983 = arith.constant 0 : index
    %get3A_984 = arith.constant 0 : index
    %get3A_985 = vector.load %arg17[%get3A_983, %get3A_984] : memref<128x64xbf16, #tpu.memory_space<vmem>>, vector<128x64xbf16>
    %convert_element_type3A_986 = arith.truncf %add3A_972 : vector<64x256xf32> to vector<64x256xbf16>
    %dot_general3A_987 = arith.constant dense<0.000000e+00> : vector<128x256xf32>
    %dot_general3A_988 = tpu.matmul %get3A_985, %convert_element_type3A_986, %dot_general3A_987 {dimension_numbers = #tpu.dot_dimension_numbers<[1], [0], [0], [1], [0, 0, 1, 1], [], []>, transpose_lhs_hint = false} : vector<128x64xbf16>, vector<64x256xbf16>, vector<128x256xf32> -> vector<128x256xf32>
    %add3A_989 = arith.addf %dot_general3A_982, %dot_general3A_988 : vector<128x256xf32>
    %get3A_990 = arith.constant 0 : index
    %get3A_991 = arith.constant 0 : index
    %get3A_992 = vector.load %arg18[%get3A_990, %get3A_991] : memref<128x64xbf16, #tpu.memory_space<vmem>>, vector<128x64xbf16>
    %convert_element_type3A_993 = arith.truncf %add3A_977 : vector<64x256xf32> to vector<64x256xbf16>
    %dot_general3A_994 = arith.constant dense<0.000000e+00> : vector<128x256xf32>
    %dot_general3A_995 = tpu.matmul %get3A_992, %convert_element_type3A_993, %dot_general3A_994 {dimension_numbers = #tpu.dot_dimension_numbers<[1], [0], [0], [1], [0, 0, 1, 1], [], []>, transpose_lhs_hint = false} : vector<128x64xbf16>, vector<64x256xbf16>, vector<128x256xf32> -> vector<128x256xf32>
    %add3A_996 = arith.addf %add3A_989, %dot_general3A_995 : vector<128x256xf32>
    %get3A_997 = arith.constant 0 : index
    %get3A_998 = arith.constant 0 : index
    %get3A_999 = vector.load %arg19[%get3A_997, %get3A_998] : memref<128x1xf32, #tpu.memory_space<vmem>>, vector<128x1xf32>
    %add3A_1000 = vector.broadcast %get3A_999 : vector<128x1xf32> to vector<128x256xf32>
    %add3A_1001 = arith.addf %add3A_996, %add3A_1000 : vector<128x256xf32>
    %max3A = arith.constant 0.000000e+00 : f32
    %max3A_1002 = vector.broadcast %max3A : f32 to vector<128x256xf32>
    %max3A_1003 = arith.maximumf %add3A_1001, %max3A_1002 : vector<128x256xf32>
    %swap3A = arith.constant 0 : index
    %swap3A_1004 = arith.constant 0 : index
    %swap3A_1005 = vector.load %arg20[%swap3A, %swap3A_1004] : memref<128x256xf32, #tpu.memory_space<vmem>>, vector<128x256xf32>
    tpu.vector_store %arg20[%swap3A, %swap3A_1004], %max3A_1003 {strides = array<i32>} : memref<128x256xf32, #tpu.memory_space<vmem>>, vector<128x256xf32>,
    return
  }
  func.func @transform_0(%arg0: i32) -> (i32, i32) {
    %c0_i32 = arith.constant 0 : i32
    %c0_i32_0 = arith.constant 0 : i32
    return %c0_i32, %arg0 : i32, i32
  }
  func.func @transform_1(%arg0: i32) -> (i32, i32) {
    %add3A = arith.constant 1 : i32
    %add3A_0 = arith.addi %arg0, %add3A : i32
    %c0_i32 = arith.constant 0 : i32
    %c0_i32_1 = arith.constant 0 : i32
    return %c0_i32, %add3A_0 : i32, i32
  }
  func.func @transform_2(%arg0: i32) -> (i32, i32) {
    %c0_i32 = arith.constant 0 : i32
    %c0_i32_0 = arith.constant 0 : i32
    return %c0_i32, %arg0 : i32, i32
  }
  func.func @transform_3(%arg0: i32) -> (i32, i32) {
    %c0_i32 = arith.constant 0 : i32
    %c0_i32_0 = arith.constant 0 : i32
    return %c0_i32, %arg0 : i32, i32
  }
  func.func @transform_4(%arg0: i32) -> (i32, i32) {
    %c0_i32 = arith.constant 0 : i32
    %c0_i32_0 = arith.constant 0 : i32
    return %arg0, %c0_i32 : i32, i32
  }
  func.func @transform_5(%arg0: i32) -> (i32, i32) {
    %c0_i32 = arith.constant 0 : i32
    %c0_i32_0 = arith.constant 0 : i32
    %c0_i32_1 = arith.constant 0 : i32
    return %c0_i32, %c0_i32_0 : i32, i32
  }
  func.func @transform_6(%arg0: i32) -> (i32, i32) {
    %c0_i32 = arith.constant 0 : i32
    %c0_i32_0 = arith.constant 0 : i32
    %c0_i32_1 = arith.constant 0 : i32
    return %c0_i32, %c0_i32_0 : i32, i32
  }
  func.func @transform_7(%arg0: i32) -> (i32, i32) {
    %c0_i32 = arith.constant 0 : i32
    %c0_i32_0 = arith.constant 0 : i32
    %c0_i32_1 = arith.constant 0 : i32
    return %c0_i32, %c0_i32_0 : i32, i32
  }
  func.func @transform_8(%arg0: i32) -> (i32, i32) {
    %c0_i32 = arith.constant 0 : i32
    %c0_i32_0 = arith.constant 0 : i32
    %c0_i32_1 = arith.constant 0 : i32
    return %c0_i32, %c0_i32_0 : i32, i32
  }
  func.func @transform_9(%arg0: i32) -> (i32, i32) {
    %c0_i32 = arith.constant 0 : i32
    %c0_i32_0 = arith.constant 0 : i32
    %c0_i32_1 = arith.constant 0 : i32
    return %c0_i32, %c0_i32_0 : i32, i32
  }
  func.func @transform_10(%arg0: i32) -> (i32, i32) {
    %c0_i32 = arith.constant 0 : i32
    %c0_i32_0 = arith.constant 0 : i32
    %c0_i32_1 = arith.constant 0 : i32
    return %c0_i32, %c0_i32_0 : i32, i32
  }
  func.func @transform_11(%arg0: i32) -> (i32, i32) {
    %c0_i32 = arith.constant 0 : i32
    %c0_i32_0 = arith.constant 0 : i32
    %c0_i32_1 = arith.constant 0 : i32
    return %c0_i32, %c0_i32_0 : i32, i32
  }
  func.func @transform_12(%arg0: i32) -> (i32, i32) {
    %c0_i32 = arith.constant 0 : i32
    %c0_i32_0 = arith.constant 0 : i32
    %c0_i32_1 = arith.constant 0 : i32
    return %c0_i32, %c0_i32_0 : i32, i32
  }
  func.func @transform_13(%arg0: i32) -> (i32, i32) {
    %c0_i32 = arith.constant 0 : i32
    %c0_i32_0 = arith.constant 0 : i32
    %c0_i32_1 = arith.constant 0 : i32
    return %c0_i32, %c0_i32_0 : i32, i32
  }
  func.func @transform_14(%arg0: i32) -> (i32, i32) {
    %c0_i32 = arith.constant 0 : i32
    %c0_i32_0 = arith.constant 0 : i32
    %c0_i32_1 = arith.constant 0 : i32
    return %c0_i32, %c0_i32_0 : i32, i32
  }
  func.func @transform_15(%arg0: i32) -> (i32, i32) {
    %c0_i32 = arith.constant 0 : i32
    %c0_i32_0 = arith.constant 0 : i32
    %c0_i32_1 = arith.constant 0 : i32
    return %c0_i32, %c0_i32_0 : i32, i32
  }
  func.func @transform_16(%arg0: i32) -> (i32, i32) {
    %c0_i32 = arith.constant 0 : i32
    %c0_i32_0 = arith.constant 0 : i32
    %c0_i32_1 = arith.constant 0 : i32
    return %c0_i32, %c0_i32_0 : i32, i32
  }
  func.func @transform_17(%arg0: i32) -> (i32, i32) {
    %c0_i32 = arith.constant 0 : i32
    %c0_i32_0 = arith.constant 0 : i32
    %c0_i32_1 = arith.constant 0 : i32
    return %c0_i32, %c0_i32_0 : i32, i32
  }
  func.func @transform_18(%arg0: i32) -> (i32, i32) {
    %c0_i32 = arith.constant 0 : i32
    %c0_i32_0 = arith.constant 0 : i32
    %c0_i32_1 = arith.constant 0 : i32
    return %c0_i32, %c0_i32_0 : i32, i32
  }
  func.func @transform_19(%arg0: i32) -> (i32, i32) {
    %c0_i32 = arith.constant 0 : i32
    %c0_i32_0 = arith.constant 0 : i32
    return %c0_i32, %arg0 : i32, i32
  }
}

module attributes {stable_mosaic.version = 14 : i64} {
  func.func @_pred_body(%arg0: i32, %arg1: memref<128x2048xf32, #tpu.memory_space<vmem>>, %arg2: memref<128x2048xf32, #tpu.memory_space<vmem>>, %arg3: memref<128x128xbf16, #tpu.memory_space<vmem>>, %arg4: memref<128x1xf32, #tpu.memory_space<vmem>>, %arg5: memref<128x128xbf16, #tpu.memory_space<vmem>>, %arg6: memref<128x1xf32, #tpu.memory_space<vmem>>, %arg7: memref<8x128xbf16, #tpu.memory_space<vmem>>, %arg8: memref<1x1xf32, #tpu.memory_space<vmem>>, %arg9: memref<8x2048xf32, #tpu.memory_space<vmem>>) attributes {dimension_semantics = [#tpu.dimension_semantics<arbitrary>], iteration_bounds = array<i64: 1>, scalar_prefetch = 0 : i64, scratch_operands = 0 : i64, tpu.core_type = #tpu.core_type<tc>, window_params = [{transform_indices = @transform_0, window_bounds = array<i64: 128, 2048>}, {transform_indices = @transform_1, window_bounds = array<i64: 128, 2048>}, {pipeline_mode = #tpu.pipeline_mode<synchronous>, transform_indices = @transform_2, window_bounds = array<i64: 128, 128>}, {pipeline_mode = #tpu.pipeline_mode<synchronous>, transform_indices = @transform_3, window_bounds = array<i64: 128, 1>}, {pipeline_mode = #tpu.pipeline_mode<synchronous>, transform_indices = @transform_4, window_bounds = array<i64: 128, 128>}, {pipeline_mode = #tpu.pipeline_mode<synchronous>, transform_indices = @transform_5, window_bounds = array<i64: 128, 1>}, {pipeline_mode = #tpu.pipeline_mode<synchronous>, transform_indices = @transform_6, window_bounds = array<i64: 8, 128>}, {pipeline_mode = #tpu.pipeline_mode<synchronous>, transform_indices = @transform_7, window_bounds = array<i64: 1, 1>}, {pipeline_mode = #tpu.pipeline_mode<synchronous>, transform_indices = @transform_8, window_bounds = array<i64: 8, 2048>}]} {
    %get3A = arith.constant 0 : index
    %get3A_0 = arith.constant 0 : index
    %get3A_1 = vector.load %arg3[%get3A, %get3A_0] : memref<128x128xbf16, #tpu.memory_space<vmem>>, vector<128x128xbf16>
    %get3A_2 = arith.constant 0 : index
    %get3A_3 = arith.constant 0 : index
    %get3A_4 = vector.load %arg1[%get3A_2, %get3A_3] : memref<128x2048xf32, #tpu.memory_space<vmem>>, vector<128x2048xf32>
    %convert_element_type3A = arith.truncf %get3A_4 : vector<128x2048xf32> to vector<128x2048xbf16>
    %dot_general3A = arith.constant dense<0.000000e+00> : vector<128x2048xf32>
    %dot_general3A_5 = tpu.matmul %get3A_1, %convert_element_type3A, %dot_general3A {dimension_numbers = #tpu.dot_dimension_numbers<[1], [0], [0], [1], [0, 0, 1, 1], [], []>, transpose_lhs_hint = false} : vector<128x128xbf16>, vector<128x2048xbf16>, vector<128x2048xf32> -> vector<128x2048xf32>
    %get3A_6 = arith.constant 0 : index
    %get3A_7 = arith.constant 0 : index
    %get3A_8 = vector.load %arg5[%get3A_6, %get3A_7] : memref<128x128xbf16, #tpu.memory_space<vmem>>, vector<128x128xbf16>
    %get3A_9 = arith.constant 0 : index
    %get3A_10 = arith.constant 0 : index
    %get3A_11 = vector.load %arg2[%get3A_9, %get3A_10] : memref<128x2048xf32, #tpu.memory_space<vmem>>, vector<128x2048xf32>
    %convert_element_type3A_12 = arith.truncf %get3A_11 : vector<128x2048xf32> to vector<128x2048xbf16>
    %dot_general3A_13 = arith.constant dense<0.000000e+00> : vector<128x2048xf32>
    %dot_general3A_14 = tpu.matmul %get3A_8, %convert_element_type3A_12, %dot_general3A_13 {dimension_numbers = #tpu.dot_dimension_numbers<[1], [0], [0], [1], [0, 0, 1, 1], [], []>, transpose_lhs_hint = false} : vector<128x128xbf16>, vector<128x2048xbf16>, vector<128x2048xf32> -> vector<128x2048xf32>
    %add3A = arith.addf %dot_general3A_5, %dot_general3A_14 : vector<128x2048xf32>
    %get3A_15 = arith.constant 0 : index
    %get3A_16 = arith.constant 0 : index
    %get3A_17 = vector.load %arg4[%get3A_15, %get3A_16] : memref<128x1xf32, #tpu.memory_space<vmem>>, vector<128x1xf32>
    %add3A_18 = vector.broadcast %get3A_17 : vector<128x1xf32> to vector<128x2048xf32>
    %add3A_19 = arith.addf %add3A, %add3A_18 : vector<128x2048xf32>
    %get3A_20 = arith.constant 0 : index
    %get3A_21 = arith.constant 0 : index
    %get3A_22 = vector.load %arg6[%get3A_20, %get3A_21] : memref<128x1xf32, #tpu.memory_space<vmem>>, vector<128x1xf32>
    %add3A_23 = vector.broadcast %get3A_22 : vector<128x1xf32> to vector<128x2048xf32>
    %add3A_24 = arith.addf %add3A_19, %add3A_23 : vector<128x2048xf32>
    %max3A = arith.constant 0.000000e+00 : f32
    %max3A_25 = vector.broadcast %max3A : f32 to vector<128x2048xf32>
    %max3A_26 = arith.maximumf %add3A_24, %max3A_25 : vector<128x2048xf32>
    %get3A_27 = arith.constant 0 : index
    %get3A_28 = arith.constant 0 : index
    %get3A_29 = vector.load %arg7[%get3A_27, %get3A_28] : memref<8x128xbf16, #tpu.memory_space<vmem>>, vector<8x128xbf16>
    %convert_element_type3A_30 = arith.truncf %max3A_26 : vector<128x2048xf32> to vector<128x2048xbf16>
    %dot_general3A_31 = arith.constant dense<0.000000e+00> : vector<8x2048xf32>
    %dot_general3A_32 = tpu.matmul %get3A_29, %convert_element_type3A_30, %dot_general3A_31 {dimension_numbers = #tpu.dot_dimension_numbers<[1], [0], [0], [1], [0, 0, 1, 1], [], []>, transpose_lhs_hint = false} : vector<8x128xbf16>, vector<128x2048xbf16>, vector<8x2048xf32> -> vector<8x2048xf32>
    %get3A_33 = arith.constant 0 : index
    %get3A_34 = arith.constant 0 : index
    %get3A_35 = vector.load %arg8[%get3A_33, %get3A_34] : memref<1x1xf32, #tpu.memory_space<vmem>>, vector<1x1xf32>
    %add3A_36 = vector.broadcast %get3A_35 : vector<1x1xf32> to vector<8x2048xf32>
    %add3A_37 = arith.addf %dot_general3A_32, %add3A_36 : vector<8x2048xf32>
    %swap3A = arith.constant 0 : index
    %swap3A_38 = arith.constant 0 : index
    %swap3A_39 = vector.load %arg9[%swap3A, %swap3A_38] : memref<8x2048xf32, #tpu.memory_space<vmem>>, vector<8x2048xf32>
    tpu.vector_store %arg9[%swap3A, %swap3A_38], %add3A_37 {strides = array<i32>} : memref<8x2048xf32, #tpu.memory_space<vmem>>, vector<8x2048xf32>,
    return
  }
  func.func @transform_0(%arg0: i32) -> (i32, i32) {
    %c0_i32 = arith.constant 0 : i32
    %c0_i32_0 = arith.constant 0 : i32
    %c0_i32_1 = arith.constant 0 : i32
    return %c0_i32, %c0_i32_0 : i32, i32
  }
  func.func @transform_1(%arg0: i32) -> (i32, i32) {
    %c0_i32 = arith.constant 0 : i32
    %c1_i32 = arith.constant 1 : i32
    %c0_i32_0 = arith.constant 0 : i32
    return %c0_i32, %c1_i32 : i32, i32
  }
  func.func @transform_2(%arg0: i32) -> (i32, i32) {
    %c0_i32 = arith.constant 0 : i32
    %c0_i32_0 = arith.constant 0 : i32
    %c0_i32_1 = arith.constant 0 : i32
    return %c0_i32, %c0_i32_0 : i32, i32
  }
  func.func @transform_3(%arg0: i32) -> (i32, i32) {
    %c0_i32 = arith.constant 0 : i32
    %c0_i32_0 = arith.constant 0 : i32
    %c0_i32_1 = arith.constant 0 : i32
    return %c0_i32, %c0_i32_0 : i32, i32
  }
  func.func @transform_4(%arg0: i32) -> (i32, i32) {
    %c0_i32 = arith.constant 0 : i32
    %c0_i32_0 = arith.constant 0 : i32
    %c0_i32_1 = arith.constant 0 : i32
    return %c0_i32, %c0_i32_0 : i32, i32
  }
  func.func @transform_5(%arg0: i32) -> (i32, i32) {
    %c0_i32 = arith.constant 0 : i32
    %c0_i32_0 = arith.constant 0 : i32
    %c0_i32_1 = arith.constant 0 : i32
    return %c0_i32, %c0_i32_0 : i32, i32
  }
  func.func @transform_6(%arg0: i32) -> (i32, i32) {
    %c0_i32 = arith.constant 0 : i32
    %c0_i32_0 = arith.constant 0 : i32
    %c0_i32_1 = arith.constant 0 : i32
    return %c0_i32, %c0_i32_0 : i32, i32
  }
  func.func @transform_7(%arg0: i32) -> (i32, i32) {
    %c0_i32 = arith.constant 0 : i32
    %c0_i32_0 = arith.constant 0 : i32
    %c0_i32_1 = arith.constant 0 : i32
    return %c0_i32, %c0_i32_0 : i32, i32
  }
  func.func @transform_8(%arg0: i32) -> (i32, i32) {
    %c0_i32 = arith.constant 0 : i32
    %c0_i32_0 = arith.constant 0 : i32
    %c0_i32_1 = arith.constant 0 : i32
    return %c0_i32, %c0_i32_0 : i32, i32
  }
}

</mosaic_0001>

<sc_bundles>
// kernel: kernel.12.cloned.1.call-start
scs
__scs_entry_jumppad:
0x0: {  	(pc) =	sbr.rel $0x88, $3  }
0x1: {  	(tag) =	ssettag $0x0;
	lr =	simm.s32 $0x1  }
0x2: {  	[smem:$0x3F86] =	sst lr;
	_ =	strace $0xD0000000  }
0x3: {  	_ = 	snop  }
0x4: {  	_ = 	snop  }
0x5: {  	_ = 	snop  }
0x6: {  	_ = 	snop  }
0x7: {  	_ = 	snop  }
__scs_overlays_trampoline_lowered:
0x8: {  	[smem:$0x3F95] =	sst s0  }
0x9: {  	[smem:$0x3F96] =	sst s1  }
0xa: {  	[smem:$0x3F97] =	sst s2  }
0xb: {  	[smem:$0x3F98] =	sst s3  }
0xc: {  	[smem:$0x3F99] =	sst s4  }
0xd: {  	[smem:$0x3F9A] =	sst s5  }
0xe: {  	[smem:$0x3F9B] =	sst s6  }
0xf: {  	[smem:$0x3F9C] =	sst s7  }
0x10: {  	[smem:$0x3F9D] =	sst s8  }
0x11: {  	[smem:$0x3F9E] =	sst s9;
	s0 =	simm.s32 @!p0 $0x0  }
0x12: {  	s1 =	sld [smem:$0x3F84];
	s0 =	simm.s32 @p0 $0x1  }
0x13: {  	[smem:$0x3F9F] =	sst s0;
	s0 =	simm.s32 @!p1 $0x0  }
0x14: {  	s2 =	sld [smem:$0x3F83];
	s0 =	simm.s32 @p1 $0x1  }
0x15: {  	[smem:$0x3FA0] =	sst s0;
	s0 =	simm.s32 @!p2 $0x0  }
0x16: {  	s3 =	sld [smem:$0x3FDB];
	s0 =	simm.s32 @p2 $0x1  }
0x17: {  	s4 =	simm.s32 $0x1BF5;
	[smem:$0x3FA2] =	sst s0  }
0x18: {  	s0 =	sld [smem:$0x3F85];
	_ =	swait.ge [sflag:s4], $0x0  }
0x19: {  	s7 =	sld [smem:$0x3F86]  }
0x1a: {  	s8 =	sadd.s32 $0xFFFFE003, lr  }
0x1b: {  	s9 =	sadd.s32 $0xFFFFFEF7, lr;
	s5 =	simm.s32 $0xFFFFFFFF;
	p2 =	slt.u32 s8, $0xFFFFF086  }
0x1c: {  	p1 =	slt.u32 s9, $0xF7A;
	s5 =	simm.s32 @!p2 $0x0  }
0x1d: {  	s5 =	simm.s32 @p1 $0x1;
	p0 =	seq.s32 s7, s2  }
0x1e: {  	s7 =	smul.u32 @!p0 $0xF7A, s2;
	p2 =	seq.s32 @!p0 s5, $0x0  }
0x1f: {  	s9 =	smul.u32 $0xF7A, s1;
	s8 =	simm.s32 @!p0 $0x1BF5;
	p2 =	por !p2, p0  }
0x20: {  	[sflag:s8] =	ssyncset.s32 @!p0 $0xFFFFF086;
	s6 =	sadd.s32 @!p0 s3, s7;
	s7 =	simm.s32 @!p0 $0x108  }
0x21: {  	s3 =	sadd.s32 s3, s9;
	s6 =	sadd.s32 @!p0 $0x88, s6;
	s7 =	simm.s32 @p2 $0x1082  }
0x22: {  	[simem:s7], [sflag:s8] =	dma.local @!p0 [hbm:s6], $0xF7A  }
0x23: {  	s9 =	sor.u32 $0xD0000000, s2;
	s6 =	simm.s32 $0x108;
	_ =	swait.ge @!p0 [sflag:s8], $0x0  }
0x24: {  	s3 =	sadd.s32 $0x88, s3;
	s6 =	simm.s32 @!p1 $0x1082;
	[sflag:s4] =	ssyncset.s32 $0xFFFFF086  }
0x25: {  	[simem:s6], [sflag:s4] =	dma.local [hbm:s3], $0xF7A  }
0x26: {  	[smem:$0x3F86] =	sst s1;
	(tag) =	ssettag s2;
	_ =	strace s9  }
0x27: {  	s1 =	sld [smem:$0x3F96]  }
0x28: {  	s2 =	sld [smem:$0x3F97]  }
0x29: {  	s4 =	sld [smem:$0x3F99]  }
0x2a: {  	p0 =	seq.s32 s5, $0x0;
	s5 =	sld [smem:$0x3F9A]  }
0x2b: {  	s6 =	sld [smem:$0x3F9B]  }
0x2c: {  	s7 =	sld [smem:$0x3F9C]  }
0x2d: {  	s3 =	simm.s32 $0x108;
	s8 =	sld [smem:$0x3F9D]  }
0x2e: {  	s3 =	simm.s32 @!p0 $0x1082;
	s9 =	sld [smem:$0x3F9E]  }
0x2f: {  	lr =	sadd.s32 s0, s3;
	s0 =	sld [smem:$0x3F95]  }
0x30: {  	s3 =	sld [smem:$0x3F98]  }
0x31: {  	[smem:$0x3FA1] =	sst s10  }
0x32: {  	s10 =	sld [smem:$0x3F9F];
	_ =	sdelay $0x3  }
0x33: {  	p0 =	seq.s32 s10, $0x1;
	s10 =	sld [smem:$0x3FA1];
	_ =	sdelay $0x3  }
0x34: {  	[smem:$0x3FA1] =	sst s10  }
0x35: {  	s10 =	sld [smem:$0x3FA0];
	_ =	sdelay $0x3  }
0x36: {  	p1 =	seq.s32 s10, $0x1;
	s10 =	sld [smem:$0x3FA1];
	_ =	sdelay $0x3  }
0x37: {  	[smem:$0x3FA1] =	sst s10  }
0x38: {  	s10 =	sld [smem:$0x3FA2]  }
0x39: {  	_ = 	snop;
	(pc) =	sbr.ind lr, $3  }
0x3a: {  	_ = 	snop  }
0x3b: {  	_ = 	snop  }
0x3c: {  	p2 =	seq.s32 s10, $0x1;
	s10 =	sld [smem:$0x3FA1]  }
0x3d: {  	_ =	shalt  }
0x3e: {  	_ =	shalt  }
0x3f: {  	_ =	shalt  }
0x40: {  	_ =	shalt  }
0x41: {  	_ =	shalt  }
0x42: {  	_ =	shalt  }
0x43: {  	_ =	shalt  }
0x44: {  	_ =	shalt  }
0x45: {  	_ =	shalt  }
0x46: {  	_ =	shalt  }
0x47: {  	_ =	shalt  }
0x48: {  	_ =	shalt  }
0x49: {  	_ =	shalt  }
0x4a: {  	_ =	shalt  }
0x4b: {  	_ =	shalt  }
0x4c: {  	_ =	shalt  }
0x4d: {  	_ =	shalt  }
0x4e: {  	_ =	shalt  }
0x4f: {  	_ =	shalt  }
0x50: {  	_ =	shalt  }
0x51: {  	_ =	shalt  }
0x52: {  	_ =	shalt  }
0x53: {  	_ =	shalt  }
0x54: {  	_ =	shalt  }
0x55: {  	_ =	shalt  }
0x56: {  	_ =	shalt  }
0x57: {  	_ =	shalt  }
0x58: {  	_ =	shalt  }
0x59: {  	_ =	shalt  }
0x5a: {  	_ =	shalt  }
0x5b: {  	_ =	shalt  }
0x5c: {  	_ =	shalt  }
0x5d: {  	_ =	shalt  }
0x5e: {  	_ =	shalt  }
0x5f: {  	_ =	shalt  }
0x60: {  	_ =	shalt  }
0x61: {  	_ =	shalt  }
0x62: {  	_ =	shalt  }
0x63: {  	_ =	shalt  }
0x64: {  	_ =	shalt  }
0x65: {  	_ =	shalt  }
0x66: {  	_ =	shalt  }
0x67: {  	_ =	shalt  }
0x68: {  	_ =	shalt  }
0x69: {  	_ =	shalt  }
0x6a: {  	_ =	shalt  }
0x6b: {  	_ =	shalt  }
0x6c: {  	_ =	shalt  }
0x6d: {  	_ =	shalt  }
0x6e: {  	_ =	shalt  }
0x6f: {  	_ =	shalt  }
0x70: {  	_ =	shalt  }
0x71: {  	_ =	shalt  }
0x72: {  	_ =	shalt  }
0x73: {  	_ =	shalt  }
0x74: {  	_ =	shalt  }
0x75: {  	_ =	shalt  }
0x76: {  	_ =	shalt  }
0x77: {  	_ =	shalt  }
0x78: {  	_ =	shalt  }
0x79: {  	_ =	shalt  }
0x7a: {  	_ =	shalt  }
0x7b: {  	_ =	shalt  }
0x7c: {  	_ =	shalt  }
0x7d: {  	_ =	shalt  }
0x7e: {  	_ =	shalt  }
0x7f: {  	_ =	shalt  }
0x80: {  	_ =	shalt  }
0x81: {  	_ =	shalt  }
0x82: {  	_ =	shalt  }
0x83: {  	_ =	shalt  }
0x84: {  	_ =	shalt  }
0x85: {  	_ =	shalt  }
0x86: {  	_ =	shalt  }
0x87: {  	_ =	shalt  }
.Lfunc_end0:
.L_simem_size_0:
called_computation.1_lowered:
.L_overlay_start_0:
0x88: {  	s2 =	sld [smem:$0x3FD9]  }
0x89: {  	s3 =	sld [smem:$0x3FFE];
	_ =	sdelay $0x1  }
0x8a: {  	s1 =	srdreg.scid  }
0x8b: {  	s0 =	sand.u32 $0x1, s1  }
0x8c: {  	s17 =	sshll.u32 s0, $0xA;
	s2 =	sadd.s32 s3, s2  }
0x8d: {  	s2 =	sadd.s32 s2, s17  }
0x8e: {  	[smem:$0x3FAD] =	sst s2  }
0x8f: {  	_ = 	snop  }
0x90: {  	(tm) =	ssettm $0x1  }
0x91: {  	s18 =	sld [smem:$0x3FFB];
	_ =	sdelay $0x3  }
0x92: {  	_ =	strace s18  }
0x93: {  	s2 =	sld [smem:$0x3FFC];
	_ =	sdelay $0x3  }
0x94: {  	_ =	strace s2  }
0x95: {  	s2 =	sld [smem:$0x3FFD];
	_ =	sdelay $0x3  }
0x96: {  	_ =	strace s2  }
0x97: {  	_ =	strace $0x8FFFFFFF  }
0x98: {  	s19 =	sld [smem:$0x3FDB];
	_ =	sdelay $0x1  }
0x99: {  	s20 =	simm.s32 $_scs_section_size  }
0x9a: {  	s4 =	simm.s32 $_size__tile_overlayer_lowered;
	s5 =	simm.s32 $_tile_overlayer_lowered  }
0x9b: {  	s6 =	simm.s32 $0x1BFF;
	s21 =	sshll.u32 s5, $0x1;
	s3 =	sadd.s32 s20, s19  }
0x9c: {  	s22 =	simm.s32 $0x0;
	s4 =	sshll.u32 s4, $0x1;
	s5 =	sadd.s32 s21, s3  }
0x9d: {  	[timem:s22], [sflag:s6] =	dma.local [hbm:s5], s4  }
0x9e: {  	_ =	swait.ge [sflag:s6], s4  }
0x9f: {  	s4 =	ssub.s32 $0x0, s4;
	[sflag:s6] =	ssyncset.done $0x0  }
0xa0: {  	[sflag:s6] =	ssyncadd.s32 s4;
	_ =	sdelay $0x1  }
0xa1: {  	s23 =	simm.s32 $0x1B8B  }
0xa2: {  	_ =	swait.ge [sflag:s23], $0x1  }
0xa3: {  	[sflag:s23] =	ssyncset.done $0x0  }
0xa4: {  	[sflag:s23] =	ssyncadd.s32 $0xFFFFFFFF  }
0xa5: {  	s4 =	sld [smem:$0x0]  }
0xa6: {  	s5 =	sand.u32 $0xFFFFFFFE, s1  }
0xa7: {  	p0 =	sne.s32 s1, s5  }
0xa8: {  	s5 =	sshll.u32 @p0 s5, $0xE  }
0xa9: {  	s5 =	sadd.s32 @p0 $0x11B8D, s5;
	s6 =	sshll.u32 @p0 s4, $0x11  }
0xaa: {  	s5 =	sor.u32 @p0 s6, s5  }
0xab: {  	[sflag:s5] =	ssyncadd.remote.s32 @p0 $0x1;
	_ =	sdelay $0x1  }
0xac: {  	s5 =	simm.s32 @p0 $0x1B8D  }
0xad: {  	_ =	swait.eq @p0 [sflag:s5], $0x1  }
0xae: {  	[sflag:s5] =	ssyncadd.s32 @p0 $0xFFFFFFFF  }
0xaf: {  	s6 =	sshll.u32 @!p0 s1, $0xE  }
0xb0: {  	s6 =	sor.u32 @!p0 $0x4000, s6;
	s5 =	simm.s32 @!p0 $0x1B8D  }
0xb1: {  	s4 =	sshll.u32 @!p0 s4, $0x11;
	s6 =	sadd.s32 @!p0 $0x11B8D, s6;
	_ =	swait.eq @!p0 [sflag:s5], $0x1  }
0xb2: {  	s4 =	sor.u32 @!p0 s4, s6;
	[sflag:s5] =	ssyncadd.s32 @!p0 $0xFFFFFFFF  }
0xb3: {  	s25 =	simm.s32 $0x1B8E;
	s24 =	sld [smem:$0x3FFE];
	[sflag:s4] =	ssyncadd.remote.s32 @!p0 $0x1  }
0xb4: {  	s26 =	simm.s32 $execute0_lowered;
	[smem:$0x3FD2] =	sst s25  }
0xb5: {  	s5 =	sshll.u32 s26, $0x1;
	_ =	strace $0x80000049;
	[dreg:$0x1] =	wrdreg $0xFFFFFFFF  }
0xb6: {  	s28 =	simm.s32 $_size_execute0_lowered;
	s3 =	sadd.s32 s3, s5;
	[dreg:$0x0] =	wrdreg $0x0  }
0xb7: {  	s5 =	sshll.u32 s28, $0x1;
	[dreg:$0x2] =	wrdreg s3  }
0xb8: {  	[dreg:$0x3] =	wrdreg s5  }
0xb9: {  	[dreg:$0x4] =	wrdreg $0xC0  }
0xba: {  	_ =	task [dreg:s22], $0x5FFFF  }
0xbb: {  	[dreg:$0x1] =	wrdreg $0xFFFFFFFF  }
0xbc: {  	[dreg:$0x0] =	wrdreg $0x60  }
0xbd: {  	[dreg:$0x2] =	wrdreg s24  }
0xbe: {  	[dreg:$0x3] =	wrdreg $0xA  }
0xbf: {  	_ =	task.clear_ibuf [dreg:s22], $0x4FFFF;
	_ =	strace $0x90000049  }
0xc0: {  	s29 =	simm.s32 $0xA;
	_ =	strace $0x8000004B  }
0xc1: {  	_ =	swait.ge [sflag:s29], $0x1  }
0xc2: {  	[sflag:s29] =	ssyncadd.s32 $0xFFFFFFFF  }
0xc3: {  	_ =	strace $0x9000004B  }
0xc4: {  	_ =	sfence  }
0xc5: {  	s30 =	sld [smem:$0x0];
	_ =	sdelay $0x2  }
0xc6: {  	s31 =	sshll.u32 s1, $0xD;
	s1 =	sshrl.u32 s1, $0x2  }
0xc7: {  	s4 =	sand.u32 $0x4000, s31;
	s1 =	sadd.s32 s1, s30  }
0xc8: {  	s0 =	sor.u32 s4, s0;
	s1 =	sshll.u32 s1, $0x11  }
0xc9: {  	s0 =	sor.u32 s1, s0  }
0xca: {  	s0 =	sadd.s32 $0x8F2B, s0  }
0xcb: {  	[sflag:s0] =	ssyncadd.remote.s32 $0x1  }
0xcc: {  	_ =	sfence.sel $0xFFFF  }
0xcd: {  	[dreg:$0x0] =	wrdreg $0xFFFFFFFF;
	(pc) =	sbr.abs _section_cstart, $3  }
0xce: {  	[dreg:$0x1] =	wrdreg $0xFFFFFFFF  }
0xcf: {  	_ =	task.clear_ibuf [dreg:s22], $0x2FFFF;
	_ =	strace $0x9FFFFFFF  }
0xd0: {  	(tm) =	ssettm $0x7FFFFFFF  }
0xd1: {  	_ =	shalt  }
tec
execute0_lowered:
.L_overlay_start_1:
0x0: {  	(tag) =	ssettag $0x1  }
0x1: {  	s1 =	srdreg.scid  }
0x2: {  	s0 =	stileid.u32;
	s4 =	rddreg [dreg:$0x0];
	s2 =	simm.s32 $0x0  }
0x3: {  	s9 =	simm.s32 $0x1080;
	s10 =	simm.s32 $0x1880;
	s11 =	simm.s32 $0x2080  }
0x4: {  	s12 =	simm.s32 $0x2880;
	s13 =	simm.s32 $0x3080;
	s14 =	simm.s32 $0x3880  }
0x5: {  	s15 =	simm.s32 $0x4080;
	s16 =	simm.s32 $0x4880;
	s17 =	simm.s32 $0x5080  }
0x6: {  	s18 =	simm.s32 $0x5880;
	s19 =	simm.s32 $0x6080;
	s20 =	simm.s32 $0x6880  }
0x7: {  	s21 =	simm.s32 $0x7080;
	s22 =	simm.s32 $0x7880;
	s23 =	simm.s32 $0x8080  }
0x8: {  	s24 =	simm.s32 $0x1;
	s25 =	simm.s32 $0x0;
	s3 =	sand.u32 $0x1, s1  }
0x9: {  	s30 =	sshll.u32 s0, $0x1;
	s6 =	smul.u32 $0x110000, s0;
	[smem:$0x7FF] =	sst s2  }
0xa: {  	s1 =	sor.u32 s3, s30;
	s7 =	smul.u32 $0x88000, s3;
	s31 =	ssub.s32 $0x2, s3  }
0xb: {  	s3 =	sadd.s32 $0x6A00, s4;
	s5 =	smul.u32 $0x110, s1;
	s1 =	rddreg [dreg:$0x1]  }
0xc: {  	_ =	strace $0x8000004A;
	s8 =	sshrl.u32 s31, $0x1;
	s6 =	sadd.s32 s7, s6  }
0xd: {  	v2 =	vlaneseq.u32;
	s7 =	ssub.s32 s31, s8;
	s5 =	sadd.s32 s5, s4;
	s6 =	sshrl.u32 s6, $0x3  }
0xe: {  	vm0 =	vmmov $0xffff;
	v1 =	vshrl.u32 v2, $0x3;
	s8 =	simm.s32 $0x880;
	s6 =	sadd.s32 s6, s4;
	s4 =	sadd.s32 $0x4800, s5  }
0xf: {  	v0 =	vand.u32 $0x7, v2;
	v2 =	vor.u32 $0x8, v2;
	v1 =	vmul.u32 $0x8, v1;
	s5 =	smax.u32 s7, $0x1;
	s7 =	simm.s32 $0x2;
	s6 =	sadd.s32 $0x731200, s6  }
.LBB2_1:
0x10: {  	[tilespmem:s2], [sflag:$0x2] =	stream.linear.gather [hbm4b:s4+s2], $0x880, $0x38;
	[tilespmem:$0x8880] =	vst v63  }
0x11: {  	_ =	swait.ge [sflag:s7], $0x880  }
0x12: {  	[sflag:s7] =	ssyncset.done $0x0  }
0x13: {  	s26 =	simm.s32 $0x40;
	s28 =	simm.s32 $0x0;
	[sflag:s7] =	ssyncadd.s32 $0xFFFFF780  }
.LBB2_2:
0x14: {  	v3 =	vld [tilespmem:s26+$0xFFFFFFC0];
	_ =	sdelay $0x4  }
0x15: {  	v4 =	vshrl.u32 v3, $0x3  }
0x16: {  	v4 =	vmul.u32 $0x18, v4  }
0x17: {  	v3 =	vand.u32 $0x7, v3  }
0x18: {  	v3 =	vor.u32 v3, v4  }
0x19: {  	v4 =	vperm.xlane v3, v0;
	_ =	sdelay $0x1  }
0x1a: {  	v3 =	vperm.xlane v3, v2;
	v4 =	vadd.s32 v1, v4;
	_ =	sdelay $0x1  }
0x1b: {  	v3 =	vadd.s32 v1, v3;
	_ =	sdelay $0x2  }
0x1c: {  	[tilespmem:s8], [sflag:$0x1] =	stream.indirect_vreg.gather [hbm4b:s3+s2], $0x80, v4, vm0, $0xb8;
	[tilespmem:$0x8880] =	vst v63  }
0x1d: {  	_ = 	snop  }
0x1e: {  	[tilespmem:s9], [sflag:$0x1] =	stream.indirect_vreg.gather [hbm4b:s3+s2], $0x80, v3, vm0, $0xb8;
	[tilespmem:$0x8880] =	vst v63  }
0x1f: {  	v3 =	vld [tilespmem:s26+$0xFFFFFFD0];
	_ =	sdelay $0x4  }
0x20: {  	v57 =	vshrl.u32 v3, $0x3  }
0x21: {  	v4 =	vmul.u32 $0x18, v57  }
0x22: {  	v3 =	vand.u32 $0x7, v3  }
0x23: {  	v3 =	vor.u32 v3, v4  }
0x24: {  	v4 =	vperm.xlane v3, v0;
	_ =	sdelay $0x1  }
0x25: {  	v3 =	vperm.xlane v3, v2;
	v4 =	vadd.s32 v1, v4;
	_ =	sdelay $0x1  }
0x26: {  	v3 =	vadd.s32 v1, v3;
	_ =	sdelay $0x2  }
0x27: {  	[tilespmem:s10], [sflag:$0x1] =	stream.indirect_vreg.gather [hbm4b:s3+s2], $0x80, v4, vm0, $0xb8;
	[tilespmem:$0x8880] =	vst v63  }
0x28: {  	_ = 	snop  }
0x29: {  	[tilespmem:s11], [sflag:$0x1] =	stream.indirect_vreg.gather [hbm4b:s3+s2], $0x80, v3, vm0, $0xb8;
	[tilespmem:$0x8880] =	vst v63  }
0x2a: {  	v3 =	vld [tilespmem:s26+$0xFFFFFFE0];
	_ =	sdelay $0x4  }
0x2b: {  	v58 =	vshrl.u32 v3, $0x3  }
0x2c: {  	v4 =	vmul.u32 $0x18, v58  }
0x2d: {  	v3 =	vand.u32 $0x7, v3  }
0x2e: {  	v3 =	vor.u32 v3, v4  }
0x2f: {  	v4 =	vperm.xlane v3, v0;
	_ =	sdelay $0x1  }
0x30: {  	v3 =	vperm.xlane v3, v2;
	v4 =	vadd.s32 v1, v4;
	_ =	sdelay $0x1  }
0x31: {  	v3 =	vadd.s32 v1, v3;
	_ =	sdelay $0x2  }
0x32: {  	[tilespmem:s12], [sflag:$0x1] =	stream.indirect_vreg.gather [hbm4b:s3+s2], $0x80, v4, vm0, $0xb8;
	[tilespmem:$0x8880] =	vst v63  }
0x33: {  	_ = 	snop  }
0x34: {  	[tilespmem:s13], [sflag:$0x1] =	stream.indirect_vreg.gather [hbm4b:s3+s2], $0x80, v3, vm0, $0xb8;
	[tilespmem:$0x8880] =	vst v63  }
0x35: {  	v3 =	vld [tilespmem:s26+$0xFFFFFFF0];
	_ =	sdelay $0x4  }
0x36: {  	v59 =	vshrl.u32 v3, $0x3  }
0x37: {  	v4 =	vmul.u32 $0x18, v59  }
0x38: {  	v3 =	vand.u32 $0x7, v3  }
0x39: {  	v3 =	vor.u32 v3, v4  }
0x3a: {  	v4 =	vperm.xlane v3, v0;
	_ =	sdelay $0x1  }
0x3b: {  	v3 =	vperm.xlane v3, v2;
	v4 =	vadd.s32 v1, v4;
	_ =	sdelay $0x1  }
0x3c: {  	v3 =	vadd.s32 v1, v3;
	_ =	sdelay $0x2  }
0x3d: {  	[tilespmem:s14], [sflag:$0x1] =	stream.indirect_vreg.gather [hbm4b:s3+s2], $0x80, v4, vm0, $0xb8;
	[tilespmem:$0x8880] =	vst v63  }
0x3e: {  	_ = 	snop  }
0x3f: {  	[tilespmem:s15], [sflag:$0x1] =	stream.indirect_vreg.gather [hbm4b:s3+s2], $0x80, v3, vm0, $0xb8;
	[tilespmem:$0x8880] =	vst v63  }
0x40: {  	v3 =	vld [tilespmem:s26+$0x0];
	_ =	sdelay $0x4  }
0x41: {  	v60 =	vshrl.u32 v3, $0x3  }
0x42: {  	v4 =	vmul.u32 $0x18, v60  }
0x43: {  	v3 =	vand.u32 $0x7, v3  }
0x44: {  	v3 =	vor.u32 v3, v4  }
0x45: {  	v4 =	vperm.xlane v3, v0;
	_ =	sdelay $0x1  }
0x46: {  	v3 =	vperm.xlane v3, v2;
	v4 =	vadd.s32 v1, v4;
	_ =	sdelay $0x1  }
0x47: {  	v3 =	vadd.s32 v1, v3;
	_ =	sdelay $0x2  }
0x48: {  	[tilespmem:s16], [sflag:$0x1] =	stream.indirect_vreg.gather [hbm4b:s3+s2], $0x80, v4, vm0, $0xb8;
	[tilespmem:$0x8880] =	vst v63  }
0x49: {  	_ = 	snop  }
0x4a: {  	[tilespmem:s17], [sflag:$0x1] =	stream.indirect_vreg.gather [hbm4b:s3+s2], $0x80, v3, vm0, $0xb8;
	[tilespmem:$0x8880] =	vst v63  }
0x4b: {  	v3 =	vld [tilespmem:s26+$0x10];
	_ =	sdelay $0x4  }
0x4c: {  	v61 =	vshrl.u32 v3, $0x3  }
0x4d: {  	v4 =	vmul.u32 $0x18, v61  }
0x4e: {  	v3 =	vand.u32 $0x7, v3  }
0x4f: {  	v3 =	vor.u32 v3, v4  }
0x50: {  	v4 =	vperm.xlane v3, v0;
	_ =	sdelay $0x1  }
0x51: {  	v3 =	vperm.xlane v3, v2;
	v4 =	vadd.s32 v1, v4;
	_ =	sdelay $0x1  }
0x52: {  	v3 =	vadd.s32 v1, v3;
	_ =	sdelay $0x2  }
0x53: {  	[tilespmem:s18], [sflag:$0x1] =	stream.indirect_vreg.gather [hbm4b:s3+s2], $0x80, v4, vm0, $0xb8;
	[tilespmem:$0x8880] =	vst v63  }
0x54: {  	_ = 	snop  }
0x55: {  	[tilespmem:s19], [sflag:$0x1] =	stream.indirect_vreg.gather [hbm4b:s3+s2], $0x80, v3, vm0, $0xb8;
	[tilespmem:$0x8880] =	vst v63  }
0x56: {  	v3 =	vld [tilespmem:s26+$0x20];
	_ =	sdelay $0x4  }
0x57: {  	v62 =	vshrl.u32 v3, $0x3  }
0x58: {  	v4 =	vmul.u32 $0x18, v62  }
0x59: {  	v3 =	vand.u32 $0x7, v3  }
0x5a: {  	v3 =	vor.u32 v3, v4  }
0x5b: {  	v4 =	vperm.xlane v3, v0;
	_ =	sdelay $0x1  }
0x5c: {  	v3 =	vperm.xlane v3, v2;
	v4 =	vadd.s32 v1, v4;
	_ =	sdelay $0x1  }
0x5d: {  	v3 =	vadd.s32 v1, v3;
	_ =	sdelay $0x2  }
0x5e: {  	[tilespmem:s20], [sflag:$0x1] =	stream.indirect_vreg.gather [hbm4b:s3+s2], $0x80, v4, vm0, $0xb8;
	[tilespmem:$0x8880] =	vst v63  }
0x5f: {  	_ = 	snop  }
0x60: {  	[tilespmem:s21], [sflag:$0x1] =	stream.indirect_vreg.gather [hbm4b:s3+s2], $0x80, v3, vm0, $0xb8;
	[tilespmem:$0x8880] =	vst v63  }
0x61: {  	v3 =	vld [tilespmem:s26+$0x30];
	_ =	sdelay $0x4  }
0x62: {  	v63 =	vshrl.u32 v3, $0x3  }
0x63: {  	v4 =	vmul.u32 $0x18, v63  }
0x64: {  	v3 =	vand.u32 $0x7, v3  }
0x65: {  	v3 =	vor.u32 v3, v4  }
0x66: {  	v4 =	vperm.xlane v3, v0;
	_ =	sdelay $0x1  }
0x67: {  	v3 =	vperm.xlane v3, v2;
	v4 =	vadd.s32 v1, v4;
	_ =	sdelay $0x1  }
0x68: {  	v3 =	vadd.s32 v1, v3;
	_ =	sdelay $0x2  }
0x69: {  	[tilespmem:s22], [sflag:$0x1] =	stream.indirect_vreg.gather [hbm4b:s3+s2], $0x80, v4, vm0, $0xb8;
	[tilespmem:$0x8880] =	vst v63  }
0x6a: {  	_ = 	snop  }
0x6b: {  	[tilespmem:s23], [sflag:$0x1] =	stream.indirect_vreg.gather [hbm4b:s3+s2], $0x80, v3, vm0, $0xb8;
	[tilespmem:$0x8880] =	vst v63  }
0x6c: {  	_ =	swait.ge [sflag:s24], $0x8000  }
0x6d: {  	p0 =	sne.s32 s28, $0x10000;
	[sflag:s24] =	ssyncset.done $0x0  }
.Ltmp0:
0x6e: {  	s29 =	sadd.s32 s28, s6;
	[sflag:s24] =	ssyncadd.s32 $0xFFFF8000;
	(pc) =	sbr.rel @p0 .LBB2_2-.Ltmp0, $4  }
0x6f: {  	[hbm4b:s29+s2] =	stream.linear.scatter [tilespmem:s8], [sflag:$0x2], $0x8000, $0x38;
	[tilespmem:$0x8880] =	vst v63  }
0x70: {  	_ =	swait.ge [sflag:s7], $0x8000  }
0x71: {  	[sflag:s7] =	ssyncset.done $0x0  }
0x72: {  	s28 =	sadd.s32 $0x1000, s28;
	s26 =	sadd.s32 $0x80, s26;
	[sflag:s7] =	ssyncadd.s32 $0xFFFF8000  }
0x73: {  	s25 =	sadd.s32 $0x1, s25  }
0x74: {  	p0 =	sne.s32 s25, s5  }
.Ltmp1:
0x75: {  	_ = 	snop;
	(pc) =	sbr.rel @p0 .LBB2_1-.Ltmp1, $1  }
0x76: {  	_ =	sdelay $0x3  }
0x77: {  	_ =	sfence.sel $0x180000  }
0x78: {  	[bflag:$0x0] =	sbarrier.arrive $0xFFFF  }
0x79: {  	p0 =	sne.s32 s0, $0x0;
	_ =	strace $0x9000004A  }
0x7a: {  	s0 =	sadd.s32 @!p0 $0x100000, s1;
	[bflag:$0x2] =	sbarrier.arrive $0xFFFF  }
0x7b: {  	[sflag:s0] =	ssyncadd.tile.s32 @!p0 $0x1;
	_ =	shalt  }
.Lfunc_end2:
_tile_overlayer_lowered:
.L_overlay_start_2:
0x7c: {  	(tag) =	ssettag $0x2  }
0x7d: {  	s0 =	rddreg [dreg:$0x0];
	s2 =	stileid.u32  }
0x7e: {  	s1 =	rddreg [dreg:$0x1];
	p0 =	sne.s32 s2, $0x0  }
0x7f: {  	s3 =	rddreg [dreg:$0x2];
	[bflag:$0x3] =	sbarrier.arrive $0xFFFF;
	s2 =	simm.s32 @!p0 $0x1C02  }
0x80: {  	[timem:s3], [sflag:s2] =	dma.local @!p0 [hbm:s0], s1  }
0x81: {  	s0 =	simm.s32 @!p0 $0x2  }
0x82: {  	_ =	swait.ge @!p0 [sflag:s0], s1  }
0x83: {  	s1 =	ssub.s32 @!p0 $0x0, s1;
	[sflag:s0] =	ssyncset.done @!p0 $0x0  }
0x84: {  	[sflag:s0] =	ssyncadd.s32 @!p0 s1  }
0x85: {  	[bflag:$0x3] =	sbarrier.arrive $0xFFFF  }
0x86: {  	_ =	shalt  }

// kernel: kernel.15.cloned.1.call-start
scs
__scs_entry_jumppad:
0x0: {  	(pc) =	sbr.rel $0x88, $3  }
0x1: {  	(tag) =	ssettag $0x0;
	lr =	simm.s32 $0x1  }
0x2: {  	[smem:$0x3F86] =	sst lr;
	_ =	strace $0xD0000000  }
0x3: {  	_ = 	snop  }
0x4: {  	_ = 	snop  }
0x5: {  	_ = 	snop  }
0x6: {  	_ = 	snop  }
0x7: {  	_ = 	snop  }
__scs_overlays_trampoline_lowered:
0x8: {  	[smem:$0x3F95] =	sst s0  }
0x9: {  	[smem:$0x3F96] =	sst s1  }
0xa: {  	[smem:$0x3F97] =	sst s2  }
0xb: {  	[smem:$0x3F98] =	sst s3  }
0xc: {  	[smem:$0x3F99] =	sst s4  }
0xd: {  	[smem:$0x3F9A] =	sst s5  }
0xe: {  	[smem:$0x3F9B] =	sst s6  }
0xf: {  	[smem:$0x3F9C] =	sst s7  }
0x10: {  	[smem:$0x3F9D] =	sst s8  }
0x11: {  	[smem:$0x3F9E] =	sst s9;
	s0 =	simm.s32 @!p0 $0x0  }
0x12: {  	s1 =	sld [smem:$0x3F84];
	s0 =	simm.s32 @p0 $0x1  }
0x13: {  	[smem:$0x3F9F] =	sst s0;
	s0 =	simm.s32 @!p1 $0x0  }
0x14: {  	s2 =	sld [smem:$0x3F83];
	s0 =	simm.s32 @p1 $0x1  }
0x15: {  	[smem:$0x3FA0] =	sst s0;
	s0 =	simm.s32 @!p2 $0x0  }
0x16: {  	s3 =	sld [smem:$0x3FDB];
	s0 =	simm.s32 @p2 $0x1  }
0x17: {  	s4 =	simm.s32 $0x1BF5;
	[smem:$0x3FA2] =	sst s0  }
0x18: {  	s0 =	sld [smem:$0x3F85];
	_ =	swait.ge [sflag:s4], $0x0  }
0x19: {  	s7 =	sld [smem:$0x3F86]  }
0x1a: {  	s8 =	sadd.s32 $0xFFFFE003, lr  }
0x1b: {  	s9 =	sadd.s32 $0xFFFFFEF7, lr;
	s5 =	simm.s32 $0xFFFFFFFF;
	p2 =	slt.u32 s8, $0xFFFFF086  }
0x1c: {  	p1 =	slt.u32 s9, $0xF7A;
	s5 =	simm.s32 @!p2 $0x0  }
0x1d: {  	s5 =	simm.s32 @p1 $0x1;
	p0 =	seq.s32 s7, s2  }
0x1e: {  	s7 =	smul.u32 @!p0 $0xF7A, s2;
	p2 =	seq.s32 @!p0 s5, $0x0  }
0x1f: {  	s9 =	smul.u32 $0xF7A, s1;
	s8 =	simm.s32 @!p0 $0x1BF5;
	p2 =	por !p2, p0  }
0x20: {  	[sflag:s8] =	ssyncset.s32 @!p0 $0xFFFFF086;
	s6 =	sadd.s32 @!p0 s3, s7;
	s7 =	simm.s32 @!p0 $0x108  }
0x21: {  	s3 =	sadd.s32 s3, s9;
	s6 =	sadd.s32 @!p0 $0x88, s6;
	s7 =	simm.s32 @p2 $0x1082  }
0x22: {  	[simem:s7], [sflag:s8] =	dma.local @!p0 [hbm:s6], $0xF7A  }
0x23: {  	s9 =	sor.u32 $0xD0000000, s2;
	s6 =	simm.s32 $0x108;
	_ =	swait.ge @!p0 [sflag:s8], $0x0  }
0x24: {  	s3 =	sadd.s32 $0x88, s3;
	s6 =	simm.s32 @!p1 $0x1082;
	[sflag:s4] =	ssyncset.s32 $0xFFFFF086  }
0x25: {  	[simem:s6], [sflag:s4] =	dma.local [hbm:s3], $0xF7A  }
0x26: {  	[smem:$0x3F86] =	sst s1;
	(tag) =	ssettag s2;
	_ =	strace s9  }
0x27: {  	s1 =	sld [smem:$0x3F96]  }
0x28: {  	s2 =	sld [smem:$0x3F97]  }
0x29: {  	s4 =	sld [smem:$0x3F99]  }
0x2a: {  	p0 =	seq.s32 s5, $0x0;
	s5 =	sld [smem:$0x3F9A]  }
0x2b: {  	s6 =	sld [smem:$0x3F9B]  }
0x2c: {  	s7 =	sld [smem:$0x3F9C]  }
0x2d: {  	s3 =	simm.s32 $0x108;
	s8 =	sld [smem:$0x3F9D]  }
0x2e: {  	s3 =	simm.s32 @!p0 $0x1082;
	s9 =	sld [smem:$0x3F9E]  }
0x2f: {  	lr =	sadd.s32 s0, s3;
	s0 =	sld [smem:$0x3F95]  }
0x30: {  	s3 =	sld [smem:$0x3F98]  }
0x31: {  	[smem:$0x3FA1] =	sst s10  }
0x32: {  	s10 =	sld [smem:$0x3F9F];
	_ =	sdelay $0x3  }
0x33: {  	p0 =	seq.s32 s10, $0x1;
	s10 =	sld [smem:$0x3FA1];
	_ =	sdelay $0x3  }
0x34: {  	[smem:$0x3FA1] =	sst s10  }
0x35: {  	s10 =	sld [smem:$0x3FA0];
	_ =	sdelay $0x3  }
0x36: {  	p1 =	seq.s32 s10, $0x1;
	s10 =	sld [smem:$0x3FA1];
	_ =	sdelay $0x3  }
0x37: {  	[smem:$0x3FA1] =	sst s10  }
0x38: {  	s10 =	sld [smem:$0x3FA2]  }
0x39: {  	_ = 	snop;
	(pc) =	sbr.ind lr, $3  }
0x3a: {  	_ = 	snop  }
0x3b: {  	_ = 	snop  }
0x3c: {  	p2 =	seq.s32 s10, $0x1;
	s10 =	sld [smem:$0x3FA1]  }
0x3d: {  	_ =	shalt  }
0x3e: {  	_ =	shalt  }
0x3f: {  	_ =	shalt  }
0x40: {  	_ =	shalt  }
0x41: {  	_ =	shalt  }
0x42: {  	_ =	shalt  }
0x43: {  	_ =	shalt  }
0x44: {  	_ =	shalt  }
0x45: {  	_ =	shalt  }
0x46: {  	_ =	shalt  }
0x47: {  	_ =	shalt  }
0x48: {  	_ =	shalt  }
0x49: {  	_ =	shalt  }
0x4a: {  	_ =	shalt  }
0x4b: {  	_ =	shalt  }
0x4c: {  	_ =	shalt  }
0x4d: {  	_ =	shalt  }
0x4e: {  	_ =	shalt  }
0x4f: {  	_ =	shalt  }
0x50: {  	_ =	shalt  }
0x51: {  	_ =	shalt  }
0x52: {  	_ =	shalt  }
0x53: {  	_ =	shalt  }
0x54: {  	_ =	shalt  }
0x55: {  	_ =	shalt  }
0x56: {  	_ =	shalt  }
0x57: {  	_ =	shalt  }
0x58: {  	_ =	shalt  }
0x59: {  	_ =	shalt  }
0x5a: {  	_ =	shalt  }
0x5b: {  	_ =	shalt  }
0x5c: {  	_ =	shalt  }
0x5d: {  	_ =	shalt  }
0x5e: {  	_ =	shalt  }
0x5f: {  	_ =	shalt  }
0x60: {  	_ =	shalt  }
0x61: {  	_ =	shalt  }
0x62: {  	_ =	shalt  }
0x63: {  	_ =	shalt  }
0x64: {  	_ =	shalt  }
0x65: {  	_ =	shalt  }
0x66: {  	_ =	shalt  }
0x67: {  	_ =	shalt  }
0x68: {  	_ =	shalt  }
0x69: {  	_ =	shalt  }
0x6a: {  	_ =	shalt  }
0x6b: {  	_ =	shalt  }
0x6c: {  	_ =	shalt  }
0x6d: {  	_ =	shalt  }
0x6e: {  	_ =	shalt  }
0x6f: {  	_ =	shalt  }
0x70: {  	_ =	shalt  }
0x71: {  	_ =	shalt  }
0x72: {  	_ =	shalt  }
0x73: {  	_ =	shalt  }
0x74: {  	_ =	shalt  }
0x75: {  	_ =	shalt  }
0x76: {  	_ =	shalt  }
0x77: {  	_ =	shalt  }
0x78: {  	_ =	shalt  }
0x79: {  	_ =	shalt  }
0x7a: {  	_ =	shalt  }
0x7b: {  	_ =	shalt  }
0x7c: {  	_ =	shalt  }
0x7d: {  	_ =	shalt  }
0x7e: {  	_ =	shalt  }
0x7f: {  	_ =	shalt  }
0x80: {  	_ =	shalt  }
0x81: {  	_ =	shalt  }
0x82: {  	_ =	shalt  }
0x83: {  	_ =	shalt  }
0x84: {  	_ =	shalt  }
0x85: {  	_ =	shalt  }
0x86: {  	_ =	shalt  }
0x87: {  	_ =	shalt  }
.Lfunc_end0:
.L_simem_size_0:
called_computation.2_lowered:
.L_overlay_start_0:
0x88: {  	s2 =	sld [smem:$0x3FD9]  }
0x89: {  	s3 =	sld [smem:$0x3FFE];
	_ =	sdelay $0x1  }
0x8a: {  	s1 =	srdreg.scid  }
0x8b: {  	s0 =	sand.u32 $0x1, s1  }
0x8c: {  	s16 =	sshll.u32 s0, $0xA;
	s2 =	sadd.s32 s3, s2  }
0x8d: {  	s2 =	sadd.s32 s2, s16  }
0x8e: {  	[smem:$0x3FAD] =	sst s2  }
0x8f: {  	_ = 	snop  }
0x90: {  	(tm) =	ssettm $0x1  }
0x91: {  	s17 =	sld [smem:$0x3FFB];
	_ =	sdelay $0x3  }
0x92: {  	_ =	strace s17  }
0x93: {  	s2 =	sld [smem:$0x3FFC];
	_ =	sdelay $0x3  }
0x94: {  	_ =	strace s2  }
0x95: {  	s2 =	sld [smem:$0x3FFD];
	_ =	sdelay $0x3  }
0x96: {  	_ =	strace s2  }
0x97: {  	_ =	strace $0x8FFFFFFF  }
0x98: {  	s18 =	sld [smem:$0x3FDB];
	_ =	sdelay $0x1  }
0x99: {  	s19 =	simm.s32 $_scs_section_size  }
0x9a: {  	s4 =	simm.s32 $_size__tile_overlayer_lowered;
	s5 =	simm.s32 $_tile_overlayer_lowered  }
0x9b: {  	s22 =	simm.s32 $0x1BFF;
	s21 =	sshll.u32 s5, $0x1;
	s2 =	sadd.s32 s19, s18  }
0x9c: {  	s6 =	simm.s32 $0x0;
	s20 =	sshll.u32 s4, $0x1;
	s4 =	sadd.s32 s21, s2  }
0x9d: {  	[timem:s6], [sflag:s22] =	dma.local [hbm:s4], s20  }
0x9e: {  	_ =	swait.ge [sflag:s22], s20  }
0x9f: {  	s3 =	ssub.s32 $0x0, s20;
	[sflag:s22] =	ssyncset.done $0x0  }
0xa0: {  	[sflag:s22] =	ssyncadd.s32 s3;
	_ =	sdelay $0x1  }
0xa1: {  	s23 =	simm.s32 $0x1B8B  }
0xa2: {  	_ =	swait.ge [sflag:s23], $0x1  }
0xa3: {  	[sflag:s23] =	ssyncset.done $0x0  }
0xa4: {  	s25 =	simm.s32 $0x1B8E;
	s24 =	sld [smem:$0x3FFE];
	[sflag:s23] =	ssyncadd.s32 $0xFFFFFFFF  }
0xa5: {  	s26 =	simm.s32 $execute0_lowered;
	[smem:$0x3FD2] =	sst s25  }
0xa6: {  	s4 =	sshll.u32 s26, $0x1;
	_ =	strace $0x80000046;
	[dreg:$0x1] =	wrdreg $0xFFFFFFFF  }
0xa7: {  	s28 =	simm.s32 $_size_execute0_lowered;
	s2 =	sadd.s32 s2, s4;
	[dreg:$0x0] =	wrdreg $0x0  }
0xa8: {  	s4 =	sshll.u32 s28, $0x1;
	[dreg:$0x2] =	wrdreg s2  }
0xa9: {  	[dreg:$0x3] =	wrdreg s4  }
0xaa: {  	[dreg:$0x4] =	wrdreg $0xC0  }
0xab: {  	_ =	task [dreg:s6], $0x5FFFF  }
0xac: {  	[dreg:$0x1] =	wrdreg $0xFFFFFFFF  }
0xad: {  	[dreg:$0x0] =	wrdreg $0x60  }
0xae: {  	[dreg:$0x2] =	wrdreg s24  }
0xaf: {  	[dreg:$0x3] =	wrdreg $0xB  }
0xb0: {  	_ =	task.clear_ibuf [dreg:s6], $0x4FFFF;
	_ =	strace $0x90000046  }
0xb1: {  	s29 =	simm.s32 $0xB;
	_ =	strace $0x80000048  }
0xb2: {  	_ =	swait.ge [sflag:s29], $0x1  }
0xb3: {  	[sflag:s29] =	ssyncadd.s32 $0xFFFFFFFF  }
0xb4: {  	_ =	strace $0x90000048  }
0xb5: {  	_ =	sfence  }
0xb6: {  	s30 =	sld [smem:$0x0];
	_ =	sdelay $0x2  }
0xb7: {  	s31 =	sshll.u32 s1, $0xD;
	s1 =	sshrl.u32 s1, $0x2  }
0xb8: {  	s3 =	sand.u32 $0x4000, s31;
	s1 =	sadd.s32 s1, s30  }
0xb9: {  	s0 =	sor.u32 s3, s0;
	s1 =	sshll.u32 s1, $0x11  }
0xba: {  	s0 =	sor.u32 s1, s0  }
0xbb: {  	s0 =	sadd.s32 $0x8F2B, s0  }
0xbc: {  	[sflag:s0] =	ssyncadd.remote.s32 $0x1  }
0xbd: {  	_ =	sfence.sel $0xFFFF  }
0xbe: {  	[dreg:$0x0] =	wrdreg $0xFFFFFFFF;
	(pc) =	sbr.abs _section_cstart, $3  }
0xbf: {  	[dreg:$0x1] =	wrdreg $0xFFFFFFFF  }
0xc0: {  	_ =	task.clear_ibuf [dreg:s6], $0x2FFFF;
	_ =	strace $0x9FFFFFFF  }
0xc1: {  	(tm) =	ssettm $0x7FFFFFFF  }
tec
execute0_lowered:
.L_overlay_start_1:
0x0: {  	(tag) =	ssettag $0x1  }
0x1: {  	s1 =	srdreg.scid;
	s0 =	stileid.u32  }
0x2: {  	s4 =	rddreg [dreg:$0x0];
	s2 =	simm.s32 $0x0;
	s9 =	simm.s32 $0x880  }
0x3: {  	s10 =	simm.s32 $0x1;
	s11 =	simm.s32 $0x0;
	s3 =	sand.u32 $0x1, s1  }
0x4: {  	s30 =	sshll.u32 s0, $0x1;
	s6 =	smul.u32 $0x88000, s0;
	[smem:$0x7FF] =	sst s2  }
0x5: {  	s1 =	sor.u32 s3, s30;
	s7 =	smul.u32 $0x44000, s3;
	s8 =	ssub.s32 $0x2, s3  }
0x6: {  	s3 =	sadd.s32 $0x49A800, s4;
	s5 =	smul.u32 $0x110, s1;
	s1 =	rddreg [dreg:$0x1]  }
0x7: {  	_ =	strace $0x80000047;
	s31 =	sshrl.u32 s8, $0x1;
	s6 =	sadd.s32 s7, s6  }
0x8: {  	s7 =	ssub.s32 s8, s31;
	s5 =	sadd.s32 s5, s4;
	s6 =	sshrl.u32 s6, $0x3  }
0x9: {  	s8 =	simm.s32 $0x80;
	s6 =	sadd.s32 s6, s4;
	s4 =	sadd.s32 $0x4800, s5  }
0xa: {  	s5 =	smax.u32 s7, $0x1;
	s7 =	simm.s32 $0x2;
	s6 =	sadd.s32 $0x621200, s6  }
.LBB2_1:
0xb: {  	[tilespmem:s2], [sflag:$0x2] =	stream.linear.gather [hbm4b:s4+s2], $0x880, $0x38;
	[tilespmem:$0x4880] =	vst v63  }
0xc: {  	_ =	swait.ge [sflag:s7], $0x880  }
0xd: {  	[sflag:s7] =	ssyncset.done $0x0  }
0xe: {  	s12 =	simm.s32 $0x0;
	[sflag:s7] =	ssyncadd.s32 $0xFFFFF780  }
0xf: {  	[tilespmem:s9], [sflag:$0x1] =	stream.indirect.gather [hbm4b:s3+s8], $0x80, s12, s8, $0xb8;
	[tilespmem:$0x4880] =	vst v63  }
0x10: {  	_ =	swait.ge [sflag:s10], $0x4000  }
0x11: {  	[sflag:s10] =	ssyncset.done $0x0  }
0x12: {  	[sflag:s10] =	ssyncadd.s32 $0xFFFFC000  }
0x13: {  	[hbm4b:s6+s2] =	stream.linear.scatter [tilespmem:s9], [sflag:$0x2], $0x4000, $0x38;
	[tilespmem:$0x4880] =	vst v63  }
0x14: {  	s13 =	simm.s32 $0x200;
	_ =	swait.ge [sflag:s7], $0x4000  }
0x15: {  	s14 =	simm.s32 $0x400;
	s12 =	sadd.s32 $0x800, s6;
	[sflag:s7] =	ssyncset.done $0x0  }
.LBB2_2:
0x16: {  	s15 =	sshra.s32 s13, $0x2  }
0x17: {  	[sflag:s7] =	ssyncadd.s32 $0xFFFFC000;
	s13 =	smov.u32 s14;
	s16 =	sadd.s32 $0x200, s14  }
0x18: {  	[tilespmem:s9], [sflag:$0x1] =	stream.indirect.gather [hbm4b:s3+s8], $0x80, s15, s8, $0xb8;
	[tilespmem:$0x4880] =	vst v63  }
0x19: {  	p0 =	sne.s32 s14, $0x2000;
	_ =	swait.ge [sflag:s10], $0x4000  }
.Ltmp0:
0x1a: {  	[sflag:s10] =	ssyncset.done $0x0;
	(pc) =	sbr.rel @p0 .LBB2_2-.Ltmp0, $4  }
0x1b: {  	[sflag:s10] =	ssyncadd.s32 $0xFFFFC000  }
0x1c: {  	[hbm4b:s12+s2] =	stream.linear.scatter [tilespmem:s9], [sflag:$0x2], $0x4000, $0x38;
	[tilespmem:$0x4880] =	vst v63  }
0x1d: {  	_ =	swait.ge [sflag:s7], $0x4000  }
0x1e: {  	s14 =	smov.u32 s16;
	s12 =	sadd.s32 $0x800, s12;
	[sflag:s7] =	ssyncset.done $0x0  }
0x1f: {  	s13 =	sshra.s32 s13, $0x2;
	[sflag:s7] =	ssyncadd.s32 $0xFFFFC000  }
0x20: {  	[tilespmem:s9], [sflag:$0x1] =	stream.indirect.gather [hbm4b:s3+s8], $0x80, s13, s8, $0xb8;
	[tilespmem:$0x4880] =	vst v63  }
0x21: {  	s11 =	sadd.s32 $0x1, s11;
	_ =	swait.ge [sflag:s10], $0x4000  }
0x22: {  	p0 =	sne.s32 s11, s5;
	[sflag:s10] =	ssyncset.done $0x0  }
.Ltmp1:
0x23: {  	[sflag:s10] =	ssyncadd.s32 $0xFFFFC000;
	(pc) =	sbr.rel @p0 .LBB2_1-.Ltmp1, $4  }
0x24: {  	[hbm4b:s12+s2] =	stream.linear.scatter [tilespmem:s9], [sflag:$0x2], $0x4000, $0x38;
	[tilespmem:$0x4880] =	vst v63  }
0x25: {  	_ =	swait.ge [sflag:s7], $0x4000  }
0x26: {  	[sflag:s7] =	ssyncset.done $0x0  }
0x27: {  	[sflag:s7] =	ssyncadd.s32 $0xFFFFC000  }
0x28: {  	_ =	sfence.sel $0x180000  }
0x29: {  	[bflag:$0x0] =	sbarrier.arrive $0xFFFF  }
0x2a: {  	p0 =	sne.s32 s0, $0x0;
	_ =	strace $0x90000047  }
0x2b: {  	s0 =	sadd.s32 @!p0 $0x100000, s1;
	[bflag:$0x2] =	sbarrier.arrive $0xFFFF  }
0x2c: {  	[sflag:s0] =	ssyncadd.tile.s32 @!p0 $0x1;
	_ =	shalt  }
.Lfunc_end2:
_tile_overlayer_lowered:
.L_overlay_start_2:
0x2d: {  	(tag) =	ssettag $0x2  }
0x2e: {  	s0 =	rddreg [dreg:$0x0];
	s2 =	stileid.u32  }
0x2f: {  	s1 =	rddreg [dreg:$0x1];
	p0 =	sne.s32 s2, $0x0  }
0x30: {  	s3 =	rddreg [dreg:$0x2];
	[bflag:$0x3] =	sbarrier.arrive $0xFFFF;
	s2 =	simm.s32 @!p0 $0x1C02  }
0x31: {  	[timem:s3], [sflag:s2] =	dma.local @!p0 [hbm:s0], s1  }
0x32: {  	s0 =	simm.s32 @!p0 $0x2  }
0x33: {  	_ =	swait.ge @!p0 [sflag:s0], s1  }
0x34: {  	s1 =	ssub.s32 @!p0 $0x0, s1;
	[sflag:s0] =	ssyncset.done @!p0 $0x0  }
0x35: {  	[sflag:s0] =	ssyncadd.s32 @!p0 s1  }
0x36: {  	[bflag:$0x3] =	sbarrier.arrive $0xFFFF  }
0x37: {  	_ =	shalt  }

// kernel: kernel.9.cloned.1.call-start
scs
__scs_entry_jumppad:
0x0: {  	(pc) =	sbr.rel $0x88, $3  }
0x1: {  	(tag) =	ssettag $0x0;
	lr =	simm.s32 $0x1  }
0x2: {  	[smem:$0x3F86] =	sst lr;
	_ =	strace $0xD0000000  }
0x3: {  	_ = 	snop  }
0x4: {  	_ = 	snop  }
0x5: {  	_ = 	snop  }
0x6: {  	_ = 	snop  }
0x7: {  	_ = 	snop  }
__scs_overlays_trampoline_lowered:
0x8: {  	[smem:$0x3F95] =	sst s0  }
0x9: {  	[smem:$0x3F96] =	sst s1  }
0xa: {  	[smem:$0x3F97] =	sst s2  }
0xb: {  	[smem:$0x3F98] =	sst s3  }
0xc: {  	[smem:$0x3F99] =	sst s4  }
0xd: {  	[smem:$0x3F9A] =	sst s5  }
0xe: {  	[smem:$0x3F9B] =	sst s6  }
0xf: {  	[smem:$0x3F9C] =	sst s7  }
0x10: {  	[smem:$0x3F9D] =	sst s8  }
0x11: {  	[smem:$0x3F9E] =	sst s9;
	s0 =	simm.s32 @!p0 $0x0  }
0x12: {  	s1 =	sld [smem:$0x3F84];
	s0 =	simm.s32 @p0 $0x1  }
0x13: {  	[smem:$0x3F9F] =	sst s0;
	s0 =	simm.s32 @!p1 $0x0  }
0x14: {  	s2 =	sld [smem:$0x3F83];
	s0 =	simm.s32 @p1 $0x1  }
0x15: {  	[smem:$0x3FA0] =	sst s0;
	s0 =	simm.s32 @!p2 $0x0  }
0x16: {  	s3 =	sld [smem:$0x3FDB];
	s0 =	simm.s32 @p2 $0x1  }
0x17: {  	s4 =	simm.s32 $0x1BF5;
	[smem:$0x3FA2] =	sst s0  }
0x18: {  	s0 =	sld [smem:$0x3F85];
	_ =	swait.ge [sflag:s4], $0x0  }
0x19: {  	s7 =	sld [smem:$0x3F86]  }
0x1a: {  	s8 =	sadd.s32 $0xFFFFE003, lr  }
0x1b: {  	s9 =	sadd.s32 $0xFFFFFEF7, lr;
	s5 =	simm.s32 $0xFFFFFFFF;
	p2 =	slt.u32 s8, $0xFFFFF086  }
0x1c: {  	p1 =	slt.u32 s9, $0xF7A;
	s5 =	simm.s32 @!p2 $0x0  }
0x1d: {  	s5 =	simm.s32 @p1 $0x1;
	p0 =	seq.s32 s7, s2  }
0x1e: {  	s7 =	smul.u32 @!p0 $0xF7A, s2;
	p2 =	seq.s32 @!p0 s5, $0x0  }
0x1f: {  	s9 =	smul.u32 $0xF7A, s1;
	s8 =	simm.s32 @!p0 $0x1BF5;
	p2 =	por !p2, p0  }
0x20: {  	[sflag:s8] =	ssyncset.s32 @!p0 $0xFFFFF086;
	s6 =	sadd.s32 @!p0 s3, s7;
	s7 =	simm.s32 @!p0 $0x108  }
0x21: {  	s3 =	sadd.s32 s3, s9;
	s6 =	sadd.s32 @!p0 $0x88, s6;
	s7 =	simm.s32 @p2 $0x1082  }
0x22: {  	[simem:s7], [sflag:s8] =	dma.local @!p0 [hbm:s6], $0xF7A  }
0x23: {  	s9 =	sor.u32 $0xD0000000, s2;
	s6 =	simm.s32 $0x108;
	_ =	swait.ge @!p0 [sflag:s8], $0x0  }
0x24: {  	s3 =	sadd.s32 $0x88, s3;
	s6 =	simm.s32 @!p1 $0x1082;
	[sflag:s4] =	ssyncset.s32 $0xFFFFF086  }
0x25: {  	[simem:s6], [sflag:s4] =	dma.local [hbm:s3], $0xF7A  }
0x26: {  	[smem:$0x3F86] =	sst s1;
	(tag) =	ssettag s2;
	_ =	strace s9  }
0x27: {  	s1 =	sld [smem:$0x3F96]  }
0x28: {  	s2 =	sld [smem:$0x3F97]  }
0x29: {  	s4 =	sld [smem:$0x3F99]  }
0x2a: {  	p0 =	seq.s32 s5, $0x0;
	s5 =	sld [smem:$0x3F9A]  }
0x2b: {  	s6 =	sld [smem:$0x3F9B]  }
0x2c: {  	s7 =	sld [smem:$0x3F9C]  }
0x2d: {  	s3 =	simm.s32 $0x108;
	s8 =	sld [smem:$0x3F9D]  }
0x2e: {  	s3 =	simm.s32 @!p0 $0x1082;
	s9 =	sld [smem:$0x3F9E]  }
0x2f: {  	lr =	sadd.s32 s0, s3;
	s0 =	sld [smem:$0x3F95]  }
0x30: {  	s3 =	sld [smem:$0x3F98]  }
0x31: {  	[smem:$0x3FA1] =	sst s10  }
0x32: {  	s10 =	sld [smem:$0x3F9F];
	_ =	sdelay $0x3  }
0x33: {  	p0 =	seq.s32 s10, $0x1;
	s10 =	sld [smem:$0x3FA1];
	_ =	sdelay $0x3  }
0x34: {  	[smem:$0x3FA1] =	sst s10  }
0x35: {  	s10 =	sld [smem:$0x3FA0];
	_ =	sdelay $0x3  }
0x36: {  	p1 =	seq.s32 s10, $0x1;
	s10 =	sld [smem:$0x3FA1];
	_ =	sdelay $0x3  }
0x37: {  	[smem:$0x3FA1] =	sst s10  }
0x38: {  	s10 =	sld [smem:$0x3FA2]  }
0x39: {  	_ = 	snop;
	(pc) =	sbr.ind lr, $3  }
0x3a: {  	_ = 	snop  }
0x3b: {  	_ = 	snop  }
0x3c: {  	p2 =	seq.s32 s10, $0x1;
	s10 =	sld [smem:$0x3FA1]  }
0x3d: {  	_ =	shalt  }
0x3e: {  	_ =	shalt  }
0x3f: {  	_ =	shalt  }
0x40: {  	_ =	shalt  }
0x41: {  	_ =	shalt  }
0x42: {  	_ =	shalt  }
0x43: {  	_ =	shalt  }
0x44: {  	_ =	shalt  }
0x45: {  	_ =	shalt  }
0x46: {  	_ =	shalt  }
0x47: {  	_ =	shalt  }
0x48: {  	_ =	shalt  }
0x49: {  	_ =	shalt  }
0x4a: {  	_ =	shalt  }
0x4b: {  	_ =	shalt  }
0x4c: {  	_ =	shalt  }
0x4d: {  	_ =	shalt  }
0x4e: {  	_ =	shalt  }
0x4f: {  	_ =	shalt  }
0x50: {  	_ =	shalt  }
0x51: {  	_ =	shalt  }
0x52: {  	_ =	shalt  }
0x53: {  	_ =	shalt  }
0x54: {  	_ =	shalt  }
0x55: {  	_ =	shalt  }
0x56: {  	_ =	shalt  }
0x57: {  	_ =	shalt  }
0x58: {  	_ =	shalt  }
0x59: {  	_ =	shalt  }
0x5a: {  	_ =	shalt  }
0x5b: {  	_ =	shalt  }
0x5c: {  	_ =	shalt  }
0x5d: {  	_ =	shalt  }
0x5e: {  	_ =	shalt  }
0x5f: {  	_ =	shalt  }
0x60: {  	_ =	shalt  }
0x61: {  	_ =	shalt  }
0x62: {  	_ =	shalt  }
0x63: {  	_ =	shalt  }
0x64: {  	_ =	shalt  }
0x65: {  	_ =	shalt  }
0x66: {  	_ =	shalt  }
0x67: {  	_ =	shalt  }
0x68: {  	_ =	shalt  }
0x69: {  	_ =	shalt  }
0x6a: {  	_ =	shalt  }
0x6b: {  	_ =	shalt  }
0x6c: {  	_ =	shalt  }
0x6d: {  	_ =	shalt  }
0x6e: {  	_ =	shalt  }
0x6f: {  	_ =	shalt  }
0x70: {  	_ =	shalt  }
0x71: {  	_ =	shalt  }
0x72: {  	_ =	shalt  }
0x73: {  	_ =	shalt  }
0x74: {  	_ =	shalt  }
0x75: {  	_ =	shalt  }
0x76: {  	_ =	shalt  }
0x77: {  	_ =	shalt  }
0x78: {  	_ =	shalt  }
0x79: {  	_ =	shalt  }
0x7a: {  	_ =	shalt  }
0x7b: {  	_ =	shalt  }
0x7c: {  	_ =	shalt  }
0x7d: {  	_ =	shalt  }
0x7e: {  	_ =	shalt  }
0x7f: {  	_ =	shalt  }
0x80: {  	_ =	shalt  }
0x81: {  	_ =	shalt  }
0x82: {  	_ =	shalt  }
0x83: {  	_ =	shalt  }
0x84: {  	_ =	shalt  }
0x85: {  	_ =	shalt  }
0x86: {  	_ =	shalt  }
0x87: {  	_ =	shalt  }
.Lfunc_end0:
.L_simem_size_0:
called_computation_lowered:
.L_overlay_start_0:
0x88: {  	s2 =	sld [smem:$0x3FD9]  }
0x89: {  	s3 =	sld [smem:$0x3FFE];
	_ =	sdelay $0x1  }
0x8a: {  	s1 =	srdreg.scid  }
0x8b: {  	s0 =	sand.u32 $0x1, s1  }
0x8c: {  	s17 =	sshll.u32 s0, $0xA;
	s2 =	sadd.s32 s3, s2  }
0x8d: {  	s2 =	sadd.s32 s2, s17  }
0x8e: {  	[smem:$0x3FAD] =	sst s2  }
0x8f: {  	_ = 	snop  }
0x90: {  	s18 =	sld [smem:$0x3FC4]  }
0x91: {  	s4 =	sld [smem:$0x3FC0];
	(tm) =	ssettm $0x1  }
0x92: {  	s19 =	sld [smem:$0x3FFB];
	_ =	sdelay $0x3  }
0x93: {  	_ =	strace s19  }
0x94: {  	s2 =	sld [smem:$0x3FFC];
	_ =	sdelay $0x3  }
0x95: {  	_ =	strace s2  }
0x96: {  	s2 =	sld [smem:$0x3FFD];
	_ =	sdelay $0x3  }
0x97: {  	_ =	strace s2  }
0x98: {  	_ =	strace $0x8FFFFFFF  }
0x99: {  	s20 =	sld [smem:$0x3FDB];
	_ =	sdelay $0x1  }
0x9a: {  	s5 =	simm.s32 $_scs_section_size  }
0x9b: {  	s6 =	simm.s32 $_size__tile_overlayer_lowered;
	s7 =	simm.s32 $_tile_overlayer_lowered  }
0x9c: {  	s8 =	simm.s32 $0x1BFF;
	s21 =	sshll.u32 s7, $0x1;
	s5 =	sadd.s32 s5, s20  }
0x9d: {  	s22 =	simm.s32 $0x0;
	s6 =	sshll.u32 s6, $0x1;
	s7 =	sadd.s32 s21, s5  }
0x9e: {  	[timem:s22], [sflag:s8] =	dma.local [hbm:s7], s6  }
0x9f: {  	_ =	swait.ge [sflag:s8], s6  }
0xa0: {  	s6 =	ssub.s32 $0x0, s6;
	[sflag:s8] =	ssyncset.done $0x0  }
0xa1: {  	[sflag:s8] =	ssyncadd.s32 s6;
	_ =	sdelay $0x1  }
0xa2: {  	s23 =	simm.s32 $0x1B8B  }
0xa3: {  	_ =	swait.ge [sflag:s23], $0x1  }
0xa4: {  	[sflag:s23] =	ssyncset.done $0x0  }
0xa5: {  	[sflag:s23] =	ssyncadd.s32 $0xFFFFFFFF  }
0xa6: {  	s6 =	sld [smem:$0x0]  }
0xa7: {  	s7 =	sand.u32 $0xFFFFFFFE, s1  }
0xa8: {  	p0 =	sne.s32 s1, s7  }
0xa9: {  	s7 =	sshll.u32 @p0 s7, $0xE  }
0xaa: {  	s7 =	sadd.s32 @p0 $0x11B8D, s7;
	s8 =	sshll.u32 @p0 s6, $0x11  }
0xab: {  	s7 =	sor.u32 @p0 s8, s7  }
0xac: {  	[sflag:s7] =	ssyncadd.remote.s32 @p0 $0x1;
	_ =	sdelay $0x1  }
0xad: {  	s7 =	simm.s32 @p0 $0x1B8D  }
0xae: {  	_ =	swait.eq @p0 [sflag:s7], $0x1  }
0xaf: {  	[sflag:s7] =	ssyncadd.s32 @p0 $0xFFFFFFFF  }
0xb0: {  	s8 =	sshll.u32 @!p0 s1, $0xE  }
0xb1: {  	s8 =	sor.u32 @!p0 $0x4000, s8;
	s7 =	simm.s32 @!p0 $0x1B8D  }
0xb2: {  	s6 =	sshll.u32 @!p0 s6, $0x11;
	s8 =	sadd.s32 @!p0 $0x11B8D, s8;
	_ =	swait.eq @!p0 [sflag:s7], $0x1  }
0xb3: {  	s6 =	sor.u32 @!p0 s6, s8;
	[sflag:s7] =	ssyncadd.s32 @!p0 $0xFFFFFFFF  }
0xb4: {  	s25 =	simm.s32 $0x1B8E;
	s24 =	sld [smem:$0x3FFE];
	[sflag:s6] =	ssyncadd.remote.s32 @!p0 $0x1  }
0xb5: {  	s26 =	simm.s32 $execute0_lowered;
	[smem:$0x3FD2] =	sst s25  }
0xb6: {  	s7 =	sshll.u32 s26, $0x1;
	_ =	strace $0x8000004C;
	[dreg:$0x1] =	wrdreg $0xFFFFFFFF  }
0xb7: {  	s28 =	simm.s32 $_size_execute0_lowered;
	s5 =	sadd.s32 s5, s7;
	[dreg:$0x0] =	wrdreg $0x0  }
0xb8: {  	s7 =	sshll.u32 s28, $0x1;
	[dreg:$0x2] =	wrdreg s5  }
0xb9: {  	[dreg:$0x3] =	wrdreg s7  }
0xba: {  	[dreg:$0x4] =	wrdreg $0xC0  }
0xbb: {  	_ =	task [dreg:s22], $0x5FFFF  }
0xbc: {  	[dreg:$0x1] =	wrdreg $0xFFFFFFFF  }
0xbd: {  	[dreg:$0x0] =	wrdreg $0x60  }
0xbe: {  	[dreg:$0x2] =	wrdreg s24  }
0xbf: {  	[dreg:$0x3] =	wrdreg s18  }
0xc0: {  	[dreg:$0x4] =	wrdreg s4  }
0xc1: {  	[dreg:$0x5] =	wrdreg $0x9  }
0xc2: {  	_ =	task.clear_ibuf [dreg:s22], $0x6FFFF;
	_ =	strace $0x9000004C  }
0xc3: {  	s29 =	simm.s32 $0x9;
	_ =	strace $0x8000004E  }
0xc4: {  	_ =	swait.ge [sflag:s29], $0x1  }
0xc5: {  	[sflag:s29] =	ssyncadd.s32 $0xFFFFFFFF  }
0xc6: {  	_ =	strace $0x9000004E  }
0xc7: {  	_ =	sfence  }
0xc8: {  	s30 =	sld [smem:$0x0];
	_ =	sdelay $0x2  }
0xc9: {  	s31 =	sshll.u32 s1, $0xD;
	s1 =	sshrl.u32 s1, $0x2  }
0xca: {  	s4 =	sand.u32 $0x4000, s31;
	s1 =	sadd.s32 s1, s30  }
0xcb: {  	s0 =	sor.u32 s4, s0;
	s1 =	sshll.u32 s1, $0x11  }
0xcc: {  	s0 =	sor.u32 s1, s0  }
0xcd: {  	s0 =	sadd.s32 $0x8F2B, s0  }
0xce: {  	[sflag:s0] =	ssyncadd.remote.s32 $0x1  }
0xcf: {  	_ =	sfence.sel $0xFFFF  }
0xd0: {  	[dreg:$0x0] =	wrdreg $0xFFFFFFFF;
	(pc) =	sbr.abs _section_cstart, $3  }
0xd1: {  	[dreg:$0x1] =	wrdreg $0xFFFFFFFF  }
0xd2: {  	_ =	task.clear_ibuf [dreg:s22], $0x2FFFF;
	_ =	strace $0x9FFFFFFF  }
0xd3: {  	(tm) =	ssettm $0x7FFFFFFF  }
tec
execute0_lowered:
.L_overlay_start_1:
0x0: {  	(tag) =	ssettag $0x1  }
0x1: {  	s5 =	rddreg [dreg:$0x0]  }
0x2: {  	s2 =	rddreg [dreg:$0x1]  }
0x3: {  	s3 =	rddreg [dreg:$0x2]  }
0x4: {  	s0 =	rddreg [dreg:$0x3];
	s4 =	srdreg.scid  }
0x5: {  	s1 =	stileid.u32;
	s10 =	simm.s32 $0x80;
	s11 =	simm.s32 $0x880  }
0x6: {  	s12 =	simm.s32 $0x4880;
	s13 =	simm.s32 $0x1;
	s14 =	simm.s32 $0x0  }
0x7: {  	s6 =	sand.u32 $0x1, s4;
	s7 =	sshll.u32 s1, $0x1;
	s8 =	smul.u32 $0x88000, s1  }
0x8: {  	s4 =	simm.s32 $0x0;
	s7 =	sor.u32 s6, s7;
	s9 =	smul.u32 $0x44000, s6  }
0x9: {  	[smem:$0x7FF] =	sst s4;
	s6 =	ssub.s32 $0x2, s6;
	s7 =	smul.u32 $0x110, s7  }
0xa: {  	_ =	strace $0x8000004D;
	s31 =	sshrl.u32 s6, $0x1;
	s8 =	sadd.s32 s9, s8  }
0xb: {  	s6 =	ssub.s32 s6, s31;
	s7 =	sadd.s32 s7, s5;
	s8 =	sshrl.u32 s8, $0x3  }
0xc: {  	s9 =	simm.s32 $0x2;
	s8 =	sadd.s32 s8, s5;
	s5 =	sadd.s32 $0x4800, s7  }
0xd: {  	s6 =	smax.u32 s6, $0x1;
	s7 =	sadd.s32 $0xA61200, s8;
	s8 =	sadd.s32 $0x951200, s8  }
.LBB2_1:
0xe: {  	[tilespmem:s4], [sflag:$0x2] =	stream.linear.gather [hbm4b:s5+s4], $0x880, $0x38;
	[tilespmem:$0x8880] =	vst v63  }
0xf: {  	_ =	swait.ge [sflag:s9], $0x880  }
0x10: {  	[sflag:s9] =	ssyncset.done $0x0  }
0x11: {  	[sflag:s9] =	ssyncadd.s32 $0xFFFFF780  }
0x12: {  	[tilespmem:s11], [sflag:$0x1] =	stream.indirect.gather [hbm4b:s2+s10], $0x80, s4, s10, $0xb8;
	[tilespmem:$0x8880] =	vst v63  }
0x13: {  	_ = 	snop  }
0x14: {  	[tilespmem:s12], [sflag:$0x1] =	stream.indirect.gather [hbm4b:s3+s10], $0x80, s4, s10, $0xb8;
	[tilespmem:$0x8880] =	vst v63  }
0x15: {  	_ =	swait.ge [sflag:s13], $0x4000  }
0x16: {  	[sflag:s13] =	ssyncset.done $0x0  }
0x17: {  	[sflag:s13] =	ssyncadd.s32 $0xFFFFC000  }
0x18: {  	_ =	swait.ge [sflag:s13], $0x4000  }
0x19: {  	[sflag:s13] =	ssyncset.done $0x0  }
0x1a: {  	s15 =	sadd.s32 $0x0, s8;
	[sflag:s13] =	ssyncadd.s32 $0xFFFFC000  }
0x1b: {  	[hbm4b:s15+s4] =	stream.linear.scatter [tilespmem:s11], [sflag:$0x2], $0x4000, $0x38;
	[tilespmem:$0x8880] =	vst v63  }
0x1c: {  	_ =	swait.ge [sflag:s9], $0x4000  }
0x1d: {  	[sflag:s9] =	ssyncset.done $0x0  }
0x1e: {  	s31 =	sadd.s32 $0x0, s7;
	[sflag:s9] =	ssyncadd.s32 $0xFFFFC000  }
0x1f: {  	[hbm4b:s31+s4] =	stream.linear.scatter [tilespmem:s12], [sflag:$0x2], $0x4000, $0x38;
	[tilespmem:$0x8880] =	vst v63  }
0x20: {  	_ =	swait.ge [sflag:s9], $0x4000  }
0x21: {  	s16 =	simm.s32 $0x0;
	s15 =	simm.s32 $0x800;
	[sflag:s9] =	ssyncset.done $0x0  }
.LBB2_2:
0x22: {  	p0 =	sne.s32 s15, $0x8000;
	[sflag:s9] =	ssyncadd.s32 $0xFFFFC000;
	s16 =	sadd.s32 $0x80, s16  }
0x23: {  	[tilespmem:s11], [sflag:$0x1] =	stream.indirect.gather [hbm4b:s2+s10], $0x80, s16, s10, $0xb8;
	[tilespmem:$0x8880] =	vst v63  }
0x24: {  	s17 =	smov.u32 s15;
	s15 =	sadd.s32 $0x800, s15  }
0x25: {  	[tilespmem:s12], [sflag:$0x1] =	stream.indirect.gather [hbm4b:s3+s10], $0x80, s16, s10, $0xb8;
	[tilespmem:$0x8880] =	vst v63  }
0x26: {  	_ =	swait.ge [sflag:s13], $0x4000  }
0x27: {  	[sflag:s13] =	ssyncset.done $0x0  }
0x28: {  	[sflag:s13] =	ssyncadd.s32 $0xFFFFC000  }
0x29: {  	_ =	swait.ge [sflag:s13], $0x4000  }
0x2a: {  	[sflag:s13] =	ssyncset.done $0x0  }
0x2b: {  	s18 =	sadd.s32 s17, s8;
	[sflag:s13] =	ssyncadd.s32 $0xFFFFC000  }
0x2c: {  	[hbm4b:s18+s4] =	stream.linear.scatter [tilespmem:s11], [sflag:$0x2], $0x4000, $0x38;
	[tilespmem:$0x8880] =	vst v63  }
0x2d: {  	_ =	swait.ge [sflag:s9], $0x4000  }
.Ltmp0:
0x2e: {  	[sflag:s9] =	ssyncset.done $0x0;
	(pc) =	sbr.rel @p0 .LBB2_2-.Ltmp0, $4  }
0x2f: {  	s17 =	sadd.s32 s17, s7;
	[sflag:s9] =	ssyncadd.s32 $0xFFFFC000  }
0x30: {  	[hbm4b:s17+s4] =	stream.linear.scatter [tilespmem:s12], [sflag:$0x2], $0x4000, $0x38;
	[tilespmem:$0x8880] =	vst v63  }
0x31: {  	_ =	swait.ge [sflag:s9], $0x4000  }
0x32: {  	[sflag:s9] =	ssyncset.done $0x0  }
0x33: {  	s14 =	sadd.s32 $0x1, s14  }
0x34: {  	p0 =	sne.s32 s14, s6  }
.Ltmp1:
0x35: {  	_ = 	snop;
	(pc) =	sbr.rel @p0 .LBB2_1-.Ltmp1, $2  }
0x36: {  	_ =	sdelay $0x2  }
0x37: {  	[sflag:s9] =	ssyncadd.s32 $0xFFFFC000  }
0x38: {  	_ =	sfence.sel $0x180000  }
0x39: {  	[bflag:$0x0] =	sbarrier.arrive $0xFFFF  }
0x3a: {  	p0 =	sne.s32 s1, $0x0;
	_ =	strace $0x9000004D  }
0x3b: {  	s0 =	sadd.s32 @!p0 $0x100000, s0;
	[bflag:$0x2] =	sbarrier.arrive $0xFFFF  }
0x3c: {  	[sflag:s0] =	ssyncadd.tile.s32 @!p0 $0x1;
	_ =	shalt  }
.Lfunc_end2:
_tile_overlayer_lowered:
.L_overlay_start_2:
0x3d: {  	(tag) =	ssettag $0x2  }
0x3e: {  	s0 =	rddreg [dreg:$0x0];
	s2 =	stileid.u32  }
0x3f: {  	s1 =	rddreg [dreg:$0x1];
	p0 =	sne.s32 s2, $0x0  }
0x40: {  	s3 =	rddreg [dreg:$0x2];
	[bflag:$0x3] =	sbarrier.arrive $0xFFFF;
	s2 =	simm.s32 @!p0 $0x1C02  }
0x41: {  	[timem:s3], [sflag:s2] =	dma.local @!p0 [hbm:s0], s1  }
0x42: {  	s0 =	simm.s32 @!p0 $0x2  }
0x43: {  	_ =	swait.ge @!p0 [sflag:s0], s1  }
0x44: {  	s1 =	ssub.s32 @!p0 $0x0, s1;
	[sflag:s0] =	ssyncset.done @!p0 $0x0  }
0x45: {  	[sflag:s0] =	ssyncadd.s32 @!p0 s1  }
0x46: {  	[bflag:$0x3] =	sbarrier.arrive $0xFFFF  }
0x47: {  	_ =	shalt  }

</sc_bundles>
